<compile_context>
chip_gen: v7x
topology: tpu7x:2x2x1
jax: 0.10.2.dev20260603
libtpu: 0.0.44.dev20260713+nightly
codegen_flags: <defaults>
</compile_context>

<pallas_src>
import jax
import jax.numpy as jnp
from jax import lax
from jax.experimental import pallas as pl
from jax.experimental.pallas import tpu as pltpu, tpu_sc as plsc

_B, _T, _S, _O, _F = 16, 4, 2, 14, 4096
_NSC = 3276
_NSCP = 3328
_NTILE = _NSCP // 128
_INW = _S * _F
_NBT = _B * _T
_NW = 32
_BT_PER_W = _NBT // _NW
_LANES = 16
_NJ = _NSCP // _LANES
_CHUNKS = ((0, 4), (4, 4), (8, 4), (12, 2))
_ROWS_TR = (8, _O - 8)


def _gather_body(in_hbm, tin_hbm, out_hbm, tin_v, in_v0, in_v1, out_s0,
                 out_s1, isem0, isem1, osem):
    c = lax.axis_index("c")
    s = lax.axis_index("s")
    wid = s * 2 + c
    bt0 = wid * _BT_PER_W
    pltpu.sync_copy(tin_hbm, tin_v)

    in_bufs = (in_v0, in_v1)
    out_bufs = (out_s0, out_s1)
    in_sems = (isem0, isem1)

    def start_in(ci):
        g, (o0, no) = divmod(ci, 4)[0], _CHUNKS[ci % 4]
        base = ((bt0 + g) * _O + o0) * _INW
        return pltpu.async_copy(
            in_hbm.at[pl.ds(base, no * _INW)],
            in_bufs[ci % 2].at[pl.ds(0, no * _INW)],
            in_sems[ci % 2],
        )

    def start_out(g, tr):
        bt = bt0 + g
        b, t = bt // _T, bt % _T
        rows = _ROWS_TR[tr]
        copies = []
        for s2 in range(_S):
            copies.append(
                pltpu.async_copy(
                    out_bufs[s2].at[pl.ds(0, rows)],
                    out_hbm.at[b, t, s2, pl.ds(tr * 8, rows)],
                    osem,
                )
            )
        return copies

    def gather_chunk(in_v, o0, no):
        @plsc.parallel_loop(0, _NJ, unroll=4)
        def j_body(j):
            tin = tin_v[pl.ds(j * _LANES, _LANES)]
            c0 = j * _LANES
            for u in range(no):
                r8 = (o0 + u) % 8
                for s2 in range(_S):
                    out_bufs[s2][r8, pl.ds(c0, _LANES)] = (
                        plsc.load_gather(
                            in_v, [tin + (u * _INW + s2 * 128)]
                        )
                    )

    out_copies = None
    in_copies = [None] * (4 * _BT_PER_W)
    in_copies[0] = start_in(0)
    for g in range(_BT_PER_W):
        for tr in range(2):
            for h in range(2):
                ci = g * 4 + tr * 2 + h
                if ci + 1 < 4 * _BT_PER_W:
                    in_copies[ci + 1] = start_in(ci + 1)
                in_copies[ci].wait()
                if h == 0 and out_copies is not None:
                    for cp in out_copies:
                        cp.wait()
                o0, no = _CHUNKS[tr * 2 + h]
                gather_chunk(in_bufs[ci % 2], o0, no)
            out_copies = start_out(g, tr)
    for cp in out_copies:
        cp.wait()


def kernel(inputs, sc_ind):
    x = inputs.transpose(0, 1, 3, 2, 4).reshape(_B, _T, _O, _S, _F // 128,
                                                128)
    x = x.transpose(0, 1, 2, 4, 3, 5).reshape(_NBT * _O * _INW)
    idx32 = sc_ind.astype(jnp.int32)
    idx = jnp.concatenate(
        [idx32, jnp.full((_NSCP - _NSC,), idx32[-1], jnp.int32)]
    )
    tin = (idx >> 7) * 256 + (idx & 127)
    mesh = plsc.VectorSubcoreMesh(core_axis_name="c", subcore_axis_name="s")
    out = pl.kernel(
        _gather_body,
        mesh=mesh,
        compiler_params=pltpu.CompilerParams(
            needs_layout_passes=False, use_tc_tiling_on_sc=True
        ),
        out_type=jax.ShapeDtypeStruct((_B, _T, _S, _O, _NSCP), jnp.float32),
        scratch_types=[
            pltpu.VMEM((_NJ * _LANES,), jnp.int32),
            pltpu.VMEM((4 * _INW,), jnp.float32),
            pltpu.VMEM((4 * _INW,), jnp.float32),
            pltpu.VMEM((8, _NSCP), jnp.float32),
            pltpu.VMEM((8, _NSCP), jnp.float32),
            pltpu.SemaphoreType.DMA,
            pltpu.SemaphoreType.DMA,
            pltpu.SemaphoreType.DMA,
        ],
    )(x, tin)
    return out[..., :_NSC]

# --- scband reference (transcript-rebuilt; emitter-appended) ---
"""Pipeline reference for scband-mash-13297218748844 (READ-ONLY COPY).

The authoritative reference and input builder live on the scoring server;
editing this copy changes nothing except your own understanding.
"""

import jax, jax.numpy as jnp
import numpy as np

# MASH.call: gather effective subcarriers from the resource grid along the last axis.
# Original operates on tf.complex64; we model the identical gather on float32 data
# (the op is dtype-agnostic; complex would simply double the bytes moved).

BATCH = 16
NUM_TX = 4
NUM_STREAMS = 2
NUM_OFDM_SYMBOLS = 14
FFT_SIZE = 4096
NUM_EFFECTIVE_SC = 3276


def setup_inputs(seed: int = 0) -> dict:
    key = jax.random.key(seed)
    k1, k2 = jax.random.split(key)
    inputs = jax.random.normal(
        k1, (BATCH, NUM_TX, NUM_STREAMS, NUM_OFDM_SYMBOLS, FFT_SIZE), dtype=jnp.float32
    )
    # effective_subcarrier_ind: sorted indices into the fft_size axis
    sc_ind = jnp.sort(
        jax.random.randint(k2, (NUM_EFFECTIVE_SC,), 0, FFT_SIZE, dtype=jnp.int64)
    )
    return {"inputs": inputs, "sc_ind": sc_ind}


def reference(inputs, sc_ind):
    # tf.gather(inputs, self._sc_ind, axis=-1)
    return jnp.take(inputs, sc_ind, axis=-1)

if __name__ == "__main__":
    import jax
    _d = setup_inputs()
    print(jax.jit(kernel)(*tuple(_d.values())))

</pallas_src>

<mosaic_0001>
#map = affine_map<(d0, d1) -> (0)>
#map1 = affine_map<(d0, d1) -> (0, 0, 0, 0, 0)>
module attributes {stable_mosaic.version = 14 : i64} {
  func.func @_gather_body(%arg0: i32, %arg1: i32, %arg2: memref<7340032xf32, #tpu.memory_space<hbm>>, %arg3: memref<3328xi32, #tpu.memory_space<hbm>>, %arg4: memref<16x4x2x14x3328xf32, #tpu.memory_space<hbm>>, %arg5: memref<3328xi32, #tpu.memory_space<vmem>>, %arg6: memref<32768xf32, #tpu.memory_space<vmem>>, %arg7: memref<32768xf32, #tpu.memory_space<vmem>>, %arg8: memref<8x3328xf32, #tpu.memory_space<vmem>>, %arg9: memref<8x3328xf32, #tpu.memory_space<vmem>>, %arg10: memref<!tpu.dma_semaphore, #tpu.memory_space<semaphore_mem>>, %arg11: memref<!tpu.dma_semaphore, #tpu.memory_space<semaphore_mem>>, %arg12: memref<!tpu.dma_semaphore, #tpu.memory_space<semaphore_mem>>) attributes {dimension_semantics = [#tpu.dimension_semantics<core_parallel>, #tpu.dimension_semantics<subcore_parallel>], iteration_bounds = array<i64: 2, 16>, scalar_prefetch = 0 : i64, scratch_operands = 8 : i64, tpu.core_type = #tpu.core_type<sc_vector_subcore>, window_params = [{transform_indices = #map}, {transform_indices = #map}, {transform_indices = #map1}]} {
    %mul3A = arith.constant 2 : i32
    %mul3A_0 = arith.muli %arg1, %mul3A : i32
    %add3A = arith.addi %mul3A_0, %arg0 : i32
    %mul3A_1 = arith.constant 2 : i32
    %mul3A_2 = arith.muli %add3A, %mul3A_1 : i32
    "tpu.region"() ({
      %run_scoped3A = tpu.sem_alloc : memref<!tpu.dma_semaphore, #tpu.memory_space<semaphore_mem>>
      tpu.enqueue_dma source(%arg3 : memref<3328xi32, #tpu.memory_space<hbm>>) target(%arg5 : memref<3328xi32, #tpu.memory_space<vmem>>) target_semaphore(%run_scoped3A : memref<!tpu.dma_semaphore, #tpu.memory_space<semaphore_mem>>)
      tpu.wait_dma2 semaphore(%run_scoped3A : memref<!tpu.dma_semaphore, #tpu.memory_space<semaphore_mem>>) src(%arg3 : memref<3328xi32, #tpu.memory_space<hbm>>) dst(%arg5 : memref<3328xi32, #tpu.memory_space<vmem>>)
      tpu.yield
    }) : () -> ()
    %add3A_3 = arith.constant 0 : i32
    %add3A_4 = arith.addi %mul3A_2, %add3A_3 : i32
    %mul3A_5 = arith.constant 14 : i32
    %mul3A_6 = arith.muli %add3A_4, %mul3A_5 : i32
    %add3A_7 = arith.constant 0 : i32
    %add3A_8 = arith.addi %mul3A_6, %add3A_7 : i32
    %mul3A_9 = arith.constant 8192 : i32
    %mul3A_10 = arith.muli %add3A_8, %mul3A_9 : i32
    %dma_start3A = arith.constant 0 : i32
    %dma_start3A_11 = tpu.memref_slice %arg6[%dma_start3A] : memref<32768xf32, #tpu.memory_space<vmem>> -> memref<32768xf32, #tpu.memory_space<vmem>>
    %dma_start3A_12 = tpu.memref_slice %arg2[%mul3A_10] : memref<7340032xf32, #tpu.memory_space<hbm>> -> memref<32768xf32, #tpu.memory_space<hbm>>
    %dma_start3A_13 = arith.constant 0 : i32
    %dma_start3A_14 = tpu.memref_slice %arg6[%dma_start3A_13] : memref<32768xf32, #tpu.memory_space<vmem>> -> memref<32768xf32, #tpu.memory_space<vmem>>
    %dma_start3A_15 = tpu.memref_slice %arg2[%mul3A_10] : memref<7340032xf32, #tpu.memory_space<hbm>> -> memref<32768xf32, #tpu.memory_space<hbm>>
    tpu.enqueue_dma source(%dma_start3A_15 : memref<32768xf32, #tpu.memory_space<hbm>>) target(%dma_start3A_14 : memref<32768xf32, #tpu.memory_space<vmem>>) target_semaphore(%arg10 : memref<!tpu.dma_semaphore, #tpu.memory_space<semaphore_mem>>)
    %add3A_16 = arith.constant 0 : i32
    %add3A_17 = arith.addi %mul3A_2, %add3A_16 : i32
    %mul3A_18 = arith.constant 14 : i32
    %mul3A_19 = arith.muli %add3A_17, %mul3A_18 : i32
    %add3A_20 = arith.constant 4 : i32
    %add3A_21 = arith.addi %mul3A_19, %add3A_20 : i32
    %mul3A_22 = arith.constant 8192 : i32
    %mul3A_23 = arith.muli %add3A_21, %mul3A_22 : i32
    %dma_start3A_24 = arith.constant 0 : i32
    %dma_start3A_25 = tpu.memref_slice %arg7[%dma_start3A_24] : memref<32768xf32, #tpu.memory_space<vmem>> -> memref<32768xf32, #tpu.memory_space<vmem>>
    %dma_start3A_26 = tpu.memref_slice %arg2[%mul3A_23] : memref<7340032xf32, #tpu.memory_space<hbm>> -> memref<32768xf32, #tpu.memory_space<hbm>>
    %dma_start3A_27 = arith.constant 0 : i32
    %dma_start3A_28 = tpu.memref_slice %arg7[%dma_start3A_27] : memref<32768xf32, #tpu.memory_space<vmem>> -> memref<32768xf32, #tpu.memory_space<vmem>>
    %dma_start3A_29 = tpu.memref_slice %arg2[%mul3A_23] : memref<7340032xf32, #tpu.memory_space<hbm>> -> memref<32768xf32, #tpu.memory_space<hbm>>
    tpu.enqueue_dma source(%dma_start3A_29 : memref<32768xf32, #tpu.memory_space<hbm>>) target(%dma_start3A_28 : memref<32768xf32, #tpu.memory_space<vmem>>) target_semaphore(%arg11 : memref<!tpu.dma_semaphore, #tpu.memory_space<semaphore_mem>>)
    %dma_wait3A = arith.constant 0 : i32
    %dma_wait3A_30 = tpu.memref_slice %arg6[%dma_wait3A] : memref<32768xf32, #tpu.memory_space<vmem>> -> memref<32768xf32, #tpu.memory_space<vmem>>
    %dma_wait3A_31 = tpu.memref_slice %arg2[%mul3A_10] : memref<7340032xf32, #tpu.memory_space<hbm>> -> memref<32768xf32, #tpu.memory_space<hbm>>
    %dma_wait3A_32 = arith.constant 0 : i32
    %dma_wait3A_33 = tpu.memref_slice %arg6[%dma_wait3A_32] : memref<32768xf32, #tpu.memory_space<vmem>> -> memref<32768xf32, #tpu.memory_space<vmem>>
    %dma_wait3A_34 = tpu.memref_slice %arg2[%mul3A_10] : memref<7340032xf32, #tpu.memory_space<hbm>> -> memref<32768xf32, #tpu.memory_space<hbm>>
    tpu.wait_dma2 semaphore(%arg10 : memref<!tpu.dma_semaphore, #tpu.memory_space<semaphore_mem>>) src(%dma_wait3A_34 : memref<32768xf32, #tpu.memory_space<hbm>>) dst(%dma_wait3A_33 : memref<32768xf32, #tpu.memory_space<vmem>>)
    %parallel_loop3A = arith.constant 0 : i32
    %parallel_loop3A_35 = arith.constant 208 : i32
    %parallel_loop3A_36 = arith.constant 1 : i32
    scf.for %parallel_loop3A_582 = %parallel_loop3A to %parallel_loop3A_35 step %parallel_loop3A_36  : i32 {
      %parallel_loop3A_583 = arith.constant 16 : i32
      %parallel_loop3A_584 = arith.muli %parallel_loop3A_582, %parallel_loop3A_583 : i32
      %parallel_loop3A_585 = arith.index_cast %parallel_loop3A_584 : i32 to index
      %parallel_loop3A_586 = tpu.vector_load %arg5[%parallel_loop3A_585] {strides = array<i32>} : memref<3328xi32, #tpu.memory_space<vmem>>, vector<16xi32>,
      %parallel_loop3A_587 = arith.constant 16 : i32
      %parallel_loop3A_588 = arith.muli %parallel_loop3A_582, %parallel_loop3A_587 : i32
      %parallel_loop3A_589 = arith.constant 0 : i32
      %parallel_loop3A_590 = vector.broadcast %parallel_loop3A_589 : i32 to vector<16xi32>
      %parallel_loop3A_591 = arith.addi %parallel_loop3A_586, %parallel_loop3A_590 : vector<16xi32>
      %parallel_loop3A_592 = tpu.vector_load_idx %arg6[%parallel_loop3A_591] : memref<32768xf32, #tpu.memory_space<vmem>>[vector<16xi32>], vector<16xf32>,
      %parallel_loop3A_593 = arith.constant 0 : i32
      %parallel_loop3A_594 = arith.index_cast %parallel_loop3A_593 : i32 to index
      %parallel_loop3A_595 = arith.index_cast %parallel_loop3A_588 : i32 to index
      %parallel_loop3A_596 = tpu.vector_load %arg8[%parallel_loop3A_594, %parallel_loop3A_595] {strides = array<i32>} : memref<8x3328xf32, #tpu.memory_space<vmem>>, vector<16xf32>,
      tpu.vector_store %arg8[%parallel_loop3A_594, %parallel_loop3A_595], %parallel_loop3A_592 {strides = array<i32>} : memref<8x3328xf32, #tpu.memory_space<vmem>>, vector<16xf32>,
      %parallel_loop3A_597 = arith.constant 128 : i32
      %parallel_loop3A_598 = vector.broadcast %parallel_loop3A_597 : i32 to vector<16xi32>
      %parallel_loop3A_599 = arith.addi %parallel_loop3A_586, %parallel_loop3A_598 : vector<16xi32>
      %parallel_loop3A_600 = tpu.vector_load_idx %arg6[%parallel_loop3A_599] : memref<32768xf32, #tpu.memory_space<vmem>>[vector<16xi32>], vector<16xf32>,
      %parallel_loop3A_601 = arith.constant 0 : i32
      %parallel_loop3A_602 = arith.index_cast %parallel_loop3A_601 : i32 to index
      %parallel_loop3A_603 = arith.index_cast %parallel_loop3A_588 : i32 to index
      %parallel_loop3A_604 = tpu.vector_load %arg9[%parallel_loop3A_602, %parallel_loop3A_603] {strides = array<i32>} : memref<8x3328xf32, #tpu.memory_space<vmem>>, vector<16xf32>,
      tpu.vector_store %arg9[%parallel_loop3A_602, %parallel_loop3A_603], %parallel_loop3A_600 {strides = array<i32>} : memref<8x3328xf32, #tpu.memory_space<vmem>>, vector<16xf32>,
      %parallel_loop3A_605 = arith.constant 8192 : i32
      %parallel_loop3A_606 = vector.broadcast %parallel_loop3A_605 : i32 to vector<16xi32>
      %parallel_loop3A_607 = arith.addi %parallel_loop3A_586, %parallel_loop3A_606 : vector<16xi32>
      %parallel_loop3A_608 = tpu.vector_load_idx %arg6[%parallel_loop3A_607] : memref<32768xf32, #tpu.memory_space<vmem>>[vector<16xi32>], vector<16xf32>,
      %parallel_loop3A_609 = arith.constant 1 : i32
      %parallel_loop3A_610 = arith.index_cast %parallel_loop3A_609 : i32 to index
      %parallel_loop3A_611 = arith.index_cast %parallel_loop3A_588 : i32 to index
      %parallel_loop3A_612 = tpu.vector_load %arg8[%parallel_loop3A_610, %parallel_loop3A_611] {strides = array<i32>} : memref<8x3328xf32, #tpu.memory_space<vmem>>, vector<16xf32>,
      tpu.vector_store %arg8[%parallel_loop3A_610, %parallel_loop3A_611], %parallel_loop3A_608 {strides = array<i32>} : memref<8x3328xf32, #tpu.memory_space<vmem>>, vector<16xf32>,
      %parallel_loop3A_613 = arith.constant 8320 : i32
      %parallel_loop3A_614 = vector.broadcast %parallel_loop3A_613 : i32 to vector<16xi32>
      %parallel_loop3A_615 = arith.addi %parallel_loop3A_586, %parallel_loop3A_614 : vector<16xi32>
      %parallel_loop3A_616 = tpu.vector_load_idx %arg6[%parallel_loop3A_615] : memref<32768xf32, #tpu.memory_space<vmem>>[vector<16xi32>], vector<16xf32>,
      %parallel_loop3A_617 = arith.constant 1 : i32
      %parallel_loop3A_618 = arith.index_cast %parallel_loop3A_617 : i32 to index
      %parallel_loop3A_619 = arith.index_cast %parallel_loop3A_588 : i32 to index
      %parallel_loop3A_620 = tpu.vector_load %arg9[%parallel_loop3A_618, %parallel_loop3A_619] {strides = array<i32>} : memref<8x3328xf32, #tpu.memory_space<vmem>>, vector<16xf32>,
      tpu.vector_store %arg9[%parallel_loop3A_618, %parallel_loop3A_619], %parallel_loop3A_616 {strides = array<i32>} : memref<8x3328xf32, #tpu.memory_space<vmem>>, vector<16xf32>,
      %parallel_loop3A_621 = arith.constant 16384 : i32
      %parallel_loop3A_622 = vector.broadcast %parallel_loop3A_621 : i32 to vector<16xi32>
      %parallel_loop3A_623 = arith.addi %parallel_loop3A_586, %parallel_loop3A_622 : vector<16xi32>
      %parallel_loop3A_624 = tpu.vector_load_idx %arg6[%parallel_loop3A_623] : memref<32768xf32, #tpu.memory_space<vmem>>[vector<16xi32>], vector<16xf32>,
      %parallel_loop3A_625 = arith.constant 2 : i32
      %parallel_loop3A_626 = arith.index_cast %parallel_loop3A_625 : i32 to index
      %parallel_loop3A_627 = arith.index_cast %parallel_loop3A_588 : i32 to index
      %parallel_loop3A_628 = tpu.vector_load %arg8[%parallel_loop3A_626, %parallel_loop3A_627] {strides = array<i32>} : memref<8x3328xf32, #tpu.memory_space<vmem>>, vector<16xf32>,
      tpu.vector_store %arg8[%parallel_loop3A_626, %parallel_loop3A_627], %parallel_loop3A_624 {strides = array<i32>} : memref<8x3328xf32, #tpu.memory_space<vmem>>, vector<16xf32>,
      %parallel_loop3A_629 = arith.constant 16512 : i32
      %parallel_loop3A_630 = vector.broadcast %parallel_loop3A_629 : i32 to vector<16xi32>
      %parallel_loop3A_631 = arith.addi %parallel_loop3A_586, %parallel_loop3A_630 : vector<16xi32>
      %parallel_loop3A_632 = tpu.vector_load_idx %arg6[%parallel_loop3A_631] : memref<32768xf32, #tpu.memory_space<vmem>>[vector<16xi32>], vector<16xf32>,
      %parallel_loop3A_633 = arith.constant 2 : i32
      %parallel_loop3A_634 = arith.index_cast %parallel_loop3A_633 : i32 to index
      %parallel_loop3A_635 = arith.index_cast %parallel_loop3A_588 : i32 to index
      %parallel_loop3A_636 = tpu.vector_load %arg9[%parallel_loop3A_634, %parallel_loop3A_635] {strides = array<i32>} : memref<8x3328xf32, #tpu.memory_space<vmem>>, vector<16xf32>,
      tpu.vector_store %arg9[%parallel_loop3A_634, %parallel_loop3A_635], %parallel_loop3A_632 {strides = array<i32>} : memref<8x3328xf32, #tpu.memory_space<vmem>>, vector<16xf32>,
      %parallel_loop3A_637 = arith.constant 24576 : i32
      %parallel_loop3A_638 = vector.broadcast %parallel_loop3A_637 : i32 to vector<16xi32>
      %parallel_loop3A_639 = arith.addi %parallel_loop3A_586, %parallel_loop3A_638 : vector<16xi32>
      %parallel_loop3A_640 = tpu.vector_load_idx %arg6[%parallel_loop3A_639] : memref<32768xf32, #tpu.memory_space<vmem>>[vector<16xi32>], vector<16xf32>,
      %parallel_loop3A_641 = arith.constant 3 : i32
      %parallel_loop3A_642 = arith.index_cast %parallel_loop3A_641 : i32 to index
      %parallel_loop3A_643 = arith.index_cast %parallel_loop3A_588 : i32 to index
      %parallel_loop3A_644 = tpu.vector_load %arg8[%parallel_loop3A_642, %parallel_loop3A_643] {strides = array<i32>} : memref<8x3328xf32, #tpu.memory_space<vmem>>, vector<16xf32>,
      tpu.vector_store %arg8[%parallel_loop3A_642, %parallel_loop3A_643], %parallel_loop3A_640 {strides = array<i32>} : memref<8x3328xf32, #tpu.memory_space<vmem>>, vector<16xf32>,
      %parallel_loop3A_645 = arith.constant 24704 : i32
      %parallel_loop3A_646 = vector.broadcast %parallel_loop3A_645 : i32 to vector<16xi32>
      %parallel_loop3A_647 = arith.addi %parallel_loop3A_586, %parallel_loop3A_646 : vector<16xi32>
      %parallel_loop3A_648 = tpu.vector_load_idx %arg6[%parallel_loop3A_647] : memref<32768xf32, #tpu.memory_space<vmem>>[vector<16xi32>], vector<16xf32>,
      %parallel_loop3A_649 = arith.constant 3 : i32
      %parallel_loop3A_650 = arith.index_cast %parallel_loop3A_649 : i32 to index
      %parallel_loop3A_651 = arith.index_cast %parallel_loop3A_588 : i32 to index
      %parallel_loop3A_652 = tpu.vector_load %arg9[%parallel_loop3A_650, %parallel_loop3A_651] {strides = array<i32>} : memref<8x3328xf32, #tpu.memory_space<vmem>>, vector<16xf32>,
      tpu.vector_store %arg9[%parallel_loop3A_650, %parallel_loop3A_651], %parallel_loop3A_648 {strides = array<i32>} : memref<8x3328xf32, #tpu.memory_space<vmem>>, vector<16xf32>,
    } {sc.loop_unroll_factor = 4 : i64, sc.parallel_access}
    %add3A_37 = arith.constant 0 : i32
    %add3A_38 = arith.addi %mul3A_2, %add3A_37 : i32
    %mul3A_39 = arith.constant 14 : i32
    %mul3A_40 = arith.muli %add3A_38, %mul3A_39 : i32
    %add3A_41 = arith.constant 8 : i32
    %add3A_42 = arith.addi %mul3A_40, %add3A_41 : i32
    %mul3A_43 = arith.constant 8192 : i32
    %mul3A_44 = arith.muli %add3A_42, %mul3A_43 : i32
    %dma_start3A_45 = arith.constant 0 : i32
    %dma_start3A_46 = tpu.memref_slice %arg6[%dma_start3A_45] : memref<32768xf32, #tpu.memory_space<vmem>> -> memref<32768xf32, #tpu.memory_space<vmem>>
    %dma_start3A_47 = tpu.memref_slice %arg2[%mul3A_44] : memref<7340032xf32, #tpu.memory_space<hbm>> -> memref<32768xf32, #tpu.memory_space<hbm>>
    %dma_start3A_48 = arith.constant 0 : i32
    %dma_start3A_49 = tpu.memref_slice %arg6[%dma_start3A_48] : memref<32768xf32, #tpu.memory_space<vmem>> -> memref<32768xf32, #tpu.memory_space<vmem>>
    %dma_start3A_50 = tpu.memref_slice %arg2[%mul3A_44] : memref<7340032xf32, #tpu.memory_space<hbm>> -> memref<32768xf32, #tpu.memory_space<hbm>>
    tpu.enqueue_dma source(%dma_start3A_50 : memref<32768xf32, #tpu.memory_space<hbm>>) target(%dma_start3A_49 : memref<32768xf32, #tpu.memory_space<vmem>>) target_semaphore(%arg10 : memref<!tpu.dma_semaphore, #tpu.memory_space<semaphore_mem>>)
    %dma_wait3A_51 = arith.constant 0 : i32
    %dma_wait3A_52 = tpu.memref_slice %arg7[%dma_wait3A_51] : memref<32768xf32, #tpu.memory_space<vmem>> -> memref<32768xf32, #tpu.memory_space<vmem>>
    %dma_wait3A_53 = tpu.memref_slice %arg2[%mul3A_23] : memref<7340032xf32, #tpu.memory_space<hbm>> -> memref<32768xf32, #tpu.memory_space<hbm>>
    %dma_wait3A_54 = arith.constant 0 : i32
    %dma_wait3A_55 = tpu.memref_slice %arg7[%dma_wait3A_54] : memref<32768xf32, #tpu.memory_space<vmem>> -> memref<32768xf32, #tpu.memory_space<vmem>>
    %dma_wait3A_56 = tpu.memref_slice %arg2[%mul3A_23] : memref<7340032xf32, #tpu.memory_space<hbm>> -> memref<32768xf32, #tpu.memory_space<hbm>>
    tpu.wait_dma2 semaphore(%arg11 : memref<!tpu.dma_semaphore, #tpu.memory_space<semaphore_mem>>) src(%dma_wait3A_56 : memref<32768xf32, #tpu.memory_space<hbm>>) dst(%dma_wait3A_55 : memref<32768xf32, #tpu.memory_space<vmem>>)
    %parallel_loop3A_57 = arith.constant 0 : i32
    %parallel_loop3A_58 = arith.constant 208 : i32
    %parallel_loop3A_59 = arith.constant 1 : i32
    scf.for %parallel_loop3A_582 = %parallel_loop3A_57 to %parallel_loop3A_58 step %parallel_loop3A_59  : i32 {
      %parallel_loop3A_583 = arith.constant 16 : i32
      %parallel_loop3A_584 = arith.muli %parallel_loop3A_582, %parallel_loop3A_583 : i32
      %parallel_loop3A_585 = arith.index_cast %parallel_loop3A_584 : i32 to index
      %parallel_loop3A_586 = tpu.vector_load %arg5[%parallel_loop3A_585] {strides = array<i32>} : memref<3328xi32, #tpu.memory_space<vmem>>, vector<16xi32>,
      %parallel_loop3A_587 = arith.constant 16 : i32
      %parallel_loop3A_588 = arith.muli %parallel_loop3A_582, %parallel_loop3A_587 : i32
      %parallel_loop3A_589 = arith.constant 0 : i32
      %parallel_loop3A_590 = vector.broadcast %parallel_loop3A_589 : i32 to vector<16xi32>
      %parallel_loop3A_591 = arith.addi %parallel_loop3A_586, %parallel_loop3A_590 : vector<16xi32>
      %parallel_loop3A_592 = tpu.vector_load_idx %arg7[%parallel_loop3A_591] : memref<32768xf32, #tpu.memory_space<vmem>>[vector<16xi32>], vector<16xf32>,
      %parallel_loop3A_593 = arith.constant 4 : i32
      %parallel_loop3A_594 = arith.index_cast %parallel_loop3A_593 : i32 to index
      %parallel_loop3A_595 = arith.index_cast %parallel_loop3A_588 : i32 to index
      %parallel_loop3A_596 = tpu.vector_load %arg8[%parallel_loop3A_594, %parallel_loop3A_595] {strides = array<i32>} : memref<8x3328xf32, #tpu.memory_space<vmem>>, vector<16xf32>,
      tpu.vector_store %arg8[%parallel_loop3A_594, %parallel_loop3A_595], %parallel_loop3A_592 {strides = array<i32>} : memref<8x3328xf32, #tpu.memory_space<vmem>>, vector<16xf32>,
      %parallel_loop3A_597 = arith.constant 128 : i32
      %parallel_loop3A_598 = vector.broadcast %parallel_loop3A_597 : i32 to vector<16xi32>
      %parallel_loop3A_599 = arith.addi %parallel_loop3A_586, %parallel_loop3A_598 : vector<16xi32>
      %parallel_loop3A_600 = tpu.vector_load_idx %arg7[%parallel_loop3A_599] : memref<32768xf32, #tpu.memory_space<vmem>>[vector<16xi32>], vector<16xf32>,
      %parallel_loop3A_601 = arith.constant 4 : i32
      %parallel_loop3A_602 = arith.index_cast %parallel_loop3A_601 : i32 to index
      %parallel_loop3A_603 = arith.index_cast %parallel_loop3A_588 : i32 to index
      %parallel_loop3A_604 = tpu.vector_load %arg9[%parallel_loop3A_602, %parallel_loop3A_603] {strides = array<i32>} : memref<8x3328xf32, #tpu.memory_space<vmem>>, vector<16xf32>,
      tpu.vector_store %arg9[%parallel_loop3A_602, %parallel_loop3A_603], %parallel_loop3A_600 {strides = array<i32>} : memref<8x3328xf32, #tpu.memory_space<vmem>>, vector<16xf32>,
      %parallel_loop3A_605 = arith.constant 8192 : i32
      %parallel_loop3A_606 = vector.broadcast %parallel_loop3A_605 : i32 to vector<16xi32>
      %parallel_loop3A_607 = arith.addi %parallel_loop3A_586, %parallel_loop3A_606 : vector<16xi32>
      %parallel_loop3A_608 = tpu.vector_load_idx %arg7[%parallel_loop3A_607] : memref<32768xf32, #tpu.memory_space<vmem>>[vector<16xi32>], vector<16xf32>,
      %parallel_loop3A_609 = arith.constant 5 : i32
      %parallel_loop3A_610 = arith.index_cast %parallel_loop3A_609 : i32 to index
      %parallel_loop3A_611 = arith.index_cast %parallel_loop3A_588 : i32 to index
      %parallel_loop3A_612 = tpu.vector_load %arg8[%parallel_loop3A_610, %parallel_loop3A_611] {strides = array<i32>} : memref<8x3328xf32, #tpu.memory_space<vmem>>, vector<16xf32>,
      tpu.vector_store %arg8[%parallel_loop3A_610, %parallel_loop3A_611], %parallel_loop3A_608 {strides = array<i32>} : memref<8x3328xf32, #tpu.memory_space<vmem>>, vector<16xf32>,
      %parallel_loop3A_613 = arith.constant 8320 : i32
      %parallel_loop3A_614 = vector.broadcast %parallel_loop3A_613 : i32 to vector<16xi32>
      %parallel_loop3A_615 = arith.addi %parallel_loop3A_586, %parallel_loop3A_614 : vector<16xi32>
      %parallel_loop3A_616 = tpu.vector_load_idx %arg7[%parallel_loop3A_615] : memref<32768xf32, #tpu.memory_space<vmem>>[vector<16xi32>], vector<16xf32>,
      %parallel_loop3A_617 = arith.constant 5 : i32
      %parallel_loop3A_618 = arith.index_cast %parallel_loop3A_617 : i32 to index
      %parallel_loop3A_619 = arith.index_cast %parallel_loop3A_588 : i32 to index
      %parallel_loop3A_620 = tpu.vector_load %arg9[%parallel_loop3A_618, %parallel_loop3A_619] {strides = array<i32>} : memref<8x3328xf32, #tpu.memory_space<vmem>>, vector<16xf32>,
      tpu.vector_store %arg9[%parallel_loop3A_618, %parallel_loop3A_619], %parallel_loop3A_616 {strides = array<i32>} : memref<8x3328xf32, #tpu.memory_space<vmem>>, vector<16xf32>,
      %parallel_loop3A_621 = arith.constant 16384 : i32
      %parallel_loop3A_622 = vector.broadcast %parallel_loop3A_621 : i32 to vector<16xi32>
      %parallel_loop3A_623 = arith.addi %parallel_loop3A_586, %parallel_loop3A_622 : vector<16xi32>
      %parallel_loop3A_624 = tpu.vector_load_idx %arg7[%parallel_loop3A_623] : memref<32768xf32, #tpu.memory_space<vmem>>[vector<16xi32>], vector<16xf32>,
      %parallel_loop3A_625 = arith.constant 6 : i32
      %parallel_loop3A_626 = arith.index_cast %parallel_loop3A_625 : i32 to index
      %parallel_loop3A_627 = arith.index_cast %parallel_loop3A_588 : i32 to index
      %parallel_loop3A_628 = tpu.vector_load %arg8[%parallel_loop3A_626, %parallel_loop3A_627] {strides = array<i32>} : memref<8x3328xf32, #tpu.memory_space<vmem>>, vector<16xf32>,
      tpu.vector_store %arg8[%parallel_loop3A_626, %parallel_loop3A_627], %parallel_loop3A_624 {strides = array<i32>} : memref<8x3328xf32, #tpu.memory_space<vmem>>, vector<16xf32>,
      %parallel_loop3A_629 = arith.constant 16512 : i32
      %parallel_loop3A_630 = vector.broadcast %parallel_loop3A_629 : i32 to vector<16xi32>
      %parallel_loop3A_631 = arith.addi %parallel_loop3A_586, %parallel_loop3A_630 : vector<16xi32>
      %parallel_loop3A_632 = tpu.vector_load_idx %arg7[%parallel_loop3A_631] : memref<32768xf32, #tpu.memory_space<vmem>>[vector<16xi32>], vector<16xf32>,
      %parallel_loop3A_633 = arith.constant 6 : i32
      %parallel_loop3A_634 = arith.index_cast %parallel_loop3A_633 : i32 to index
      %parallel_loop3A_635 = arith.index_cast %parallel_loop3A_588 : i32 to index
      %parallel_loop3A_636 = tpu.vector_load %arg9[%parallel_loop3A_634, %parallel_loop3A_635] {strides = array<i32>} : memref<8x3328xf32, #tpu.memory_space<vmem>>, vector<16xf32>,
      tpu.vector_store %arg9[%parallel_loop3A_634, %parallel_loop3A_635], %parallel_loop3A_632 {strides = array<i32>} : memref<8x3328xf32, #tpu.memory_space<vmem>>, vector<16xf32>,
      %parallel_loop3A_637 = arith.constant 24576 : i32
      %parallel_loop3A_638 = vector.broadcast %parallel_loop3A_637 : i32 to vector<16xi32>
      %parallel_loop3A_639 = arith.addi %parallel_loop3A_586, %parallel_loop3A_638 : vector<16xi32>
      %parallel_loop3A_640 = tpu.vector_load_idx %arg7[%parallel_loop3A_639] : memref<32768xf32, #tpu.memory_space<vmem>>[vector<16xi32>], vector<16xf32>,
      %parallel_loop3A_641 = arith.constant 7 : i32
      %parallel_loop3A_642 = arith.index_cast %parallel_loop3A_641 : i32 to index
      %parallel_loop3A_643 = arith.index_cast %parallel_loop3A_588 : i32 to index
      %parallel_loop3A_644 = tpu.vector_load %arg8[%parallel_loop3A_642, %parallel_loop3A_643] {strides = array<i32>} : memref<8x3328xf32, #tpu.memory_space<vmem>>, vector<16xf32>,
      tpu.vector_store %arg8[%parallel_loop3A_642, %parallel_loop3A_643], %parallel_loop3A_640 {strides = array<i32>} : memref<8x3328xf32, #tpu.memory_space<vmem>>, vector<16xf32>,
      %parallel_loop3A_645 = arith.constant 24704 : i32
      %parallel_loop3A_646 = vector.broadcast %parallel_loop3A_645 : i32 to vector<16xi32>
      %parallel_loop3A_647 = arith.addi %parallel_loop3A_586, %parallel_loop3A_646 : vector<16xi32>
      %parallel_loop3A_648 = tpu.vector_load_idx %arg7[%parallel_loop3A_647] : memref<32768xf32, #tpu.memory_space<vmem>>[vector<16xi32>], vector<16xf32>,
      %parallel_loop3A_649 = arith.constant 7 : i32
      %parallel_loop3A_650 = arith.index_cast %parallel_loop3A_649 : i32 to index
      %parallel_loop3A_651 = arith.index_cast %parallel_loop3A_588 : i32 to index
      %parallel_loop3A_652 = tpu.vector_load %arg9[%parallel_loop3A_650, %parallel_loop3A_651] {strides = array<i32>} : memref<8x3328xf32, #tpu.memory_space<vmem>>, vector<16xf32>,
      tpu.vector_store %arg9[%parallel_loop3A_650, %parallel_loop3A_651], %parallel_loop3A_648 {strides = array<i32>} : memref<8x3328xf32, #tpu.memory_space<vmem>>, vector<16xf32>,
    } {sc.loop_unroll_factor = 4 : i64, sc.parallel_access}
    %add3A_60 = arith.constant 0 : i32
    %add3A_61 = arith.addi %mul3A_2, %add3A_60 : i32
    %jit3A = arith.constant 4 : i32
    %div3A = arith.divsi %add3A_61, %jit3A : i32
    %sign3A = arith.constant 0 : i32
    %sign3A_62 = arith.cmpi sgt, %add3A_61, %sign3A : i32
    %sign3A_63 = arith.extui %sign3A_62 : i1 to i32
    %sign3A_64 = arith.constant 0 : i32
    %sign3A_65 = arith.cmpi slt, %add3A_61, %sign3A_64 : i32
    %sign3A_66 = arith.extui %sign3A_65 : i1 to i32
    %sign3A_67 = arith.subi %sign3A_63, %sign3A_66 : i32
    %sign3A_68 = arith.constant 0 : i32
    %sign3A_69 = arith.cmpi sgt, %jit3A, %sign3A_68 : i32
    %sign3A_70 = arith.extui %sign3A_69 : i1 to i32
    %sign3A_71 = arith.constant 0 : i32
    %sign3A_72 = arith.cmpi slt, %jit3A, %sign3A_71 : i32
    %sign3A_73 = arith.extui %sign3A_72 : i1 to i32
    %sign3A_74 = arith.subi %sign3A_70, %sign3A_73 : i32
    %ne3A = arith.cmpi ne, %sign3A_67, %sign3A_74 : i32
    %rem3A = arith.remsi %add3A_61, %jit3A : i32
    %ne3A_75 = arith.constant 0 : i32
    %ne3A_76 = arith.cmpi ne, %rem3A, %ne3A_75 : i32
    %and3A = arith.andi %ne3A, %ne3A_76 : i1
    %sub3A = arith.constant 1 : i32
    %sub3A_77 = arith.subi %div3A, %sub3A : i32
    %select_n3A = arith.select %and3A, %sub3A_77, %div3A : i32
    %jit3A_78 = arith.constant 4 : i32
    %eq3A = arith.constant 0 : i32
    %eq3A_79 = arith.cmpi eq, %jit3A_78, %eq3A : i32
    %jit3A_80 = arith.constant 1 : i32
    %select_n3A_81 = arith.select %eq3A_79, %jit3A_80, %jit3A_78 : i32
    %rem3A_82 = arith.remsi %add3A_61, %select_n3A_81 : i32
    %ne3A_83 = arith.constant 0 : i32
    %ne3A_84 = arith.cmpi ne, %rem3A_82, %ne3A_83 : i32
    %lt3A = arith.constant 0 : i32
    %lt3A_85 = arith.cmpi slt, %rem3A_82, %lt3A : i32
    %lt3A_86 = arith.constant 0 : i32
    %lt3A_87 = arith.cmpi slt, %select_n3A_81, %lt3A_86 : i32
    %ne3A_88 = arith.xori %lt3A_85, %lt3A_87 : i1
    %and3A_89 = arith.andi %ne3A_88, %ne3A_84 : i1
    %add3A_90 = arith.addi %rem3A_82, %select_n3A_81 : i32
    %select_n3A_91 = arith.select %and3A_89, %add3A_90, %rem3A_82 : i32
    %dma_start3A_92 = arith.constant 0 : i32
    %dma_start3A_93 = arith.constant 0 : i32
    %dma_start3A_94 = arith.constant 0 : i32
    %dma_start3A_95 = tpu.memref_slice %arg8[%dma_start3A_93, %dma_start3A_94] : memref<8x3328xf32, #tpu.memory_space<vmem>> -> memref<8x3328xf32, #tpu.memory_space<vmem>>
    %dma_start3A_96 = arith.constant 0 : i32
    %dma_start3A_97 = arith.constant 0 : i32
    %dma_start3A_98 = tpu.memref_slice %arg4[%select_n3A, %select_n3A_91, %dma_start3A_92, %dma_start3A_96, %dma_start3A_97] : memref<16x4x2x14x3328xf32, #tpu.memory_space<hbm>> -> memref<1x1x1x8x3328xf32, #tpu.memory_space<hbm>>
    %dma_start3A_99 = tpu.memref_squeeze %dma_start3A_98 : memref<1x1x1x8x3328xf32, #tpu.memory_space<hbm>> -> memref<8x3328xf32, #tpu.memory_space<hbm>>
    %dma_start3A_100 = arith.constant 0 : i32
    %dma_start3A_101 = arith.constant 0 : i32
    %dma_start3A_102 = tpu.memref_slice %arg4[%select_n3A, %select_n3A_91, %dma_start3A_92, %dma_start3A_100, %dma_start3A_101] : memref<16x4x2x14x3328xf32, #tpu.memory_space<hbm>> -> memref<1x1x1x8x3328xf32, #tpu.memory_space<hbm>>
    %dma_start3A_103 = tpu.memref_squeeze %dma_start3A_102 : memref<1x1x1x8x3328xf32, #tpu.memory_space<hbm>> -> memref<8x3328xf32, #tpu.memory_space<hbm>>
    %dma_start3A_104 = arith.constant 0 : i32
    %dma_start3A_105 = arith.constant 0 : i32
    %dma_start3A_106 = tpu.memref_slice %arg8[%dma_start3A_104, %dma_start3A_105] : memref<8x3328xf32, #tpu.memory_space<vmem>> -> memref<8x3328xf32, #tpu.memory_space<vmem>>
    tpu.enqueue_dma source(%dma_start3A_106 : memref<8x3328xf32, #tpu.memory_space<vmem>>) target(%dma_start3A_103 : memref<8x3328xf32, #tpu.memory_space<hbm>>) target_semaphore(%arg12 : memref<!tpu.dma_semaphore, #tpu.memory_space<semaphore_mem>>)
    %dma_start3A_107 = arith.constant 1 : i32
    %dma_start3A_108 = arith.constant 0 : i32
    %dma_start3A_109 = arith.constant 0 : i32
    %dma_start3A_110 = tpu.memref_slice %arg9[%dma_start3A_108, %dma_start3A_109] : memref<8x3328xf32, #tpu.memory_space<vmem>> -> memref<8x3328xf32, #tpu.memory_space<vmem>>
    %dma_start3A_111 = arith.constant 0 : i32
    %dma_start3A_112 = arith.constant 0 : i32
    %dma_start3A_113 = tpu.memref_slice %arg4[%select_n3A, %select_n3A_91, %dma_start3A_107, %dma_start3A_111, %dma_start3A_112] : memref<16x4x2x14x3328xf32, #tpu.memory_space<hbm>> -> memref<1x1x1x8x3328xf32, #tpu.memory_space<hbm>>
    %dma_start3A_114 = tpu.memref_squeeze %dma_start3A_113 : memref<1x1x1x8x3328xf32, #tpu.memory_space<hbm>> -> memref<8x3328xf32, #tpu.memory_space<hbm>>
    %dma_start3A_115 = arith.constant 0 : i32
    %dma_start3A_116 = arith.constant 0 : i32
    %dma_start3A_117 = tpu.memref_slice %arg4[%select_n3A, %select_n3A_91, %dma_start3A_107, %dma_start3A_115, %dma_start3A_116] : memref<16x4x2x14x3328xf32, #tpu.memory_space<hbm>> -> memref<1x1x1x8x3328xf32, #tpu.memory_space<hbm>>
    %dma_start3A_118 = tpu.memref_squeeze %dma_start3A_117 : memref<1x1x1x8x3328xf32, #tpu.memory_space<hbm>> -> memref<8x3328xf32, #tpu.memory_space<hbm>>
    %dma_start3A_119 = arith.constant 0 : i32
    %dma_start3A_120 = arith.constant 0 : i32
    %dma_start3A_121 = tpu.memref_slice %arg9[%dma_start3A_119, %dma_start3A_120] : memref<8x3328xf32, #tpu.memory_space<vmem>> -> memref<8x3328xf32, #tpu.memory_space<vmem>>
    tpu.enqueue_dma source(%dma_start3A_121 : memref<8x3328xf32, #tpu.memory_space<vmem>>) target(%dma_start3A_118 : memref<8x3328xf32, #tpu.memory_space<hbm>>) target_semaphore(%arg12 : memref<!tpu.dma_semaphore, #tpu.memory_space<semaphore_mem>>)
    %add3A_122 = arith.constant 0 : i32
    %add3A_123 = arith.addi %mul3A_2, %add3A_122 : i32
    %mul3A_124 = arith.constant 14 : i32
    %mul3A_125 = arith.muli %add3A_123, %mul3A_124 : i32
    %add3A_126 = arith.constant 12 : i32
    %add3A_127 = arith.addi %mul3A_125, %add3A_126 : i32
    %mul3A_128 = arith.constant 8192 : i32
    %mul3A_129 = arith.muli %add3A_127, %mul3A_128 : i32
    %dma_start3A_130 = arith.constant 0 : i32
    %dma_start3A_131 = tpu.memref_slice %arg7[%dma_start3A_130] : memref<32768xf32, #tpu.memory_space<vmem>> -> memref<16384xf32, #tpu.memory_space<vmem>>
    %dma_start3A_132 = tpu.memref_slice %arg2[%mul3A_129] : memref<7340032xf32, #tpu.memory_space<hbm>> -> memref<16384xf32, #tpu.memory_space<hbm>>
    %dma_start3A_133 = arith.constant 0 : i32
    %dma_start3A_134 = tpu.memref_slice %arg7[%dma_start3A_133] : memref<32768xf32, #tpu.memory_space<vmem>> -> memref<16384xf32, #tpu.memory_space<vmem>>
    %dma_start3A_135 = tpu.memref_slice %arg2[%mul3A_129] : memref<7340032xf32, #tpu.memory_space<hbm>> -> memref<16384xf32, #tpu.memory_space<hbm>>
    tpu.enqueue_dma source(%dma_start3A_135 : memref<16384xf32, #tpu.memory_space<hbm>>) target(%dma_start3A_134 : memref<16384xf32, #tpu.memory_space<vmem>>) target_semaphore(%arg11 : memref<!tpu.dma_semaphore, #tpu.memory_space<semaphore_mem>>)
    %dma_wait3A_136 = arith.constant 0 : i32
    %dma_wait3A_137 = tpu.memref_slice %arg6[%dma_wait3A_136] : memref<32768xf32, #tpu.memory_space<vmem>> -> memref<32768xf32, #tpu.memory_space<vmem>>
    %dma_wait3A_138 = tpu.memref_slice %arg2[%mul3A_44] : memref<7340032xf32, #tpu.memory_space<hbm>> -> memref<32768xf32, #tpu.memory_space<hbm>>
    %dma_wait3A_139 = arith.constant 0 : i32
    %dma_wait3A_140 = tpu.memref_slice %arg6[%dma_wait3A_139] : memref<32768xf32, #tpu.memory_space<vmem>> -> memref<32768xf32, #tpu.memory_space<vmem>>
    %dma_wait3A_141 = tpu.memref_slice %arg2[%mul3A_44] : memref<7340032xf32, #tpu.memory_space<hbm>> -> memref<32768xf32, #tpu.memory_space<hbm>>
    tpu.wait_dma2 semaphore(%arg10 : memref<!tpu.dma_semaphore, #tpu.memory_space<semaphore_mem>>) src(%dma_wait3A_141 : memref<32768xf32, #tpu.memory_space<hbm>>) dst(%dma_wait3A_140 : memref<32768xf32, #tpu.memory_space<vmem>>)
    %dma_wait3A_142 = arith.constant 0 : i32
    %dma_wait3A_143 = arith.constant 0 : i32
    %dma_wait3A_144 = arith.constant 0 : i32
    %dma_wait3A_145 = tpu.memref_slice %arg8[%dma_wait3A_143, %dma_wait3A_144] : memref<8x3328xf32, #tpu.memory_space<vmem>> -> memref<8x3328xf32, #tpu.memory_space<vmem>>
    %dma_wait3A_146 = arith.constant 0 : i32
    %dma_wait3A_147 = arith.constant 0 : i32
    %dma_wait3A_148 = tpu.memref_slice %arg4[%select_n3A, %select_n3A_91, %dma_wait3A_142, %dma_wait3A_146, %dma_wait3A_147] : memref<16x4x2x14x3328xf32, #tpu.memory_space<hbm>> -> memref<1x1x1x8x3328xf32, #tpu.memory_space<hbm>>
    %dma_wait3A_149 = tpu.memref_squeeze %dma_wait3A_148 : memref<1x1x1x8x3328xf32, #tpu.memory_space<hbm>> -> memref<8x3328xf32, #tpu.memory_space<hbm>>
    %dma_wait3A_150 = arith.constant 0 : i32
    %dma_wait3A_151 = arith.constant 0 : i32
    %dma_wait3A_152 = tpu.memref_slice %arg4[%select_n3A, %select_n3A_91, %dma_wait3A_142, %dma_wait3A_150, %dma_wait3A_151] : memref<16x4x2x14x3328xf32, #tpu.memory_space<hbm>> -> memref<1x1x1x8x3328xf32, #tpu.memory_space<hbm>>
    %dma_wait3A_153 = tpu.memref_squeeze %dma_wait3A_152 : memref<1x1x1x8x3328xf32, #tpu.memory_space<hbm>> -> memref<8x3328xf32, #tpu.memory_space<hbm>>
    %dma_wait3A_154 = arith.constant 0 : i32
    %dma_wait3A_155 = arith.constant 0 : i32
    %dma_wait3A_156 = tpu.memref_slice %arg8[%dma_wait3A_154, %dma_wait3A_155] : memref<8x3328xf32, #tpu.memory_space<vmem>> -> memref<8x3328xf32, #tpu.memory_space<vmem>>
    tpu.wait_dma2 semaphore(%arg12 : memref<!tpu.dma_semaphore, #tpu.memory_space<semaphore_mem>>) src(%dma_wait3A_156 : memref<8x3328xf32, #tpu.memory_space<vmem>>) dst(%dma_wait3A_153 : memref<8x3328xf32, #tpu.memory_space<hbm>>)
    %dma_wait3A_157 = arith.constant 1 : i32
    %dma_wait3A_158 = arith.constant 0 : i32
    %dma_wait3A_159 = arith.constant 0 : i32
    %dma_wait3A_160 = tpu.memref_slice %arg9[%dma_wait3A_158, %dma_wait3A_159] : memref<8x3328xf32, #tpu.memory_space<vmem>> -> memref<8x3328xf32, #tpu.memory_space<vmem>>
    %dma_wait3A_161 = arith.constant 0 : i32
    %dma_wait3A_162 = arith.constant 0 : i32
    %dma_wait3A_163 = tpu.memref_slice %arg4[%select_n3A, %select_n3A_91, %dma_wait3A_157, %dma_wait3A_161, %dma_wait3A_162] : memref<16x4x2x14x3328xf32, #tpu.memory_space<hbm>> -> memref<1x1x1x8x3328xf32, #tpu.memory_space<hbm>>
    %dma_wait3A_164 = tpu.memref_squeeze %dma_wait3A_163 : memref<1x1x1x8x3328xf32, #tpu.memory_space<hbm>> -> memref<8x3328xf32, #tpu.memory_space<hbm>>
    %dma_wait3A_165 = arith.constant 0 : i32
    %dma_wait3A_166 = arith.constant 0 : i32
    %dma_wait3A_167 = tpu.memref_slice %arg4[%select_n3A, %select_n3A_91, %dma_wait3A_157, %dma_wait3A_165, %dma_wait3A_166] : memref<16x4x2x14x3328xf32, #tpu.memory_space<hbm>> -> memref<1x1x1x8x3328xf32, #tpu.memory_space<hbm>>
    %dma_wait3A_168 = tpu.memref_squeeze %dma_wait3A_167 : memref<1x1x1x8x3328xf32, #tpu.memory_space<hbm>> -> memref<8x3328xf32, #tpu.memory_space<hbm>>
    %dma_wait3A_169 = arith.constant 0 : i32
    %dma_wait3A_170 = arith.constant 0 : i32
    %dma_wait3A_171 = tpu.memref_slice %arg9[%dma_wait3A_169, %dma_wait3A_170] : memref<8x3328xf32, #tpu.memory_space<vmem>> -> memref<8x3328xf32, #tpu.memory_space<vmem>>
    tpu.wait_dma2 semaphore(%arg12 : memref<!tpu.dma_semaphore, #tpu.memory_space<semaphore_mem>>) src(%dma_wait3A_171 : memref<8x3328xf32, #tpu.memory_space<vmem>>) dst(%dma_wait3A_168 : memref<8x3328xf32, #tpu.memory_space<hbm>>)
    %parallel_loop3A_172 = arith.constant 0 : i32
    %parallel_loop3A_173 = arith.constant 208 : i32
    %parallel_loop3A_174 = arith.constant 1 : i32
    scf.for %parallel_loop3A_582 = %parallel_loop3A_172 to %parallel_loop3A_173 step %parallel_loop3A_174  : i32 {
      %parallel_loop3A_583 = arith.constant 16 : i32
      %parallel_loop3A_584 = arith.muli %parallel_loop3A_582, %parallel_loop3A_583 : i32
      %parallel_loop3A_585 = arith.index_cast %parallel_loop3A_584 : i32 to index
      %parallel_loop3A_586 = tpu.vector_load %arg5[%parallel_loop3A_585] {strides = array<i32>} : memref<3328xi32, #tpu.memory_space<vmem>>, vector<16xi32>,
      %parallel_loop3A_587 = arith.constant 16 : i32
      %parallel_loop3A_588 = arith.muli %parallel_loop3A_582, %parallel_loop3A_587 : i32
      %parallel_loop3A_589 = arith.constant 0 : i32
      %parallel_loop3A_590 = vector.broadcast %parallel_loop3A_589 : i32 to vector<16xi32>
      %parallel_loop3A_591 = arith.addi %parallel_loop3A_586, %parallel_loop3A_590 : vector<16xi32>
      %parallel_loop3A_592 = tpu.vector_load_idx %arg6[%parallel_loop3A_591] : memref<32768xf32, #tpu.memory_space<vmem>>[vector<16xi32>], vector<16xf32>,
      %parallel_loop3A_593 = arith.constant 0 : i32
      %parallel_loop3A_594 = arith.index_cast %parallel_loop3A_593 : i32 to index
      %parallel_loop3A_595 = arith.index_cast %parallel_loop3A_588 : i32 to index
      %parallel_loop3A_596 = tpu.vector_load %arg8[%parallel_loop3A_594, %parallel_loop3A_595] {strides = array<i32>} : memref<8x3328xf32, #tpu.memory_space<vmem>>, vector<16xf32>,
      tpu.vector_store %arg8[%parallel_loop3A_594, %parallel_loop3A_595], %parallel_loop3A_592 {strides = array<i32>} : memref<8x3328xf32, #tpu.memory_space<vmem>>, vector<16xf32>,
      %parallel_loop3A_597 = arith.constant 128 : i32
      %parallel_loop3A_598 = vector.broadcast %parallel_loop3A_597 : i32 to vector<16xi32>
      %parallel_loop3A_599 = arith.addi %parallel_loop3A_586, %parallel_loop3A_598 : vector<16xi32>
      %parallel_loop3A_600 = tpu.vector_load_idx %arg6[%parallel_loop3A_599] : memref<32768xf32, #tpu.memory_space<vmem>>[vector<16xi32>], vector<16xf32>,
      %parallel_loop3A_601 = arith.constant 0 : i32
      %parallel_loop3A_602 = arith.index_cast %parallel_loop3A_601 : i32 to index
      %parallel_loop3A_603 = arith.index_cast %parallel_loop3A_588 : i32 to index
      %parallel_loop3A_604 = tpu.vector_load %arg9[%parallel_loop3A_602, %parallel_loop3A_603] {strides = array<i32>} : memref<8x3328xf32, #tpu.memory_space<vmem>>, vector<16xf32>,
      tpu.vector_store %arg9[%parallel_loop3A_602, %parallel_loop3A_603], %parallel_loop3A_600 {strides = array<i32>} : memref<8x3328xf32, #tpu.memory_space<vmem>>, vector<16xf32>,
      %parallel_loop3A_605 = arith.constant 8192 : i32
      %parallel_loop3A_606 = vector.broadcast %parallel_loop3A_605 : i32 to vector<16xi32>
      %parallel_loop3A_607 = arith.addi %parallel_loop3A_586, %parallel_loop3A_606 : vector<16xi32>
      %parallel_loop3A_608 = tpu.vector_load_idx %arg6[%parallel_loop3A_607] : memref<32768xf32, #tpu.memory_space<vmem>>[vector<16xi32>], vector<16xf32>,
      %parallel_loop3A_609 = arith.constant 1 : i32
      %parallel_loop3A_610 = arith.index_cast %parallel_loop3A_609 : i32 to index
      %parallel_loop3A_611 = arith.index_cast %parallel_loop3A_588 : i32 to index
      %parallel_loop3A_612 = tpu.vector_load %arg8[%parallel_loop3A_610, %parallel_loop3A_611] {strides = array<i32>} : memref<8x3328xf32, #tpu.memory_space<vmem>>, vector<16xf32>,
      tpu.vector_store %arg8[%parallel_loop3A_610, %parallel_loop3A_611], %parallel_loop3A_608 {strides = array<i32>} : memref<8x3328xf32, #tpu.memory_space<vmem>>, vector<16xf32>,
      %parallel_loop3A_613 = arith.constant 8320 : i32
      %parallel_loop3A_614 = vector.broadcast %parallel_loop3A_613 : i32 to vector<16xi32>
      %parallel_loop3A_615 = arith.addi %parallel_loop3A_586, %parallel_loop3A_614 : vector<16xi32>
      %parallel_loop3A_616 = tpu.vector_load_idx %arg6[%parallel_loop3A_615] : memref<32768xf32, #tpu.memory_space<vmem>>[vector<16xi32>], vector<16xf32>,
      %parallel_loop3A_617 = arith.constant 1 : i32
      %parallel_loop3A_618 = arith.index_cast %parallel_loop3A_617 : i32 to index
      %parallel_loop3A_619 = arith.index_cast %parallel_loop3A_588 : i32 to index
      %parallel_loop3A_620 = tpu.vector_load %arg9[%parallel_loop3A_618, %parallel_loop3A_619] {strides = array<i32>} : memref<8x3328xf32, #tpu.memory_space<vmem>>, vector<16xf32>,
      tpu.vector_store %arg9[%parallel_loop3A_618, %parallel_loop3A_619], %parallel_loop3A_616 {strides = array<i32>} : memref<8x3328xf32, #tpu.memory_space<vmem>>, vector<16xf32>,
      %parallel_loop3A_621 = arith.constant 16384 : i32
      %parallel_loop3A_622 = vector.broadcast %parallel_loop3A_621 : i32 to vector<16xi32>
      %parallel_loop3A_623 = arith.addi %parallel_loop3A_586, %parallel_loop3A_622 : vector<16xi32>
      %parallel_loop3A_624 = tpu.vector_load_idx %arg6[%parallel_loop3A_623] : memref<32768xf32, #tpu.memory_space<vmem>>[vector<16xi32>], vector<16xf32>,
      %parallel_loop3A_625 = arith.constant 2 : i32
      %parallel_loop3A_626 = arith.index_cast %parallel_loop3A_625 : i32 to index
      %parallel_loop3A_627 = arith.index_cast %parallel_loop3A_588 : i32 to index
      %parallel_loop3A_628 = tpu.vector_load %arg8[%parallel_loop3A_626, %parallel_loop3A_627] {strides = array<i32>} : memref<8x3328xf32, #tpu.memory_space<vmem>>, vector<16xf32>,
      tpu.vector_store %arg8[%parallel_loop3A_626, %parallel_loop3A_627], %parallel_loop3A_624 {strides = array<i32>} : memref<8x3328xf32, #tpu.memory_space<vmem>>, vector<16xf32>,
      %parallel_loop3A_629 = arith.constant 16512 : i32
      %parallel_loop3A_630 = vector.broadcast %parallel_loop3A_629 : i32 to vector<16xi32>
      %parallel_loop3A_631 = arith.addi %parallel_loop3A_586, %parallel_loop3A_630 : vector<16xi32>
      %parallel_loop3A_632 = tpu.vector_load_idx %arg6[%parallel_loop3A_631] : memref<32768xf32, #tpu.memory_space<vmem>>[vector<16xi32>], vector<16xf32>,
      %parallel_loop3A_633 = arith.constant 2 : i32
      %parallel_loop3A_634 = arith.index_cast %parallel_loop3A_633 : i32 to index
      %parallel_loop3A_635 = arith.index_cast %parallel_loop3A_588 : i32 to index
      %parallel_loop3A_636 = tpu.vector_load %arg9[%parallel_loop3A_634, %parallel_loop3A_635] {strides = array<i32>} : memref<8x3328xf32, #tpu.memory_space<vmem>>, vector<16xf32>,
      tpu.vector_store %arg9[%parallel_loop3A_634, %parallel_loop3A_635], %parallel_loop3A_632 {strides = array<i32>} : memref<8x3328xf32, #tpu.memory_space<vmem>>, vector<16xf32>,
      %parallel_loop3A_637 = arith.constant 24576 : i32
      %parallel_loop3A_638 = vector.broadcast %parallel_loop3A_637 : i32 to vector<16xi32>
      %parallel_loop3A_639 = arith.addi %parallel_loop3A_586, %parallel_loop3A_638 : vector<16xi32>
      %parallel_loop3A_640 = tpu.vector_load_idx %arg6[%parallel_loop3A_639] : memref<32768xf32, #tpu.memory_space<vmem>>[vector<16xi32>], vector<16xf32>,
      %parallel_loop3A_641 = arith.constant 3 : i32
      %parallel_loop3A_642 = arith.index_cast %parallel_loop3A_641 : i32 to index
      %parallel_loop3A_643 = arith.index_cast %parallel_loop3A_588 : i32 to index
      %parallel_loop3A_644 = tpu.vector_load %arg8[%parallel_loop3A_642, %parallel_loop3A_643] {strides = array<i32>} : memref<8x3328xf32, #tpu.memory_space<vmem>>, vector<16xf32>,
      tpu.vector_store %arg8[%parallel_loop3A_642, %parallel_loop3A_643], %parallel_loop3A_640 {strides = array<i32>} : memref<8x3328xf32, #tpu.memory_space<vmem>>, vector<16xf32>,
      %parallel_loop3A_645 = arith.constant 24704 : i32
      %parallel_loop3A_646 = vector.broadcast %parallel_loop3A_645 : i32 to vector<16xi32>
      %parallel_loop3A_647 = arith.addi %parallel_loop3A_586, %parallel_loop3A_646 : vector<16xi32>
      %parallel_loop3A_648 = tpu.vector_load_idx %arg6[%parallel_loop3A_647] : memref<32768xf32, #tpu.memory_space<vmem>>[vector<16xi32>], vector<16xf32>,
      %parallel_loop3A_649 = arith.constant 3 : i32
      %parallel_loop3A_650 = arith.index_cast %parallel_loop3A_649 : i32 to index
      %parallel_loop3A_651 = arith.index_cast %parallel_loop3A_588 : i32 to index
      %parallel_loop3A_652 = tpu.vector_load %arg9[%parallel_loop3A_650, %parallel_loop3A_651] {strides = array<i32>} : memref<8x3328xf32, #tpu.memory_space<vmem>>, vector<16xf32>,
      tpu.vector_store %arg9[%parallel_loop3A_650, %parallel_loop3A_651], %parallel_loop3A_648 {strides = array<i32>} : memref<8x3328xf32, #tpu.memory_space<vmem>>, vector<16xf32>,
    } {sc.loop_unroll_factor = 4 : i64, sc.parallel_access}
    %add3A_175 = arith.constant 1 : i32
    %add3A_176 = arith.addi %mul3A_2, %add3A_175 : i32
    %mul3A_177 = arith.constant 14 : i32
    %mul3A_178 = arith.muli %add3A_176, %mul3A_177 : i32
    %add3A_179 = arith.constant 0 : i32
    %add3A_180 = arith.addi %mul3A_178, %add3A_179 : i32
    %mul3A_181 = arith.constant 8192 : i32
    %mul3A_182 = arith.muli %add3A_180, %mul3A_181 : i32
    %dma_start3A_183 = arith.constant 0 : i32
    %dma_start3A_184 = tpu.memref_slice %arg6[%dma_start3A_183] : memref<32768xf32, #tpu.memory_space<vmem>> -> memref<32768xf32, #tpu.memory_space<vmem>>
    %dma_start3A_185 = tpu.memref_slice %arg2[%mul3A_182] : memref<7340032xf32, #tpu.memory_space<hbm>> -> memref<32768xf32, #tpu.memory_space<hbm>>
    %dma_start3A_186 = arith.constant 0 : i32
    %dma_start3A_187 = tpu.memref_slice %arg6[%dma_start3A_186] : memref<32768xf32, #tpu.memory_space<vmem>> -> memref<32768xf32, #tpu.memory_space<vmem>>
    %dma_start3A_188 = tpu.memref_slice %arg2[%mul3A_182] : memref<7340032xf32, #tpu.memory_space<hbm>> -> memref<32768xf32, #tpu.memory_space<hbm>>
    tpu.enqueue_dma source(%dma_start3A_188 : memref<32768xf32, #tpu.memory_space<hbm>>) target(%dma_start3A_187 : memref<32768xf32, #tpu.memory_space<vmem>>) target_semaphore(%arg10 : memref<!tpu.dma_semaphore, #tpu.memory_space<semaphore_mem>>)
    %dma_wait3A_189 = arith.constant 0 : i32
    %dma_wait3A_190 = tpu.memref_slice %arg7[%dma_wait3A_189] : memref<32768xf32, #tpu.memory_space<vmem>> -> memref<16384xf32, #tpu.memory_space<vmem>>
    %dma_wait3A_191 = tpu.memref_slice %arg2[%mul3A_129] : memref<7340032xf32, #tpu.memory_space<hbm>> -> memref<16384xf32, #tpu.memory_space<hbm>>
    %dma_wait3A_192 = arith.constant 0 : i32
    %dma_wait3A_193 = tpu.memref_slice %arg7[%dma_wait3A_192] : memref<32768xf32, #tpu.memory_space<vmem>> -> memref<16384xf32, #tpu.memory_space<vmem>>
    %dma_wait3A_194 = tpu.memref_slice %arg2[%mul3A_129] : memref<7340032xf32, #tpu.memory_space<hbm>> -> memref<16384xf32, #tpu.memory_space<hbm>>
    tpu.wait_dma2 semaphore(%arg11 : memref<!tpu.dma_semaphore, #tpu.memory_space<semaphore_mem>>) src(%dma_wait3A_194 : memref<16384xf32, #tpu.memory_space<hbm>>) dst(%dma_wait3A_193 : memref<16384xf32, #tpu.memory_space<vmem>>)
    %parallel_loop3A_195 = arith.constant 0 : i32
    %parallel_loop3A_196 = arith.constant 208 : i32
    %parallel_loop3A_197 = arith.constant 1 : i32
    scf.for %parallel_loop3A_582 = %parallel_loop3A_195 to %parallel_loop3A_196 step %parallel_loop3A_197  : i32 {
      %parallel_loop3A_583 = arith.constant 16 : i32
      %parallel_loop3A_584 = arith.muli %parallel_loop3A_582, %parallel_loop3A_583 : i32
      %parallel_loop3A_585 = arith.index_cast %parallel_loop3A_584 : i32 to index
      %parallel_loop3A_586 = tpu.vector_load %arg5[%parallel_loop3A_585] {strides = array<i32>} : memref<3328xi32, #tpu.memory_space<vmem>>, vector<16xi32>,
      %parallel_loop3A_587 = arith.constant 16 : i32
      %parallel_loop3A_588 = arith.muli %parallel_loop3A_582, %parallel_loop3A_587 : i32
      %parallel_loop3A_589 = arith.constant 0 : i32
      %parallel_loop3A_590 = vector.broadcast %parallel_loop3A_589 : i32 to vector<16xi32>
      %parallel_loop3A_591 = arith.addi %parallel_loop3A_586, %parallel_loop3A_590 : vector<16xi32>
      %parallel_loop3A_592 = tpu.vector_load_idx %arg7[%parallel_loop3A_591] : memref<32768xf32, #tpu.memory_space<vmem>>[vector<16xi32>], vector<16xf32>,
      %parallel_loop3A_593 = arith.constant 4 : i32
      %parallel_loop3A_594 = arith.index_cast %parallel_loop3A_593 : i32 to index
      %parallel_loop3A_595 = arith.index_cast %parallel_loop3A_588 : i32 to index
      %parallel_loop3A_596 = tpu.vector_load %arg8[%parallel_loop3A_594, %parallel_loop3A_595] {strides = array<i32>} : memref<8x3328xf32, #tpu.memory_space<vmem>>, vector<16xf32>,
      tpu.vector_store %arg8[%parallel_loop3A_594, %parallel_loop3A_595], %parallel_loop3A_592 {strides = array<i32>} : memref<8x3328xf32, #tpu.memory_space<vmem>>, vector<16xf32>,
      %parallel_loop3A_597 = arith.constant 128 : i32
      %parallel_loop3A_598 = vector.broadcast %parallel_loop3A_597 : i32 to vector<16xi32>
      %parallel_loop3A_599 = arith.addi %parallel_loop3A_586, %parallel_loop3A_598 : vector<16xi32>
      %parallel_loop3A_600 = tpu.vector_load_idx %arg7[%parallel_loop3A_599] : memref<32768xf32, #tpu.memory_space<vmem>>[vector<16xi32>], vector<16xf32>,
      %parallel_loop3A_601 = arith.constant 4 : i32
      %parallel_loop3A_602 = arith.index_cast %parallel_loop3A_601 : i32 to index
      %parallel_loop3A_603 = arith.index_cast %parallel_loop3A_588 : i32 to index
      %parallel_loop3A_604 = tpu.vector_load %arg9[%parallel_loop3A_602, %parallel_loop3A_603] {strides = array<i32>} : memref<8x3328xf32, #tpu.memory_space<vmem>>, vector<16xf32>,
      tpu.vector_store %arg9[%parallel_loop3A_602, %parallel_loop3A_603], %parallel_loop3A_600 {strides = array<i32>} : memref<8x3328xf32, #tpu.memory_space<vmem>>, vector<16xf32>,
      %parallel_loop3A_605 = arith.constant 8192 : i32
      %parallel_loop3A_606 = vector.broadcast %parallel_loop3A_605 : i32 to vector<16xi32>
      %parallel_loop3A_607 = arith.addi %parallel_loop3A_586, %parallel_loop3A_606 : vector<16xi32>
      %parallel_loop3A_608 = tpu.vector_load_idx %arg7[%parallel_loop3A_607] : memref<32768xf32, #tpu.memory_space<vmem>>[vector<16xi32>], vector<16xf32>,
      %parallel_loop3A_609 = arith.constant 5 : i32
      %parallel_loop3A_610 = arith.index_cast %parallel_loop3A_609 : i32 to index
      %parallel_loop3A_611 = arith.index_cast %parallel_loop3A_588 : i32 to index
      %parallel_loop3A_612 = tpu.vector_load %arg8[%parallel_loop3A_610, %parallel_loop3A_611] {strides = array<i32>} : memref<8x3328xf32, #tpu.memory_space<vmem>>, vector<16xf32>,
      tpu.vector_store %arg8[%parallel_loop3A_610, %parallel_loop3A_611], %parallel_loop3A_608 {strides = array<i32>} : memref<8x3328xf32, #tpu.memory_space<vmem>>, vector<16xf32>,
      %parallel_loop3A_613 = arith.constant 8320 : i32
      %parallel_loop3A_614 = vector.broadcast %parallel_loop3A_613 : i32 to vector<16xi32>
      %parallel_loop3A_615 = arith.addi %parallel_loop3A_586, %parallel_loop3A_614 : vector<16xi32>
      %parallel_loop3A_616 = tpu.vector_load_idx %arg7[%parallel_loop3A_615] : memref<32768xf32, #tpu.memory_space<vmem>>[vector<16xi32>], vector<16xf32>,
      %parallel_loop3A_617 = arith.constant 5 : i32
      %parallel_loop3A_618 = arith.index_cast %parallel_loop3A_617 : i32 to index
      %parallel_loop3A_619 = arith.index_cast %parallel_loop3A_588 : i32 to index
      %parallel_loop3A_620 = tpu.vector_load %arg9[%parallel_loop3A_618, %parallel_loop3A_619] {strides = array<i32>} : memref<8x3328xf32, #tpu.memory_space<vmem>>, vector<16xf32>,
      tpu.vector_store %arg9[%parallel_loop3A_618, %parallel_loop3A_619], %parallel_loop3A_616 {strides = array<i32>} : memref<8x3328xf32, #tpu.memory_space<vmem>>, vector<16xf32>,
    } {sc.loop_unroll_factor = 4 : i64, sc.parallel_access}
    %add3A_198 = arith.constant 0 : i32
    %add3A_199 = arith.addi %mul3A_2, %add3A_198 : i32
    %jit3A_200 = arith.constant 4 : i32
    %div3A_201 = arith.divsi %add3A_199, %jit3A_200 : i32
    %sign3A_202 = arith.constant 0 : i32
    %sign3A_203 = arith.cmpi sgt, %add3A_199, %sign3A_202 : i32
    %sign3A_204 = arith.extui %sign3A_203 : i1 to i32
    %sign3A_205 = arith.constant 0 : i32
    %sign3A_206 = arith.cmpi slt, %add3A_199, %sign3A_205 : i32
    %sign3A_207 = arith.extui %sign3A_206 : i1 to i32
    %sign3A_208 = arith.subi %sign3A_204, %sign3A_207 : i32
    %sign3A_209 = arith.constant 0 : i32
    %sign3A_210 = arith.cmpi sgt, %jit3A_200, %sign3A_209 : i32
    %sign3A_211 = arith.extui %sign3A_210 : i1 to i32
    %sign3A_212 = arith.constant 0 : i32
    %sign3A_213 = arith.cmpi slt, %jit3A_200, %sign3A_212 : i32
    %sign3A_214 = arith.extui %sign3A_213 : i1 to i32
    %sign3A_215 = arith.subi %sign3A_211, %sign3A_214 : i32
    %ne3A_216 = arith.cmpi ne, %sign3A_208, %sign3A_215 : i32
    %rem3A_217 = arith.remsi %add3A_199, %jit3A_200 : i32
    %ne3A_218 = arith.constant 0 : i32
    %ne3A_219 = arith.cmpi ne, %rem3A_217, %ne3A_218 : i32
    %and3A_220 = arith.andi %ne3A_216, %ne3A_219 : i1
    %sub3A_221 = arith.constant 1 : i32
    %sub3A_222 = arith.subi %div3A_201, %sub3A_221 : i32
    %select_n3A_223 = arith.select %and3A_220, %sub3A_222, %div3A_201 : i32
    %jit3A_224 = arith.constant 4 : i32
    %eq3A_225 = arith.constant 0 : i32
    %eq3A_226 = arith.cmpi eq, %jit3A_224, %eq3A_225 : i32
    %jit3A_227 = arith.constant 1 : i32
    %select_n3A_228 = arith.select %eq3A_226, %jit3A_227, %jit3A_224 : i32
    %rem3A_229 = arith.remsi %add3A_199, %select_n3A_228 : i32
    %ne3A_230 = arith.constant 0 : i32
    %ne3A_231 = arith.cmpi ne, %rem3A_229, %ne3A_230 : i32
    %lt3A_232 = arith.constant 0 : i32
    %lt3A_233 = arith.cmpi slt, %rem3A_229, %lt3A_232 : i32
    %lt3A_234 = arith.constant 0 : i32
    %lt3A_235 = arith.cmpi slt, %select_n3A_228, %lt3A_234 : i32
    %ne3A_236 = arith.xori %lt3A_233, %lt3A_235 : i1
    %and3A_237 = arith.andi %ne3A_236, %ne3A_231 : i1
    %add3A_238 = arith.addi %rem3A_229, %select_n3A_228 : i32
    %select_n3A_239 = arith.select %and3A_237, %add3A_238, %rem3A_229 : i32
    %dma_start3A_240 = arith.constant 0 : i32
    %dma_start3A_241 = arith.constant 0 : i32
    %dma_start3A_242 = arith.constant 0 : i32
    %dma_start3A_243 = tpu.memref_slice %arg8[%dma_start3A_241, %dma_start3A_242] : memref<8x3328xf32, #tpu.memory_space<vmem>> -> memref<6x3328xf32, #tpu.memory_space<vmem>>
    %dma_start3A_244 = arith.constant 8 : i32
    %dma_start3A_245 = arith.constant 0 : i32
    %dma_start3A_246 = tpu.memref_slice %arg4[%select_n3A_223, %select_n3A_239, %dma_start3A_240, %dma_start3A_244, %dma_start3A_245] : memref<16x4x2x14x3328xf32, #tpu.memory_space<hbm>> -> memref<1x1x1x6x3328xf32, #tpu.memory_space<hbm>>
    %dma_start3A_247 = tpu.memref_squeeze %dma_start3A_246 : memref<1x1x1x6x3328xf32, #tpu.memory_space<hbm>> -> memref<6x3328xf32, #tpu.memory_space<hbm>>
    %dma_start3A_248 = arith.constant 8 : i32
    %dma_start3A_249 = arith.constant 0 : i32
    %dma_start3A_250 = tpu.memref_slice %arg4[%select_n3A_223, %select_n3A_239, %dma_start3A_240, %dma_start3A_248, %dma_start3A_249] : memref<16x4x2x14x3328xf32, #tpu.memory_space<hbm>> -> memref<1x1x1x6x3328xf32, #tpu.memory_space<hbm>>
    %dma_start3A_251 = tpu.memref_squeeze %dma_start3A_250 : memref<1x1x1x6x3328xf32, #tpu.memory_space<hbm>> -> memref<6x3328xf32, #tpu.memory_space<hbm>>
    %dma_start3A_252 = arith.constant 0 : i32
    %dma_start3A_253 = arith.constant 0 : i32
    %dma_start3A_254 = tpu.memref_slice %arg8[%dma_start3A_252, %dma_start3A_253] : memref<8x3328xf32, #tpu.memory_space<vmem>> -> memref<6x3328xf32, #tpu.memory_space<vmem>>
    tpu.enqueue_dma source(%dma_start3A_254 : memref<6x3328xf32, #tpu.memory_space<vmem>>) target(%dma_start3A_251 : memref<6x3328xf32, #tpu.memory_space<hbm>>) target_semaphore(%arg12 : memref<!tpu.dma_semaphore, #tpu.memory_space<semaphore_mem>>)
    %dma_start3A_255 = arith.constant 1 : i32
    %dma_start3A_256 = arith.constant 0 : i32
    %dma_start3A_257 = arith.constant 0 : i32
    %dma_start3A_258 = tpu.memref_slice %arg9[%dma_start3A_256, %dma_start3A_257] : memref<8x3328xf32, #tpu.memory_space<vmem>> -> memref<6x3328xf32, #tpu.memory_space<vmem>>
    %dma_start3A_259 = arith.constant 8 : i32
    %dma_start3A_260 = arith.constant 0 : i32
    %dma_start3A_261 = tpu.memref_slice %arg4[%select_n3A_223, %select_n3A_239, %dma_start3A_255, %dma_start3A_259, %dma_start3A_260] : memref<16x4x2x14x3328xf32, #tpu.memory_space<hbm>> -> memref<1x1x1x6x3328xf32, #tpu.memory_space<hbm>>
    %dma_start3A_262 = tpu.memref_squeeze %dma_start3A_261 : memref<1x1x1x6x3328xf32, #tpu.memory_space<hbm>> -> memref<6x3328xf32, #tpu.memory_space<hbm>>
    %dma_start3A_263 = arith.constant 8 : i32
    %dma_start3A_264 = arith.constant 0 : i32
    %dma_start3A_265 = tpu.memref_slice %arg4[%select_n3A_223, %select_n3A_239, %dma_start3A_255, %dma_start3A_263, %dma_start3A_264] : memref<16x4x2x14x3328xf32, #tpu.memory_space<hbm>> -> memref<1x1x1x6x3328xf32, #tpu.memory_space<hbm>>
    %dma_start3A_266 = tpu.memref_squeeze %dma_start3A_265 : memref<1x1x1x6x3328xf32, #tpu.memory_space<hbm>> -> memref<6x3328xf32, #tpu.memory_space<hbm>>
    %dma_start3A_267 = arith.constant 0 : i32
    %dma_start3A_268 = arith.constant 0 : i32
    %dma_start3A_269 = tpu.memref_slice %arg9[%dma_start3A_267, %dma_start3A_268] : memref<8x3328xf32, #tpu.memory_space<vmem>> -> memref<6x3328xf32, #tpu.memory_space<vmem>>
    tpu.enqueue_dma source(%dma_start3A_269 : memref<6x3328xf32, #tpu.memory_space<vmem>>) target(%dma_start3A_266 : memref<6x3328xf32, #tpu.memory_space<hbm>>) target_semaphore(%arg12 : memref<!tpu.dma_semaphore, #tpu.memory_space<semaphore_mem>>)
    %add3A_270 = arith.constant 1 : i32
    %add3A_271 = arith.addi %mul3A_2, %add3A_270 : i32
    %mul3A_272 = arith.constant 14 : i32
    %mul3A_273 = arith.muli %add3A_271, %mul3A_272 : i32
    %add3A_274 = arith.constant 4 : i32
    %add3A_275 = arith.addi %mul3A_273, %add3A_274 : i32
    %mul3A_276 = arith.constant 8192 : i32
    %mul3A_277 = arith.muli %add3A_275, %mul3A_276 : i32
    %dma_start3A_278 = arith.constant 0 : i32
    %dma_start3A_279 = tpu.memref_slice %arg7[%dma_start3A_278] : memref<32768xf32, #tpu.memory_space<vmem>> -> memref<32768xf32, #tpu.memory_space<vmem>>
    %dma_start3A_280 = tpu.memref_slice %arg2[%mul3A_277] : memref<7340032xf32, #tpu.memory_space<hbm>> -> memref<32768xf32, #tpu.memory_space<hbm>>
    %dma_start3A_281 = arith.constant 0 : i32
    %dma_start3A_282 = tpu.memref_slice %arg7[%dma_start3A_281] : memref<32768xf32, #tpu.memory_space<vmem>> -> memref<32768xf32, #tpu.memory_space<vmem>>
    %dma_start3A_283 = tpu.memref_slice %arg2[%mul3A_277] : memref<7340032xf32, #tpu.memory_space<hbm>> -> memref<32768xf32, #tpu.memory_space<hbm>>
    tpu.enqueue_dma source(%dma_start3A_283 : memref<32768xf32, #tpu.memory_space<hbm>>) target(%dma_start3A_282 : memref<32768xf32, #tpu.memory_space<vmem>>) target_semaphore(%arg11 : memref<!tpu.dma_semaphore, #tpu.memory_space<semaphore_mem>>)
    %dma_wait3A_284 = arith.constant 0 : i32
    %dma_wait3A_285 = tpu.memref_slice %arg6[%dma_wait3A_284] : memref<32768xf32, #tpu.memory_space<vmem>> -> memref<32768xf32, #tpu.memory_space<vmem>>
    %dma_wait3A_286 = tpu.memref_slice %arg2[%mul3A_182] : memref<7340032xf32, #tpu.memory_space<hbm>> -> memref<32768xf32, #tpu.memory_space<hbm>>
    %dma_wait3A_287 = arith.constant 0 : i32
    %dma_wait3A_288 = tpu.memref_slice %arg6[%dma_wait3A_287] : memref<32768xf32, #tpu.memory_space<vmem>> -> memref<32768xf32, #tpu.memory_space<vmem>>
    %dma_wait3A_289 = tpu.memref_slice %arg2[%mul3A_182] : memref<7340032xf32, #tpu.memory_space<hbm>> -> memref<32768xf32, #tpu.memory_space<hbm>>
    tpu.wait_dma2 semaphore(%arg10 : memref<!tpu.dma_semaphore, #tpu.memory_space<semaphore_mem>>) src(%dma_wait3A_289 : memref<32768xf32, #tpu.memory_space<hbm>>) dst(%dma_wait3A_288 : memref<32768xf32, #tpu.memory_space<vmem>>)
    %dma_wait3A_290 = arith.constant 0 : i32
    %dma_wait3A_291 = arith.constant 0 : i32
    %dma_wait3A_292 = arith.constant 0 : i32
    %dma_wait3A_293 = tpu.memref_slice %arg8[%dma_wait3A_291, %dma_wait3A_292] : memref<8x3328xf32, #tpu.memory_space<vmem>> -> memref<6x3328xf32, #tpu.memory_space<vmem>>
    %dma_wait3A_294 = arith.constant 8 : i32
    %dma_wait3A_295 = arith.constant 0 : i32
    %dma_wait3A_296 = tpu.memref_slice %arg4[%select_n3A_223, %select_n3A_239, %dma_wait3A_290, %dma_wait3A_294, %dma_wait3A_295] : memref<16x4x2x14x3328xf32, #tpu.memory_space<hbm>> -> memref<1x1x1x6x3328xf32, #tpu.memory_space<hbm>>
    %dma_wait3A_297 = tpu.memref_squeeze %dma_wait3A_296 : memref<1x1x1x6x3328xf32, #tpu.memory_space<hbm>> -> memref<6x3328xf32, #tpu.memory_space<hbm>>
    %dma_wait3A_298 = arith.constant 8 : i32
    %dma_wait3A_299 = arith.constant 0 : i32
    %dma_wait3A_300 = tpu.memref_slice %arg4[%select_n3A_223, %select_n3A_239, %dma_wait3A_290, %dma_wait3A_298, %dma_wait3A_299] : memref<16x4x2x14x3328xf32, #tpu.memory_space<hbm>> -> memref<1x1x1x6x3328xf32, #tpu.memory_space<hbm>>
    %dma_wait3A_301 = tpu.memref_squeeze %dma_wait3A_300 : memref<1x1x1x6x3328xf32, #tpu.memory_space<hbm>> -> memref<6x3328xf32, #tpu.memory_space<hbm>>
    %dma_wait3A_302 = arith.constant 0 : i32
    %dma_wait3A_303 = arith.constant 0 : i32
    %dma_wait3A_304 = tpu.memref_slice %arg8[%dma_wait3A_302, %dma_wait3A_303] : memref<8x3328xf32, #tpu.memory_space<vmem>> -> memref<6x3328xf32, #tpu.memory_space<vmem>>
    tpu.wait_dma2 semaphore(%arg12 : memref<!tpu.dma_semaphore, #tpu.memory_space<semaphore_mem>>) src(%dma_wait3A_304 : memref<6x3328xf32, #tpu.memory_space<vmem>>) dst(%dma_wait3A_301 : memref<6x3328xf32, #tpu.memory_space<hbm>>)
    %dma_wait3A_305 = arith.constant 1 : i32
    %dma_wait3A_306 = arith.constant 0 : i32
    %dma_wait3A_307 = arith.constant 0 : i32
    %dma_wait3A_308 = tpu.memref_slice %arg9[%dma_wait3A_306, %dma_wait3A_307] : memref<8x3328xf32, #tpu.memory_space<vmem>> -> memref<6x3328xf32, #tpu.memory_space<vmem>>
    %dma_wait3A_309 = arith.constant 8 : i32
    %dma_wait3A_310 = arith.constant 0 : i32
    %dma_wait3A_311 = tpu.memref_slice %arg4[%select_n3A_223, %select_n3A_239, %dma_wait3A_305, %dma_wait3A_309, %dma_wait3A_310] : memref<16x4x2x14x3328xf32, #tpu.memory_space<hbm>> -> memref<1x1x1x6x3328xf32, #tpu.memory_space<hbm>>
    %dma_wait3A_312 = tpu.memref_squeeze %dma_wait3A_311 : memref<1x1x1x6x3328xf32, #tpu.memory_space<hbm>> -> memref<6x3328xf32, #tpu.memory_space<hbm>>
    %dma_wait3A_313 = arith.constant 8 : i32
    %dma_wait3A_314 = arith.constant 0 : i32
    %dma_wait3A_315 = tpu.memref_slice %arg4[%select_n3A_223, %select_n3A_239, %dma_wait3A_305, %dma_wait3A_313, %dma_wait3A_314] : memref<16x4x2x14x3328xf32, #tpu.memory_space<hbm>> -> memref<1x1x1x6x3328xf32, #tpu.memory_space<hbm>>
    %dma_wait3A_316 = tpu.memref_squeeze %dma_wait3A_315 : memref<1x1x1x6x3328xf32, #tpu.memory_space<hbm>> -> memref<6x3328xf32, #tpu.memory_space<hbm>>
    %dma_wait3A_317 = arith.constant 0 : i32
    %dma_wait3A_318 = arith.constant 0 : i32
    %dma_wait3A_319 = tpu.memref_slice %arg9[%dma_wait3A_317, %dma_wait3A_318] : memref<8x3328xf32, #tpu.memory_space<vmem>> -> memref<6x3328xf32, #tpu.memory_space<vmem>>
    tpu.wait_dma2 semaphore(%arg12 : memref<!tpu.dma_semaphore, #tpu.memory_space<semaphore_mem>>) src(%dma_wait3A_319 : memref<6x3328xf32, #tpu.memory_space<vmem>>) dst(%dma_wait3A_316 : memref<6x3328xf32, #tpu.memory_space<hbm>>)
    %parallel_loop3A_320 = arith.constant 0 : i32
    %parallel_loop3A_321 = arith.constant 208 : i32
    %parallel_loop3A_322 = arith.constant 1 : i32
    scf.for %parallel_loop3A_582 = %parallel_loop3A_320 to %parallel_loop3A_321 step %parallel_loop3A_322  : i32 {
      %parallel_loop3A_583 = arith.constant 16 : i32
      %parallel_loop3A_584 = arith.muli %parallel_loop3A_582, %parallel_loop3A_583 : i32
      %parallel_loop3A_585 = arith.index_cast %parallel_loop3A_584 : i32 to index
      %parallel_loop3A_586 = tpu.vector_load %arg5[%parallel_loop3A_585] {strides = array<i32>} : memref<3328xi32, #tpu.memory_space<vmem>>, vector<16xi32>,
      %parallel_loop3A_587 = arith.constant 16 : i32
      %parallel_loop3A_588 = arith.muli %parallel_loop3A_582, %parallel_loop3A_587 : i32
      %parallel_loop3A_589 = arith.constant 0 : i32
      %parallel_loop3A_590 = vector.broadcast %parallel_loop3A_589 : i32 to vector<16xi32>
      %parallel_loop3A_591 = arith.addi %parallel_loop3A_586, %parallel_loop3A_590 : vector<16xi32>
      %parallel_loop3A_592 = tpu.vector_load_idx %arg6[%parallel_loop3A_591] : memref<32768xf32, #tpu.memory_space<vmem>>[vector<16xi32>], vector<16xf32>,
      %parallel_loop3A_593 = arith.constant 0 : i32
      %parallel_loop3A_594 = arith.index_cast %parallel_loop3A_593 : i32 to index
      %parallel_loop3A_595 = arith.index_cast %parallel_loop3A_588 : i32 to index
      %parallel_loop3A_596 = tpu.vector_load %arg8[%parallel_loop3A_594, %parallel_loop3A_595] {strides = array<i32>} : memref<8x3328xf32, #tpu.memory_space<vmem>>, vector<16xf32>,
      tpu.vector_store %arg8[%parallel_loop3A_594, %parallel_loop3A_595], %parallel_loop3A_592 {strides = array<i32>} : memref<8x3328xf32, #tpu.memory_space<vmem>>, vector<16xf32>,
      %parallel_loop3A_597 = arith.constant 128 : i32
      %parallel_loop3A_598 = vector.broadcast %parallel_loop3A_597 : i32 to vector<16xi32>
      %parallel_loop3A_599 = arith.addi %parallel_loop3A_586, %parallel_loop3A_598 : vector<16xi32>
      %parallel_loop3A_600 = tpu.vector_load_idx %arg6[%parallel_loop3A_599] : memref<32768xf32, #tpu.memory_space<vmem>>[vector<16xi32>], vector<16xf32>,
      %parallel_loop3A_601 = arith.constant 0 : i32
      %parallel_loop3A_602 = arith.index_cast %parallel_loop3A_601 : i32 to index
      %parallel_loop3A_603 = arith.index_cast %parallel_loop3A_588 : i32 to index
      %parallel_loop3A_604 = tpu.vector_load %arg9[%parallel_loop3A_602, %parallel_loop3A_603] {strides = array<i32>} : memref<8x3328xf32, #tpu.memory_space<vmem>>, vector<16xf32>,
      tpu.vector_store %arg9[%parallel_loop3A_602, %parallel_loop3A_603], %parallel_loop3A_600 {strides = array<i32>} : memref<8x3328xf32, #tpu.memory_space<vmem>>, vector<16xf32>,
      %parallel_loop3A_605 = arith.constant 8192 : i32
      %parallel_loop3A_606 = vector.broadcast %parallel_loop3A_605 : i32 to vector<16xi32>
      %parallel_loop3A_607 = arith.addi %parallel_loop3A_586, %parallel_loop3A_606 : vector<16xi32>
      %parallel_loop3A_608 = tpu.vector_load_idx %arg6[%parallel_loop3A_607] : memref<32768xf32, #tpu.memory_space<vmem>>[vector<16xi32>], vector<16xf32>,
      %parallel_loop3A_609 = arith.constant 1 : i32
      %parallel_loop3A_610 = arith.index_cast %parallel_loop3A_609 : i32 to index
      %parallel_loop3A_611 = arith.index_cast %parallel_loop3A_588 : i32 to index
      %parallel_loop3A_612 = tpu.vector_load %arg8[%parallel_loop3A_610, %parallel_loop3A_611] {strides = array<i32>} : memref<8x3328xf32, #tpu.memory_space<vmem>>, vector<16xf32>,
      tpu.vector_store %arg8[%parallel_loop3A_610, %parallel_loop3A_611], %parallel_loop3A_608 {strides = array<i32>} : memref<8x3328xf32, #tpu.memory_space<vmem>>, vector<16xf32>,
      %parallel_loop3A_613 = arith.constant 8320 : i32
      %parallel_loop3A_614 = vector.broadcast %parallel_loop3A_613 : i32 to vector<16xi32>
      %parallel_loop3A_615 = arith.addi %parallel_loop3A_586, %parallel_loop3A_614 : vector<16xi32>
      %parallel_loop3A_616 = tpu.vector_load_idx %arg6[%parallel_loop3A_615] : memref<32768xf32, #tpu.memory_space<vmem>>[vector<16xi32>], vector<16xf32>,
      %parallel_loop3A_617 = arith.constant 1 : i32
      %parallel_loop3A_618 = arith.index_cast %parallel_loop3A_617 : i32 to index
      %parallel_loop3A_619 = arith.index_cast %parallel_loop3A_588 : i32 to index
      %parallel_loop3A_620 = tpu.vector_load %arg9[%parallel_loop3A_618, %parallel_loop3A_619] {strides = array<i32>} : memref<8x3328xf32, #tpu.memory_space<vmem>>, vector<16xf32>,
      tpu.vector_store %arg9[%parallel_loop3A_618, %parallel_loop3A_619], %parallel_loop3A_616 {strides = array<i32>} : memref<8x3328xf32, #tpu.memory_space<vmem>>, vector<16xf32>,
      %parallel_loop3A_621 = arith.constant 16384 : i32
      %parallel_loop3A_622 = vector.broadcast %parallel_loop3A_621 : i32 to vector<16xi32>
      %parallel_loop3A_623 = arith.addi %parallel_loop3A_586, %parallel_loop3A_622 : vector<16xi32>
      %parallel_loop3A_624 = tpu.vector_load_idx %arg6[%parallel_loop3A_623] : memref<32768xf32, #tpu.memory_space<vmem>>[vector<16xi32>], vector<16xf32>,
      %parallel_loop3A_625 = arith.constant 2 : i32
      %parallel_loop3A_626 = arith.index_cast %parallel_loop3A_625 : i32 to index
      %parallel_loop3A_627 = arith.index_cast %parallel_loop3A_588 : i32 to index
      %parallel_loop3A_628 = tpu.vector_load %arg8[%parallel_loop3A_626, %parallel_loop3A_627] {strides = array<i32>} : memref<8x3328xf32, #tpu.memory_space<vmem>>, vector<16xf32>,
      tpu.vector_store %arg8[%parallel_loop3A_626, %parallel_loop3A_627], %parallel_loop3A_624 {strides = array<i32>} : memref<8x3328xf32, #tpu.memory_space<vmem>>, vector<16xf32>,
      %parallel_loop3A_629 = arith.constant 16512 : i32
      %parallel_loop3A_630 = vector.broadcast %parallel_loop3A_629 : i32 to vector<16xi32>
      %parallel_loop3A_631 = arith.addi %parallel_loop3A_586, %parallel_loop3A_630 : vector<16xi32>
      %parallel_loop3A_632 = tpu.vector_load_idx %arg6[%parallel_loop3A_631] : memref<32768xf32, #tpu.memory_space<vmem>>[vector<16xi32>], vector<16xf32>,
      %parallel_loop3A_633 = arith.constant 2 : i32
      %parallel_loop3A_634 = arith.index_cast %parallel_loop3A_633 : i32 to index
      %parallel_loop3A_635 = arith.index_cast %parallel_loop3A_588 : i32 to index
      %parallel_loop3A_636 = tpu.vector_load %arg9[%parallel_loop3A_634, %parallel_loop3A_635] {strides = array<i32>} : memref<8x3328xf32, #tpu.memory_space<vmem>>, vector<16xf32>,
      tpu.vector_store %arg9[%parallel_loop3A_634, %parallel_loop3A_635], %parallel_loop3A_632 {strides = array<i32>} : memref<8x3328xf32, #tpu.memory_space<vmem>>, vector<16xf32>,
      %parallel_loop3A_637 = arith.constant 24576 : i32
      %parallel_loop3A_638 = vector.broadcast %parallel_loop3A_637 : i32 to vector<16xi32>
      %parallel_loop3A_639 = arith.addi %parallel_loop3A_586, %parallel_loop3A_638 : vector<16xi32>
      %parallel_loop3A_640 = tpu.vector_load_idx %arg6[%parallel_loop3A_639] : memref<32768xf32, #tpu.memory_space<vmem>>[vector<16xi32>], vector<16xf32>,
      %parallel_loop3A_641 = arith.constant 3 : i32
      %parallel_loop3A_642 = arith.index_cast %parallel_loop3A_641 : i32 to index
      %parallel_loop3A_643 = arith.index_cast %parallel_loop3A_588 : i32 to index
      %parallel_loop3A_644 = tpu.vector_load %arg8[%parallel_loop3A_642, %parallel_loop3A_643] {strides = array<i32>} : memref<8x3328xf32, #tpu.memory_space<vmem>>, vector<16xf32>,
      tpu.vector_store %arg8[%parallel_loop3A_642, %parallel_loop3A_643], %parallel_loop3A_640 {strides = array<i32>} : memref<8x3328xf32, #tpu.memory_space<vmem>>, vector<16xf32>,
      %parallel_loop3A_645 = arith.constant 24704 : i32
      %parallel_loop3A_646 = vector.broadcast %parallel_loop3A_645 : i32 to vector<16xi32>
      %parallel_loop3A_647 = arith.addi %parallel_loop3A_586, %parallel_loop3A_646 : vector<16xi32>
      %parallel_loop3A_648 = tpu.vector_load_idx %arg6[%parallel_loop3A_647] : memref<32768xf32, #tpu.memory_space<vmem>>[vector<16xi32>], vector<16xf32>,
      %parallel_loop3A_649 = arith.constant 3 : i32
      %parallel_loop3A_650 = arith.index_cast %parallel_loop3A_649 : i32 to index
      %parallel_loop3A_651 = arith.index_cast %parallel_loop3A_588 : i32 to index
      %parallel_loop3A_652 = tpu.vector_load %arg9[%parallel_loop3A_650, %parallel_loop3A_651] {strides = array<i32>} : memref<8x3328xf32, #tpu.memory_space<vmem>>, vector<16xf32>,
      tpu.vector_store %arg9[%parallel_loop3A_650, %parallel_loop3A_651], %parallel_loop3A_648 {strides = array<i32>} : memref<8x3328xf32, #tpu.memory_space<vmem>>, vector<16xf32>,
    } {sc.loop_unroll_factor = 4 : i64, sc.parallel_access}
    %add3A_323 = arith.constant 1 : i32
    %add3A_324 = arith.addi %mul3A_2, %add3A_323 : i32
    %mul3A_325 = arith.constant 14 : i32
    %mul3A_326 = arith.muli %add3A_324, %mul3A_325 : i32
    %add3A_327 = arith.constant 8 : i32
    %add3A_328 = arith.addi %mul3A_326, %add3A_327 : i32
    %mul3A_329 = arith.constant 8192 : i32
    %mul3A_330 = arith.muli %add3A_328, %mul3A_329 : i32
    %dma_start3A_331 = arith.constant 0 : i32
    %dma_start3A_332 = tpu.memref_slice %arg6[%dma_start3A_331] : memref<32768xf32, #tpu.memory_space<vmem>> -> memref<32768xf32, #tpu.memory_space<vmem>>
    %dma_start3A_333 = tpu.memref_slice %arg2[%mul3A_330] : memref<7340032xf32, #tpu.memory_space<hbm>> -> memref<32768xf32, #tpu.memory_space<hbm>>
    %dma_start3A_334 = arith.constant 0 : i32
    %dma_start3A_335 = tpu.memref_slice %arg6[%dma_start3A_334] : memref<32768xf32, #tpu.memory_space<vmem>> -> memref<32768xf32, #tpu.memory_space<vmem>>
    %dma_start3A_336 = tpu.memref_slice %arg2[%mul3A_330] : memref<7340032xf32, #tpu.memory_space<hbm>> -> memref<32768xf32, #tpu.memory_space<hbm>>
    tpu.enqueue_dma source(%dma_start3A_336 : memref<32768xf32, #tpu.memory_space<hbm>>) target(%dma_start3A_335 : memref<32768xf32, #tpu.memory_space<vmem>>) target_semaphore(%arg10 : memref<!tpu.dma_semaphore, #tpu.memory_space<semaphore_mem>>)
    %dma_wait3A_337 = arith.constant 0 : i32
    %dma_wait3A_338 = tpu.memref_slice %arg7[%dma_wait3A_337] : memref<32768xf32, #tpu.memory_space<vmem>> -> memref<32768xf32, #tpu.memory_space<vmem>>
    %dma_wait3A_339 = tpu.memref_slice %arg2[%mul3A_277] : memref<7340032xf32, #tpu.memory_space<hbm>> -> memref<32768xf32, #tpu.memory_space<hbm>>
    %dma_wait3A_340 = arith.constant 0 : i32
    %dma_wait3A_341 = tpu.memref_slice %arg7[%dma_wait3A_340] : memref<32768xf32, #tpu.memory_space<vmem>> -> memref<32768xf32, #tpu.memory_space<vmem>>
    %dma_wait3A_342 = tpu.memref_slice %arg2[%mul3A_277] : memref<7340032xf32, #tpu.memory_space<hbm>> -> memref<32768xf32, #tpu.memory_space<hbm>>
    tpu.wait_dma2 semaphore(%arg11 : memref<!tpu.dma_semaphore, #tpu.memory_space<semaphore_mem>>) src(%dma_wait3A_342 : memref<32768xf32, #tpu.memory_space<hbm>>) dst(%dma_wait3A_341 : memref<32768xf32, #tpu.memory_space<vmem>>)
    %parallel_loop3A_343 = arith.constant 0 : i32
    %parallel_loop3A_344 = arith.constant 208 : i32
    %parallel_loop3A_345 = arith.constant 1 : i32
    scf.for %parallel_loop3A_582 = %parallel_loop3A_343 to %parallel_loop3A_344 step %parallel_loop3A_345  : i32 {
      %parallel_loop3A_583 = arith.constant 16 : i32
      %parallel_loop3A_584 = arith.muli %parallel_loop3A_582, %parallel_loop3A_583 : i32
      %parallel_loop3A_585 = arith.index_cast %parallel_loop3A_584 : i32 to index
      %parallel_loop3A_586 = tpu.vector_load %arg5[%parallel_loop3A_585] {strides = array<i32>} : memref<3328xi32, #tpu.memory_space<vmem>>, vector<16xi32>,
      %parallel_loop3A_587 = arith.constant 16 : i32
      %parallel_loop3A_588 = arith.muli %parallel_loop3A_582, %parallel_loop3A_587 : i32
      %parallel_loop3A_589 = arith.constant 0 : i32
      %parallel_loop3A_590 = vector.broadcast %parallel_loop3A_589 : i32 to vector<16xi32>
      %parallel_loop3A_591 = arith.addi %parallel_loop3A_586, %parallel_loop3A_590 : vector<16xi32>
      %parallel_loop3A_592 = tpu.vector_load_idx %arg7[%parallel_loop3A_591] : memref<32768xf32, #tpu.memory_space<vmem>>[vector<16xi32>], vector<16xf32>,
      %parallel_loop3A_593 = arith.constant 4 : i32
      %parallel_loop3A_594 = arith.index_cast %parallel_loop3A_593 : i32 to index
      %parallel_loop3A_595 = arith.index_cast %parallel_loop3A_588 : i32 to index
      %parallel_loop3A_596 = tpu.vector_load %arg8[%parallel_loop3A_594, %parallel_loop3A_595] {strides = array<i32>} : memref<8x3328xf32, #tpu.memory_space<vmem>>, vector<16xf32>,
      tpu.vector_store %arg8[%parallel_loop3A_594, %parallel_loop3A_595], %parallel_loop3A_592 {strides = array<i32>} : memref<8x3328xf32, #tpu.memory_space<vmem>>, vector<16xf32>,
      %parallel_loop3A_597 = arith.constant 128 : i32
      %parallel_loop3A_598 = vector.broadcast %parallel_loop3A_597 : i32 to vector<16xi32>
      %parallel_loop3A_599 = arith.addi %parallel_loop3A_586, %parallel_loop3A_598 : vector<16xi32>
      %parallel_loop3A_600 = tpu.vector_load_idx %arg7[%parallel_loop3A_599] : memref<32768xf32, #tpu.memory_space<vmem>>[vector<16xi32>], vector<16xf32>,
      %parallel_loop3A_601 = arith.constant 4 : i32
      %parallel_loop3A_602 = arith.index_cast %parallel_loop3A_601 : i32 to index
      %parallel_loop3A_603 = arith.index_cast %parallel_loop3A_588 : i32 to index
      %parallel_loop3A_604 = tpu.vector_load %arg9[%parallel_loop3A_602, %parallel_loop3A_603] {strides = array<i32>} : memref<8x3328xf32, #tpu.memory_space<vmem>>, vector<16xf32>,
      tpu.vector_store %arg9[%parallel_loop3A_602, %parallel_loop3A_603], %parallel_loop3A_600 {strides = array<i32>} : memref<8x3328xf32, #tpu.memory_space<vmem>>, vector<16xf32>,
      %parallel_loop3A_605 = arith.constant 8192 : i32
      %parallel_loop3A_606 = vector.broadcast %parallel_loop3A_605 : i32 to vector<16xi32>
      %parallel_loop3A_607 = arith.addi %parallel_loop3A_586, %parallel_loop3A_606 : vector<16xi32>
      %parallel_loop3A_608 = tpu.vector_load_idx %arg7[%parallel_loop3A_607] : memref<32768xf32, #tpu.memory_space<vmem>>[vector<16xi32>], vector<16xf32>,
      %parallel_loop3A_609 = arith.constant 5 : i32
      %parallel_loop3A_610 = arith.index_cast %parallel_loop3A_609 : i32 to index
      %parallel_loop3A_611 = arith.index_cast %parallel_loop3A_588 : i32 to index
      %parallel_loop3A_612 = tpu.vector_load %arg8[%parallel_loop3A_610, %parallel_loop3A_611] {strides = array<i32>} : memref<8x3328xf32, #tpu.memory_space<vmem>>, vector<16xf32>,
      tpu.vector_store %arg8[%parallel_loop3A_610, %parallel_loop3A_611], %parallel_loop3A_608 {strides = array<i32>} : memref<8x3328xf32, #tpu.memory_space<vmem>>, vector<16xf32>,
      %parallel_loop3A_613 = arith.constant 8320 : i32
      %parallel_loop3A_614 = vector.broadcast %parallel_loop3A_613 : i32 to vector<16xi32>
      %parallel_loop3A_615 = arith.addi %parallel_loop3A_586, %parallel_loop3A_614 : vector<16xi32>
      %parallel_loop3A_616 = tpu.vector_load_idx %arg7[%parallel_loop3A_615] : memref<32768xf32, #tpu.memory_space<vmem>>[vector<16xi32>], vector<16xf32>,
      %parallel_loop3A_617 = arith.constant 5 : i32
      %parallel_loop3A_618 = arith.index_cast %parallel_loop3A_617 : i32 to index
      %parallel_loop3A_619 = arith.index_cast %parallel_loop3A_588 : i32 to index
      %parallel_loop3A_620 = tpu.vector_load %arg9[%parallel_loop3A_618, %parallel_loop3A_619] {strides = array<i32>} : memref<8x3328xf32, #tpu.memory_space<vmem>>, vector<16xf32>,
      tpu.vector_store %arg9[%parallel_loop3A_618, %parallel_loop3A_619], %parallel_loop3A_616 {strides = array<i32>} : memref<8x3328xf32, #tpu.memory_space<vmem>>, vector<16xf32>,
      %parallel_loop3A_621 = arith.constant 16384 : i32
      %parallel_loop3A_622 = vector.broadcast %parallel_loop3A_621 : i32 to vector<16xi32>
      %parallel_loop3A_623 = arith.addi %parallel_loop3A_586, %parallel_loop3A_622 : vector<16xi32>
      %parallel_loop3A_624 = tpu.vector_load_idx %arg7[%parallel_loop3A_623] : memref<32768xf32, #tpu.memory_space<vmem>>[vector<16xi32>], vector<16xf32>,
      %parallel_loop3A_625 = arith.constant 6 : i32
      %parallel_loop3A_626 = arith.index_cast %parallel_loop3A_625 : i32 to index
      %parallel_loop3A_627 = arith.index_cast %parallel_loop3A_588 : i32 to index
      %parallel_loop3A_628 = tpu.vector_load %arg8[%parallel_loop3A_626, %parallel_loop3A_627] {strides = array<i32>} : memref<8x3328xf32, #tpu.memory_space<vmem>>, vector<16xf32>,
      tpu.vector_store %arg8[%parallel_loop3A_626, %parallel_loop3A_627], %parallel_loop3A_624 {strides = array<i32>} : memref<8x3328xf32, #tpu.memory_space<vmem>>, vector<16xf32>,
      %parallel_loop3A_629 = arith.constant 16512 : i32
      %parallel_loop3A_630 = vector.broadcast %parallel_loop3A_629 : i32 to vector<16xi32>
      %parallel_loop3A_631 = arith.addi %parallel_loop3A_586, %parallel_loop3A_630 : vector<16xi32>
      %parallel_loop3A_632 = tpu.vector_load_idx %arg7[%parallel_loop3A_631] : memref<32768xf32, #tpu.memory_space<vmem>>[vector<16xi32>], vector<16xf32>,
      %parallel_loop3A_633 = arith.constant 6 : i32
      %parallel_loop3A_634 = arith.index_cast %parallel_loop3A_633 : i32 to index
      %parallel_loop3A_635 = arith.index_cast %parallel_loop3A_588 : i32 to index
      %parallel_loop3A_636 = tpu.vector_load %arg9[%parallel_loop3A_634, %parallel_loop3A_635] {strides = array<i32>} : memref<8x3328xf32, #tpu.memory_space<vmem>>, vector<16xf32>,
      tpu.vector_store %arg9[%parallel_loop3A_634, %parallel_loop3A_635], %parallel_loop3A_632 {strides = array<i32>} : memref<8x3328xf32, #tpu.memory_space<vmem>>, vector<16xf32>,
      %parallel_loop3A_637 = arith.constant 24576 : i32
      %parallel_loop3A_638 = vector.broadcast %parallel_loop3A_637 : i32 to vector<16xi32>
      %parallel_loop3A_639 = arith.addi %parallel_loop3A_586, %parallel_loop3A_638 : vector<16xi32>
      %parallel_loop3A_640 = tpu.vector_load_idx %arg7[%parallel_loop3A_639] : memref<32768xf32, #tpu.memory_space<vmem>>[vector<16xi32>], vector<16xf32>,
      %parallel_loop3A_641 = arith.constant 7 : i32
      %parallel_loop3A_642 = arith.index_cast %parallel_loop3A_641 : i32 to index
      %parallel_loop3A_643 = arith.index_cast %parallel_loop3A_588 : i32 to index
      %parallel_loop3A_644 = tpu.vector_load %arg8[%parallel_loop3A_642, %parallel_loop3A_643] {strides = array<i32>} : memref<8x3328xf32, #tpu.memory_space<vmem>>, vector<16xf32>,
      tpu.vector_store %arg8[%parallel_loop3A_642, %parallel_loop3A_643], %parallel_loop3A_640 {strides = array<i32>} : memref<8x3328xf32, #tpu.memory_space<vmem>>, vector<16xf32>,
      %parallel_loop3A_645 = arith.constant 24704 : i32
      %parallel_loop3A_646 = vector.broadcast %parallel_loop3A_645 : i32 to vector<16xi32>
      %parallel_loop3A_647 = arith.addi %parallel_loop3A_586, %parallel_loop3A_646 : vector<16xi32>
      %parallel_loop3A_648 = tpu.vector_load_idx %arg7[%parallel_loop3A_647] : memref<32768xf32, #tpu.memory_space<vmem>>[vector<16xi32>], vector<16xf32>,
      %parallel_loop3A_649 = arith.constant 7 : i32
      %parallel_loop3A_650 = arith.index_cast %parallel_loop3A_649 : i32 to index
      %parallel_loop3A_651 = arith.index_cast %parallel_loop3A_588 : i32 to index
      %parallel_loop3A_652 = tpu.vector_load %arg9[%parallel_loop3A_650, %parallel_loop3A_651] {strides = array<i32>} : memref<8x3328xf32, #tpu.memory_space<vmem>>, vector<16xf32>,
      tpu.vector_store %arg9[%parallel_loop3A_650, %parallel_loop3A_651], %parallel_loop3A_648 {strides = array<i32>} : memref<8x3328xf32, #tpu.memory_space<vmem>>, vector<16xf32>,
    } {sc.loop_unroll_factor = 4 : i64, sc.parallel_access}
    %add3A_346 = arith.constant 1 : i32
    %add3A_347 = arith.addi %mul3A_2, %add3A_346 : i32
    %jit3A_348 = arith.constant 4 : i32
    %div3A_349 = arith.divsi %add3A_347, %jit3A_348 : i32
    %sign3A_350 = arith.constant 0 : i32
    %sign3A_351 = arith.cmpi sgt, %add3A_347, %sign3A_350 : i32
    %sign3A_352 = arith.extui %sign3A_351 : i1 to i32
    %sign3A_353 = arith.constant 0 : i32
    %sign3A_354 = arith.cmpi slt, %add3A_347, %sign3A_353 : i32
    %sign3A_355 = arith.extui %sign3A_354 : i1 to i32
    %sign3A_356 = arith.subi %sign3A_352, %sign3A_355 : i32
    %sign3A_357 = arith.constant 0 : i32
    %sign3A_358 = arith.cmpi sgt, %jit3A_348, %sign3A_357 : i32
    %sign3A_359 = arith.extui %sign3A_358 : i1 to i32
    %sign3A_360 = arith.constant 0 : i32
    %sign3A_361 = arith.cmpi slt, %jit3A_348, %sign3A_360 : i32
    %sign3A_362 = arith.extui %sign3A_361 : i1 to i32
    %sign3A_363 = arith.subi %sign3A_359, %sign3A_362 : i32
    %ne3A_364 = arith.cmpi ne, %sign3A_356, %sign3A_363 : i32
    %rem3A_365 = arith.remsi %add3A_347, %jit3A_348 : i32
    %ne3A_366 = arith.constant 0 : i32
    %ne3A_367 = arith.cmpi ne, %rem3A_365, %ne3A_366 : i32
    %and3A_368 = arith.andi %ne3A_364, %ne3A_367 : i1
    %sub3A_369 = arith.constant 1 : i32
    %sub3A_370 = arith.subi %div3A_349, %sub3A_369 : i32
    %select_n3A_371 = arith.select %and3A_368, %sub3A_370, %div3A_349 : i32
    %jit3A_372 = arith.constant 4 : i32
    %eq3A_373 = arith.constant 0 : i32
    %eq3A_374 = arith.cmpi eq, %jit3A_372, %eq3A_373 : i32
    %jit3A_375 = arith.constant 1 : i32
    %select_n3A_376 = arith.select %eq3A_374, %jit3A_375, %jit3A_372 : i32
    %rem3A_377 = arith.remsi %add3A_347, %select_n3A_376 : i32
    %ne3A_378 = arith.constant 0 : i32
    %ne3A_379 = arith.cmpi ne, %rem3A_377, %ne3A_378 : i32
    %lt3A_380 = arith.constant 0 : i32
    %lt3A_381 = arith.cmpi slt, %rem3A_377, %lt3A_380 : i32
    %lt3A_382 = arith.constant 0 : i32
    %lt3A_383 = arith.cmpi slt, %select_n3A_376, %lt3A_382 : i32
    %ne3A_384 = arith.xori %lt3A_381, %lt3A_383 : i1
    %and3A_385 = arith.andi %ne3A_384, %ne3A_379 : i1
    %add3A_386 = arith.addi %rem3A_377, %select_n3A_376 : i32
    %select_n3A_387 = arith.select %and3A_385, %add3A_386, %rem3A_377 : i32
    %dma_start3A_388 = arith.constant 0 : i32
    %dma_start3A_389 = arith.constant 0 : i32
    %dma_start3A_390 = arith.constant 0 : i32
    %dma_start3A_391 = tpu.memref_slice %arg8[%dma_start3A_389, %dma_start3A_390] : memref<8x3328xf32, #tpu.memory_space<vmem>> -> memref<8x3328xf32, #tpu.memory_space<vmem>>
    %dma_start3A_392 = arith.constant 0 : i32
    %dma_start3A_393 = arith.constant 0 : i32
    %dma_start3A_394 = tpu.memref_slice %arg4[%select_n3A_371, %select_n3A_387, %dma_start3A_388, %dma_start3A_392, %dma_start3A_393] : memref<16x4x2x14x3328xf32, #tpu.memory_space<hbm>> -> memref<1x1x1x8x3328xf32, #tpu.memory_space<hbm>>
    %dma_start3A_395 = tpu.memref_squeeze %dma_start3A_394 : memref<1x1x1x8x3328xf32, #tpu.memory_space<hbm>> -> memref<8x3328xf32, #tpu.memory_space<hbm>>
    %dma_start3A_396 = arith.constant 0 : i32
    %dma_start3A_397 = arith.constant 0 : i32
    %dma_start3A_398 = tpu.memref_slice %arg4[%select_n3A_371, %select_n3A_387, %dma_start3A_388, %dma_start3A_396, %dma_start3A_397] : memref<16x4x2x14x3328xf32, #tpu.memory_space<hbm>> -> memref<1x1x1x8x3328xf32, #tpu.memory_space<hbm>>
    %dma_start3A_399 = tpu.memref_squeeze %dma_start3A_398 : memref<1x1x1x8x3328xf32, #tpu.memory_space<hbm>> -> memref<8x3328xf32, #tpu.memory_space<hbm>>
    %dma_start3A_400 = arith.constant 0 : i32
    %dma_start3A_401 = arith.constant 0 : i32
    %dma_start3A_402 = tpu.memref_slice %arg8[%dma_start3A_400, %dma_start3A_401] : memref<8x3328xf32, #tpu.memory_space<vmem>> -> memref<8x3328xf32, #tpu.memory_space<vmem>>
    tpu.enqueue_dma source(%dma_start3A_402 : memref<8x3328xf32, #tpu.memory_space<vmem>>) target(%dma_start3A_399 : memref<8x3328xf32, #tpu.memory_space<hbm>>) target_semaphore(%arg12 : memref<!tpu.dma_semaphore, #tpu.memory_space<semaphore_mem>>)
    %dma_start3A_403 = arith.constant 1 : i32
    %dma_start3A_404 = arith.constant 0 : i32
    %dma_start3A_405 = arith.constant 0 : i32
    %dma_start3A_406 = tpu.memref_slice %arg9[%dma_start3A_404, %dma_start3A_405] : memref<8x3328xf32, #tpu.memory_space<vmem>> -> memref<8x3328xf32, #tpu.memory_space<vmem>>
    %dma_start3A_407 = arith.constant 0 : i32
    %dma_start3A_408 = arith.constant 0 : i32
    %dma_start3A_409 = tpu.memref_slice %arg4[%select_n3A_371, %select_n3A_387, %dma_start3A_403, %dma_start3A_407, %dma_start3A_408] : memref<16x4x2x14x3328xf32, #tpu.memory_space<hbm>> -> memref<1x1x1x8x3328xf32, #tpu.memory_space<hbm>>
    %dma_start3A_410 = tpu.memref_squeeze %dma_start3A_409 : memref<1x1x1x8x3328xf32, #tpu.memory_space<hbm>> -> memref<8x3328xf32, #tpu.memory_space<hbm>>
    %dma_start3A_411 = arith.constant 0 : i32
    %dma_start3A_412 = arith.constant 0 : i32
    %dma_start3A_413 = tpu.memref_slice %arg4[%select_n3A_371, %select_n3A_387, %dma_start3A_403, %dma_start3A_411, %dma_start3A_412] : memref<16x4x2x14x3328xf32, #tpu.memory_space<hbm>> -> memref<1x1x1x8x3328xf32, #tpu.memory_space<hbm>>
    %dma_start3A_414 = tpu.memref_squeeze %dma_start3A_413 : memref<1x1x1x8x3328xf32, #tpu.memory_space<hbm>> -> memref<8x3328xf32, #tpu.memory_space<hbm>>
    %dma_start3A_415 = arith.constant 0 : i32
    %dma_start3A_416 = arith.constant 0 : i32
    %dma_start3A_417 = tpu.memref_slice %arg9[%dma_start3A_415, %dma_start3A_416] : memref<8x3328xf32, #tpu.memory_space<vmem>> -> memref<8x3328xf32, #tpu.memory_space<vmem>>
    tpu.enqueue_dma source(%dma_start3A_417 : memref<8x3328xf32, #tpu.memory_space<vmem>>) target(%dma_start3A_414 : memref<8x3328xf32, #tpu.memory_space<hbm>>) target_semaphore(%arg12 : memref<!tpu.dma_semaphore, #tpu.memory_space<semaphore_mem>>)
    %add3A_418 = arith.constant 1 : i32
    %add3A_419 = arith.addi %mul3A_2, %add3A_418 : i32
    %mul3A_420 = arith.constant 14 : i32
    %mul3A_421 = arith.muli %add3A_419, %mul3A_420 : i32
    %add3A_422 = arith.constant 12 : i32
    %add3A_423 = arith.addi %mul3A_421, %add3A_422 : i32
    %mul3A_424 = arith.constant 8192 : i32
    %mul3A_425 = arith.muli %add3A_423, %mul3A_424 : i32
    %dma_start3A_426 = arith.constant 0 : i32
    %dma_start3A_427 = tpu.memref_slice %arg7[%dma_start3A_426] : memref<32768xf32, #tpu.memory_space<vmem>> -> memref<16384xf32, #tpu.memory_space<vmem>>
    %dma_start3A_428 = tpu.memref_slice %arg2[%mul3A_425] : memref<7340032xf32, #tpu.memory_space<hbm>> -> memref<16384xf32, #tpu.memory_space<hbm>>
    %dma_start3A_429 = arith.constant 0 : i32
    %dma_start3A_430 = tpu.memref_slice %arg7[%dma_start3A_429] : memref<32768xf32, #tpu.memory_space<vmem>> -> memref<16384xf32, #tpu.memory_space<vmem>>
    %dma_start3A_431 = tpu.memref_slice %arg2[%mul3A_425] : memref<7340032xf32, #tpu.memory_space<hbm>> -> memref<16384xf32, #tpu.memory_space<hbm>>
    tpu.enqueue_dma source(%dma_start3A_431 : memref<16384xf32, #tpu.memory_space<hbm>>) target(%dma_start3A_430 : memref<16384xf32, #tpu.memory_space<vmem>>) target_semaphore(%arg11 : memref<!tpu.dma_semaphore, #tpu.memory_space<semaphore_mem>>)
    %dma_wait3A_432 = arith.constant 0 : i32
    %dma_wait3A_433 = tpu.memref_slice %arg6[%dma_wait3A_432] : memref<32768xf32, #tpu.memory_space<vmem>> -> memref<32768xf32, #tpu.memory_space<vmem>>
    %dma_wait3A_434 = tpu.memref_slice %arg2[%mul3A_330] : memref<7340032xf32, #tpu.memory_space<hbm>> -> memref<32768xf32, #tpu.memory_space<hbm>>
    %dma_wait3A_435 = arith.constant 0 : i32
    %dma_wait3A_436 = tpu.memref_slice %arg6[%dma_wait3A_435] : memref<32768xf32, #tpu.memory_space<vmem>> -> memref<32768xf32, #tpu.memory_space<vmem>>
    %dma_wait3A_437 = tpu.memref_slice %arg2[%mul3A_330] : memref<7340032xf32, #tpu.memory_space<hbm>> -> memref<32768xf32, #tpu.memory_space<hbm>>
    tpu.wait_dma2 semaphore(%arg10 : memref<!tpu.dma_semaphore, #tpu.memory_space<semaphore_mem>>) src(%dma_wait3A_437 : memref<32768xf32, #tpu.memory_space<hbm>>) dst(%dma_wait3A_436 : memref<32768xf32, #tpu.memory_space<vmem>>)
    %dma_wait3A_438 = arith.constant 0 : i32
    %dma_wait3A_439 = arith.constant 0 : i32
    %dma_wait3A_440 = arith.constant 0 : i32
    %dma_wait3A_441 = tpu.memref_slice %arg8[%dma_wait3A_439, %dma_wait3A_440] : memref<8x3328xf32, #tpu.memory_space<vmem>> -> memref<8x3328xf32, #tpu.memory_space<vmem>>
    %dma_wait3A_442 = arith.constant 0 : i32
    %dma_wait3A_443 = arith.constant 0 : i32
    %dma_wait3A_444 = tpu.memref_slice %arg4[%select_n3A_371, %select_n3A_387, %dma_wait3A_438, %dma_wait3A_442, %dma_wait3A_443] : memref<16x4x2x14x3328xf32, #tpu.memory_space<hbm>> -> memref<1x1x1x8x3328xf32, #tpu.memory_space<hbm>>
    %dma_wait3A_445 = tpu.memref_squeeze %dma_wait3A_444 : memref<1x1x1x8x3328xf32, #tpu.memory_space<hbm>> -> memref<8x3328xf32, #tpu.memory_space<hbm>>
    %dma_wait3A_446 = arith.constant 0 : i32
    %dma_wait3A_447 = arith.constant 0 : i32
    %dma_wait3A_448 = tpu.memref_slice %arg4[%select_n3A_371, %select_n3A_387, %dma_wait3A_438, %dma_wait3A_446, %dma_wait3A_447] : memref<16x4x2x14x3328xf32, #tpu.memory_space<hbm>> -> memref<1x1x1x8x3328xf32, #tpu.memory_space<hbm>>
    %dma_wait3A_449 = tpu.memref_squeeze %dma_wait3A_448 : memref<1x1x1x8x3328xf32, #tpu.memory_space<hbm>> -> memref<8x3328xf32, #tpu.memory_space<hbm>>
    %dma_wait3A_450 = arith.constant 0 : i32
    %dma_wait3A_451 = arith.constant 0 : i32
    %dma_wait3A_452 = tpu.memref_slice %arg8[%dma_wait3A_450, %dma_wait3A_451] : memref<8x3328xf32, #tpu.memory_space<vmem>> -> memref<8x3328xf32, #tpu.memory_space<vmem>>
    tpu.wait_dma2 semaphore(%arg12 : memref<!tpu.dma_semaphore, #tpu.memory_space<semaphore_mem>>) src(%dma_wait3A_452 : memref<8x3328xf32, #tpu.memory_space<vmem>>) dst(%dma_wait3A_449 : memref<8x3328xf32, #tpu.memory_space<hbm>>)
    %dma_wait3A_453 = arith.constant 1 : i32
    %dma_wait3A_454 = arith.constant 0 : i32
    %dma_wait3A_455 = arith.constant 0 : i32
    %dma_wait3A_456 = tpu.memref_slice %arg9[%dma_wait3A_454, %dma_wait3A_455] : memref<8x3328xf32, #tpu.memory_space<vmem>> -> memref<8x3328xf32, #tpu.memory_space<vmem>>
    %dma_wait3A_457 = arith.constant 0 : i32
    %dma_wait3A_458 = arith.constant 0 : i32
    %dma_wait3A_459 = tpu.memref_slice %arg4[%select_n3A_371, %select_n3A_387, %dma_wait3A_453, %dma_wait3A_457, %dma_wait3A_458] : memref<16x4x2x14x3328xf32, #tpu.memory_space<hbm>> -> memref<1x1x1x8x3328xf32, #tpu.memory_space<hbm>>
    %dma_wait3A_460 = tpu.memref_squeeze %dma_wait3A_459 : memref<1x1x1x8x3328xf32, #tpu.memory_space<hbm>> -> memref<8x3328xf32, #tpu.memory_space<hbm>>
    %dma_wait3A_461 = arith.constant 0 : i32
    %dma_wait3A_462 = arith.constant 0 : i32
    %dma_wait3A_463 = tpu.memref_slice %arg4[%select_n3A_371, %select_n3A_387, %dma_wait3A_453, %dma_wait3A_461, %dma_wait3A_462] : memref<16x4x2x14x3328xf32, #tpu.memory_space<hbm>> -> memref<1x1x1x8x3328xf32, #tpu.memory_space<hbm>>
    %dma_wait3A_464 = tpu.memref_squeeze %dma_wait3A_463 : memref<1x1x1x8x3328xf32, #tpu.memory_space<hbm>> -> memref<8x3328xf32, #tpu.memory_space<hbm>>
    %dma_wait3A_465 = arith.constant 0 : i32
    %dma_wait3A_466 = arith.constant 0 : i32
    %dma_wait3A_467 = tpu.memref_slice %arg9[%dma_wait3A_465, %dma_wait3A_466] : memref<8x3328xf32, #tpu.memory_space<vmem>> -> memref<8x3328xf32, #tpu.memory_space<vmem>>
    tpu.wait_dma2 semaphore(%arg12 : memref<!tpu.dma_semaphore, #tpu.memory_space<semaphore_mem>>) src(%dma_wait3A_467 : memref<8x3328xf32, #tpu.memory_space<vmem>>) dst(%dma_wait3A_464 : memref<8x3328xf32, #tpu.memory_space<hbm>>)
    %parallel_loop3A_468 = arith.constant 0 : i32
    %parallel_loop3A_469 = arith.constant 208 : i32
    %parallel_loop3A_470 = arith.constant 1 : i32
    scf.for %parallel_loop3A_582 = %parallel_loop3A_468 to %parallel_loop3A_469 step %parallel_loop3A_470  : i32 {
      %parallel_loop3A_583 = arith.constant 16 : i32
      %parallel_loop3A_584 = arith.muli %parallel_loop3A_582, %parallel_loop3A_583 : i32
      %parallel_loop3A_585 = arith.index_cast %parallel_loop3A_584 : i32 to index
      %parallel_loop3A_586 = tpu.vector_load %arg5[%parallel_loop3A_585] {strides = array<i32>} : memref<3328xi32, #tpu.memory_space<vmem>>, vector<16xi32>,
      %parallel_loop3A_587 = arith.constant 16 : i32
      %parallel_loop3A_588 = arith.muli %parallel_loop3A_582, %parallel_loop3A_587 : i32
      %parallel_loop3A_589 = arith.constant 0 : i32
      %parallel_loop3A_590 = vector.broadcast %parallel_loop3A_589 : i32 to vector<16xi32>
      %parallel_loop3A_591 = arith.addi %parallel_loop3A_586, %parallel_loop3A_590 : vector<16xi32>
      %parallel_loop3A_592 = tpu.vector_load_idx %arg6[%parallel_loop3A_591] : memref<32768xf32, #tpu.memory_space<vmem>>[vector<16xi32>], vector<16xf32>,
      %parallel_loop3A_593 = arith.constant 0 : i32
      %parallel_loop3A_594 = arith.index_cast %parallel_loop3A_593 : i32 to index
      %parallel_loop3A_595 = arith.index_cast %parallel_loop3A_588 : i32 to index
      %parallel_loop3A_596 = tpu.vector_load %arg8[%parallel_loop3A_594, %parallel_loop3A_595] {strides = array<i32>} : memref<8x3328xf32, #tpu.memory_space<vmem>>, vector<16xf32>,
      tpu.vector_store %arg8[%parallel_loop3A_594, %parallel_loop3A_595], %parallel_loop3A_592 {strides = array<i32>} : memref<8x3328xf32, #tpu.memory_space<vmem>>, vector<16xf32>,
      %parallel_loop3A_597 = arith.constant 128 : i32
      %parallel_loop3A_598 = vector.broadcast %parallel_loop3A_597 : i32 to vector<16xi32>
      %parallel_loop3A_599 = arith.addi %parallel_loop3A_586, %parallel_loop3A_598 : vector<16xi32>
      %parallel_loop3A_600 = tpu.vector_load_idx %arg6[%parallel_loop3A_599] : memref<32768xf32, #tpu.memory_space<vmem>>[vector<16xi32>], vector<16xf32>,
      %parallel_loop3A_601 = arith.constant 0 : i32
      %parallel_loop3A_602 = arith.index_cast %parallel_loop3A_601 : i32 to index
      %parallel_loop3A_603 = arith.index_cast %parallel_loop3A_588 : i32 to index
      %parallel_loop3A_604 = tpu.vector_load %arg9[%parallel_loop3A_602, %parallel_loop3A_603] {strides = array<i32>} : memref<8x3328xf32, #tpu.memory_space<vmem>>, vector<16xf32>,
      tpu.vector_store %arg9[%parallel_loop3A_602, %parallel_loop3A_603], %parallel_loop3A_600 {strides = array<i32>} : memref<8x3328xf32, #tpu.memory_space<vmem>>, vector<16xf32>,
      %parallel_loop3A_605 = arith.constant 8192 : i32
      %parallel_loop3A_606 = vector.broadcast %parallel_loop3A_605 : i32 to vector<16xi32>
      %parallel_loop3A_607 = arith.addi %parallel_loop3A_586, %parallel_loop3A_606 : vector<16xi32>
      %parallel_loop3A_608 = tpu.vector_load_idx %arg6[%parallel_loop3A_607] : memref<32768xf32, #tpu.memory_space<vmem>>[vector<16xi32>], vector<16xf32>,
      %parallel_loop3A_609 = arith.constant 1 : i32
      %parallel_loop3A_610 = arith.index_cast %parallel_loop3A_609 : i32 to index
      %parallel_loop3A_611 = arith.index_cast %parallel_loop3A_588 : i32 to index
      %parallel_loop3A_612 = tpu.vector_load %arg8[%parallel_loop3A_610, %parallel_loop3A_611] {strides = array<i32>} : memref<8x3328xf32, #tpu.memory_space<vmem>>, vector<16xf32>,
      tpu.vector_store %arg8[%parallel_loop3A_610, %parallel_loop3A_611], %parallel_loop3A_608 {strides = array<i32>} : memref<8x3328xf32, #tpu.memory_space<vmem>>, vector<16xf32>,
      %parallel_loop3A_613 = arith.constant 8320 : i32
      %parallel_loop3A_614 = vector.broadcast %parallel_loop3A_613 : i32 to vector<16xi32>
      %parallel_loop3A_615 = arith.addi %parallel_loop3A_586, %parallel_loop3A_614 : vector<16xi32>
      %parallel_loop3A_616 = tpu.vector_load_idx %arg6[%parallel_loop3A_615] : memref<32768xf32, #tpu.memory_space<vmem>>[vector<16xi32>], vector<16xf32>,
      %parallel_loop3A_617 = arith.constant 1 : i32
      %parallel_loop3A_618 = arith.index_cast %parallel_loop3A_617 : i32 to index
      %parallel_loop3A_619 = arith.index_cast %parallel_loop3A_588 : i32 to index
      %parallel_loop3A_620 = tpu.vector_load %arg9[%parallel_loop3A_618, %parallel_loop3A_619] {strides = array<i32>} : memref<8x3328xf32, #tpu.memory_space<vmem>>, vector<16xf32>,
      tpu.vector_store %arg9[%parallel_loop3A_618, %parallel_loop3A_619], %parallel_loop3A_616 {strides = array<i32>} : memref<8x3328xf32, #tpu.memory_space<vmem>>, vector<16xf32>,
      %parallel_loop3A_621 = arith.constant 16384 : i32
      %parallel_loop3A_622 = vector.broadcast %parallel_loop3A_621 : i32 to vector<16xi32>
      %parallel_loop3A_623 = arith.addi %parallel_loop3A_586, %parallel_loop3A_622 : vector<16xi32>
      %parallel_loop3A_624 = tpu.vector_load_idx %arg6[%parallel_loop3A_623] : memref<32768xf32, #tpu.memory_space<vmem>>[vector<16xi32>], vector<16xf32>,
      %parallel_loop3A_625 = arith.constant 2 : i32
      %parallel_loop3A_626 = arith.index_cast %parallel_loop3A_625 : i32 to index
      %parallel_loop3A_627 = arith.index_cast %parallel_loop3A_588 : i32 to index
      %parallel_loop3A_628 = tpu.vector_load %arg8[%parallel_loop3A_626, %parallel_loop3A_627] {strides = array<i32>} : memref<8x3328xf32, #tpu.memory_space<vmem>>, vector<16xf32>,
      tpu.vector_store %arg8[%parallel_loop3A_626, %parallel_loop3A_627], %parallel_loop3A_624 {strides = array<i32>} : memref<8x3328xf32, #tpu.memory_space<vmem>>, vector<16xf32>,
      %parallel_loop3A_629 = arith.constant 16512 : i32
      %parallel_loop3A_630 = vector.broadcast %parallel_loop3A_629 : i32 to vector<16xi32>
      %parallel_loop3A_631 = arith.addi %parallel_loop3A_586, %parallel_loop3A_630 : vector<16xi32>
      %parallel_loop3A_632 = tpu.vector_load_idx %arg6[%parallel_loop3A_631] : memref<32768xf32, #tpu.memory_space<vmem>>[vector<16xi32>], vector<16xf32>,
      %parallel_loop3A_633 = arith.constant 2 : i32
      %parallel_loop3A_634 = arith.index_cast %parallel_loop3A_633 : i32 to index
      %parallel_loop3A_635 = arith.index_cast %parallel_loop3A_588 : i32 to index
      %parallel_loop3A_636 = tpu.vector_load %arg9[%parallel_loop3A_634, %parallel_loop3A_635] {strides = array<i32>} : memref<8x3328xf32, #tpu.memory_space<vmem>>, vector<16xf32>,
      tpu.vector_store %arg9[%parallel_loop3A_634, %parallel_loop3A_635], %parallel_loop3A_632 {strides = array<i32>} : memref<8x3328xf32, #tpu.memory_space<vmem>>, vector<16xf32>,
      %parallel_loop3A_637 = arith.constant 24576 : i32
      %parallel_loop3A_638 = vector.broadcast %parallel_loop3A_637 : i32 to vector<16xi32>
      %parallel_loop3A_639 = arith.addi %parallel_loop3A_586, %parallel_loop3A_638 : vector<16xi32>
      %parallel_loop3A_640 = tpu.vector_load_idx %arg6[%parallel_loop3A_639] : memref<32768xf32, #tpu.memory_space<vmem>>[vector<16xi32>], vector<16xf32>,
      %parallel_loop3A_641 = arith.constant 3 : i32
      %parallel_loop3A_642 = arith.index_cast %parallel_loop3A_641 : i32 to index
      %parallel_loop3A_643 = arith.index_cast %parallel_loop3A_588 : i32 to index
      %parallel_loop3A_644 = tpu.vector_load %arg8[%parallel_loop3A_642, %parallel_loop3A_643] {strides = array<i32>} : memref<8x3328xf32, #tpu.memory_space<vmem>>, vector<16xf32>,
      tpu.vector_store %arg8[%parallel_loop3A_642, %parallel_loop3A_643], %parallel_loop3A_640 {strides = array<i32>} : memref<8x3328xf32, #tpu.memory_space<vmem>>, vector<16xf32>,
      %parallel_loop3A_645 = arith.constant 24704 : i32
      %parallel_loop3A_646 = vector.broadcast %parallel_loop3A_645 : i32 to vector<16xi32>
      %parallel_loop3A_647 = arith.addi %parallel_loop3A_586, %parallel_loop3A_646 : vector<16xi32>
      %parallel_loop3A_648 = tpu.vector_load_idx %arg6[%parallel_loop3A_647] : memref<32768xf32, #tpu.memory_space<vmem>>[vector<16xi32>], vector<16xf32>,
      %parallel_loop3A_649 = arith.constant 3 : i32
      %parallel_loop3A_650 = arith.index_cast %parallel_loop3A_649 : i32 to index
      %parallel_loop3A_651 = arith.index_cast %parallel_loop3A_588 : i32 to index
      %parallel_loop3A_652 = tpu.vector_load %arg9[%parallel_loop3A_650, %parallel_loop3A_651] {strides = array<i32>} : memref<8x3328xf32, #tpu.memory_space<vmem>>, vector<16xf32>,
      tpu.vector_store %arg9[%parallel_loop3A_650, %parallel_loop3A_651], %parallel_loop3A_648 {strides = array<i32>} : memref<8x3328xf32, #tpu.memory_space<vmem>>, vector<16xf32>,
    } {sc.loop_unroll_factor = 4 : i64, sc.parallel_access}
    %dma_wait3A_471 = arith.constant 0 : i32
    %dma_wait3A_472 = tpu.memref_slice %arg7[%dma_wait3A_471] : memref<32768xf32, #tpu.memory_space<vmem>> -> memref<16384xf32, #tpu.memory_space<vmem>>
    %dma_wait3A_473 = tpu.memref_slice %arg2[%mul3A_425] : memref<7340032xf32, #tpu.memory_space<hbm>> -> memref<16384xf32, #tpu.memory_space<hbm>>
    %dma_wait3A_474 = arith.constant 0 : i32
    %dma_wait3A_475 = tpu.memref_slice %arg7[%dma_wait3A_474] : memref<32768xf32, #tpu.memory_space<vmem>> -> memref<16384xf32, #tpu.memory_space<vmem>>
    %dma_wait3A_476 = tpu.memref_slice %arg2[%mul3A_425] : memref<7340032xf32, #tpu.memory_space<hbm>> -> memref<16384xf32, #tpu.memory_space<hbm>>
    tpu.wait_dma2 semaphore(%arg11 : memref<!tpu.dma_semaphore, #tpu.memory_space<semaphore_mem>>) src(%dma_wait3A_476 : memref<16384xf32, #tpu.memory_space<hbm>>) dst(%dma_wait3A_475 : memref<16384xf32, #tpu.memory_space<vmem>>)
    %parallel_loop3A_477 = arith.constant 0 : i32
    %parallel_loop3A_478 = arith.constant 208 : i32
    %parallel_loop3A_479 = arith.constant 1 : i32
    scf.for %parallel_loop3A_582 = %parallel_loop3A_477 to %parallel_loop3A_478 step %parallel_loop3A_479  : i32 {
      %parallel_loop3A_583 = arith.constant 16 : i32
      %parallel_loop3A_584 = arith.muli %parallel_loop3A_582, %parallel_loop3A_583 : i32
      %parallel_loop3A_585 = arith.index_cast %parallel_loop3A_584 : i32 to index
      %parallel_loop3A_586 = tpu.vector_load %arg5[%parallel_loop3A_585] {strides = array<i32>} : memref<3328xi32, #tpu.memory_space<vmem>>, vector<16xi32>,
      %parallel_loop3A_587 = arith.constant 16 : i32
      %parallel_loop3A_588 = arith.muli %parallel_loop3A_582, %parallel_loop3A_587 : i32
      %parallel_loop3A_589 = arith.constant 0 : i32
      %parallel_loop3A_590 = vector.broadcast %parallel_loop3A_589 : i32 to vector<16xi32>
      %parallel_loop3A_591 = arith.addi %parallel_loop3A_586, %parallel_loop3A_590 : vector<16xi32>
      %parallel_loop3A_592 = tpu.vector_load_idx %arg7[%parallel_loop3A_591] : memref<32768xf32, #tpu.memory_space<vmem>>[vector<16xi32>], vector<16xf32>,
      %parallel_loop3A_593 = arith.constant 4 : i32
      %parallel_loop3A_594 = arith.index_cast %parallel_loop3A_593 : i32 to index
      %parallel_loop3A_595 = arith.index_cast %parallel_loop3A_588 : i32 to index
      %parallel_loop3A_596 = tpu.vector_load %arg8[%parallel_loop3A_594, %parallel_loop3A_595] {strides = array<i32>} : memref<8x3328xf32, #tpu.memory_space<vmem>>, vector<16xf32>,
      tpu.vector_store %arg8[%parallel_loop3A_594, %parallel_loop3A_595], %parallel_loop3A_592 {strides = array<i32>} : memref<8x3328xf32, #tpu.memory_space<vmem>>, vector<16xf32>,
      %parallel_loop3A_597 = arith.constant 128 : i32
      %parallel_loop3A_598 = vector.broadcast %parallel_loop3A_597 : i32 to vector<16xi32>
      %parallel_loop3A_599 = arith.addi %parallel_loop3A_586, %parallel_loop3A_598 : vector<16xi32>
      %parallel_loop3A_600 = tpu.vector_load_idx %arg7[%parallel_loop3A_599] : memref<32768xf32, #tpu.memory_space<vmem>>[vector<16xi32>], vector<16xf32>,
      %parallel_loop3A_601 = arith.constant 4 : i32
      %parallel_loop3A_602 = arith.index_cast %parallel_loop3A_601 : i32 to index
      %parallel_loop3A_603 = arith.index_cast %parallel_loop3A_588 : i32 to index
      %parallel_loop3A_604 = tpu.vector_load %arg9[%parallel_loop3A_602, %parallel_loop3A_603] {strides = array<i32>} : memref<8x3328xf32, #tpu.memory_space<vmem>>, vector<16xf32>,
      tpu.vector_store %arg9[%parallel_loop3A_602, %parallel_loop3A_603], %parallel_loop3A_600 {strides = array<i32>} : memref<8x3328xf32, #tpu.memory_space<vmem>>, vector<16xf32>,
      %parallel_loop3A_605 = arith.constant 8192 : i32
      %parallel_loop3A_606 = vector.broadcast %parallel_loop3A_605 : i32 to vector<16xi32>
      %parallel_loop3A_607 = arith.addi %parallel_loop3A_586, %parallel_loop3A_606 : vector<16xi32>
      %parallel_loop3A_608 = tpu.vector_load_idx %arg7[%parallel_loop3A_607] : memref<32768xf32, #tpu.memory_space<vmem>>[vector<16xi32>], vector<16xf32>,
      %parallel_loop3A_609 = arith.constant 5 : i32
      %parallel_loop3A_610 = arith.index_cast %parallel_loop3A_609 : i32 to index
      %parallel_loop3A_611 = arith.index_cast %parallel_loop3A_588 : i32 to index
      %parallel_loop3A_612 = tpu.vector_load %arg8[%parallel_loop3A_610, %parallel_loop3A_611] {strides = array<i32>} : memref<8x3328xf32, #tpu.memory_space<vmem>>, vector<16xf32>,
      tpu.vector_store %arg8[%parallel_loop3A_610, %parallel_loop3A_611], %parallel_loop3A_608 {strides = array<i32>} : memref<8x3328xf32, #tpu.memory_space<vmem>>, vector<16xf32>,
      %parallel_loop3A_613 = arith.constant 8320 : i32
      %parallel_loop3A_614 = vector.broadcast %parallel_loop3A_613 : i32 to vector<16xi32>
      %parallel_loop3A_615 = arith.addi %parallel_loop3A_586, %parallel_loop3A_614 : vector<16xi32>
      %parallel_loop3A_616 = tpu.vector_load_idx %arg7[%parallel_loop3A_615] : memref<32768xf32, #tpu.memory_space<vmem>>[vector<16xi32>], vector<16xf32>,
      %parallel_loop3A_617 = arith.constant 5 : i32
      %parallel_loop3A_618 = arith.index_cast %parallel_loop3A_617 : i32 to index
      %parallel_loop3A_619 = arith.index_cast %parallel_loop3A_588 : i32 to index
      %parallel_loop3A_620 = tpu.vector_load %arg9[%parallel_loop3A_618, %parallel_loop3A_619] {strides = array<i32>} : memref<8x3328xf32, #tpu.memory_space<vmem>>, vector<16xf32>,
      tpu.vector_store %arg9[%parallel_loop3A_618, %parallel_loop3A_619], %parallel_loop3A_616 {strides = array<i32>} : memref<8x3328xf32, #tpu.memory_space<vmem>>, vector<16xf32>,
    } {sc.loop_unroll_factor = 4 : i64, sc.parallel_access}
    %add3A_480 = arith.constant 1 : i32
    %add3A_481 = arith.addi %mul3A_2, %add3A_480 : i32
    %jit3A_482 = arith.constant 4 : i32
    %div3A_483 = arith.divsi %add3A_481, %jit3A_482 : i32
    %sign3A_484 = arith.constant 0 : i32
    %sign3A_485 = arith.cmpi sgt, %add3A_481, %sign3A_484 : i32
    %sign3A_486 = arith.extui %sign3A_485 : i1 to i32
    %sign3A_487 = arith.constant 0 : i32
    %sign3A_488 = arith.cmpi slt, %add3A_481, %sign3A_487 : i32
    %sign3A_489 = arith.extui %sign3A_488 : i1 to i32
    %sign3A_490 = arith.subi %sign3A_486, %sign3A_489 : i32
    %sign3A_491 = arith.constant 0 : i32
    %sign3A_492 = arith.cmpi sgt, %jit3A_482, %sign3A_491 : i32
    %sign3A_493 = arith.extui %sign3A_492 : i1 to i32
    %sign3A_494 = arith.constant 0 : i32
    %sign3A_495 = arith.cmpi slt, %jit3A_482, %sign3A_494 : i32
    %sign3A_496 = arith.extui %sign3A_495 : i1 to i32
    %sign3A_497 = arith.subi %sign3A_493, %sign3A_496 : i32
    %ne3A_498 = arith.cmpi ne, %sign3A_490, %sign3A_497 : i32
    %rem3A_499 = arith.remsi %add3A_481, %jit3A_482 : i32
    %ne3A_500 = arith.constant 0 : i32
    %ne3A_501 = arith.cmpi ne, %rem3A_499, %ne3A_500 : i32
    %and3A_502 = arith.andi %ne3A_498, %ne3A_501 : i1
    %sub3A_503 = arith.constant 1 : i32
    %sub3A_504 = arith.subi %div3A_483, %sub3A_503 : i32
    %select_n3A_505 = arith.select %and3A_502, %sub3A_504, %div3A_483 : i32
    %jit3A_506 = arith.constant 4 : i32
    %eq3A_507 = arith.constant 0 : i32
    %eq3A_508 = arith.cmpi eq, %jit3A_506, %eq3A_507 : i32
    %jit3A_509 = arith.constant 1 : i32
    %select_n3A_510 = arith.select %eq3A_508, %jit3A_509, %jit3A_506 : i32
    %rem3A_511 = arith.remsi %add3A_481, %select_n3A_510 : i32
    %ne3A_512 = arith.constant 0 : i32
    %ne3A_513 = arith.cmpi ne, %rem3A_511, %ne3A_512 : i32
    %lt3A_514 = arith.constant 0 : i32
    %lt3A_515 = arith.cmpi slt, %rem3A_511, %lt3A_514 : i32
    %lt3A_516 = arith.constant 0 : i32
    %lt3A_517 = arith.cmpi slt, %select_n3A_510, %lt3A_516 : i32
    %ne3A_518 = arith.xori %lt3A_515, %lt3A_517 : i1
    %and3A_519 = arith.andi %ne3A_518, %ne3A_513 : i1
    %add3A_520 = arith.addi %rem3A_511, %select_n3A_510 : i32
    %select_n3A_521 = arith.select %and3A_519, %add3A_520, %rem3A_511 : i32
    %dma_start3A_522 = arith.constant 0 : i32
    %dma_start3A_523 = arith.constant 0 : i32
    %dma_start3A_524 = arith.constant 0 : i32
    %dma_start3A_525 = tpu.memref_slice %arg8[%dma_start3A_523, %dma_start3A_524] : memref<8x3328xf32, #tpu.memory_space<vmem>> -> memref<6x3328xf32, #tpu.memory_space<vmem>>
    %dma_start3A_526 = arith.constant 8 : i32
    %dma_start3A_527 = arith.constant 0 : i32
    %dma_start3A_528 = tpu.memref_slice %arg4[%select_n3A_505, %select_n3A_521, %dma_start3A_522, %dma_start3A_526, %dma_start3A_527] : memref<16x4x2x14x3328xf32, #tpu.memory_space<hbm>> -> memref<1x1x1x6x3328xf32, #tpu.memory_space<hbm>>
    %dma_start3A_529 = tpu.memref_squeeze %dma_start3A_528 : memref<1x1x1x6x3328xf32, #tpu.memory_space<hbm>> -> memref<6x3328xf32, #tpu.memory_space<hbm>>
    %dma_start3A_530 = arith.constant 8 : i32
    %dma_start3A_531 = arith.constant 0 : i32
    %dma_start3A_532 = tpu.memref_slice %arg4[%select_n3A_505, %select_n3A_521, %dma_start3A_522, %dma_start3A_530, %dma_start3A_531] : memref<16x4x2x14x3328xf32, #tpu.memory_space<hbm>> -> memref<1x1x1x6x3328xf32, #tpu.memory_space<hbm>>
    %dma_start3A_533 = tpu.memref_squeeze %dma_start3A_532 : memref<1x1x1x6x3328xf32, #tpu.memory_space<hbm>> -> memref<6x3328xf32, #tpu.memory_space<hbm>>
    %dma_start3A_534 = arith.constant 0 : i32
    %dma_start3A_535 = arith.constant 0 : i32
    %dma_start3A_536 = tpu.memref_slice %arg8[%dma_start3A_534, %dma_start3A_535] : memref<8x3328xf32, #tpu.memory_space<vmem>> -> memref<6x3328xf32, #tpu.memory_space<vmem>>
    tpu.enqueue_dma source(%dma_start3A_536 : memref<6x3328xf32, #tpu.memory_space<vmem>>) target(%dma_start3A_533 : memref<6x3328xf32, #tpu.memory_space<hbm>>) target_semaphore(%arg12 : memref<!tpu.dma_semaphore, #tpu.memory_space<semaphore_mem>>)
    %dma_start3A_537 = arith.constant 1 : i32
    %dma_start3A_538 = arith.constant 0 : i32
    %dma_start3A_539 = arith.constant 0 : i32
    %dma_start3A_540 = tpu.memref_slice %arg9[%dma_start3A_538, %dma_start3A_539] : memref<8x3328xf32, #tpu.memory_space<vmem>> -> memref<6x3328xf32, #tpu.memory_space<vmem>>
    %dma_start3A_541 = arith.constant 8 : i32
    %dma_start3A_542 = arith.constant 0 : i32
    %dma_start3A_543 = tpu.memref_slice %arg4[%select_n3A_505, %select_n3A_521, %dma_start3A_537, %dma_start3A_541, %dma_start3A_542] : memref<16x4x2x14x3328xf32, #tpu.memory_space<hbm>> -> memref<1x1x1x6x3328xf32, #tpu.memory_space<hbm>>
    %dma_start3A_544 = tpu.memref_squeeze %dma_start3A_543 : memref<1x1x1x6x3328xf32, #tpu.memory_space<hbm>> -> memref<6x3328xf32, #tpu.memory_space<hbm>>
    %dma_start3A_545 = arith.constant 8 : i32
    %dma_start3A_546 = arith.constant 0 : i32
    %dma_start3A_547 = tpu.memref_slice %arg4[%select_n3A_505, %select_n3A_521, %dma_start3A_537, %dma_start3A_545, %dma_start3A_546] : memref<16x4x2x14x3328xf32, #tpu.memory_space<hbm>> -> memref<1x1x1x6x3328xf32, #tpu.memory_space<hbm>>
    %dma_start3A_548 = tpu.memref_squeeze %dma_start3A_547 : memref<1x1x1x6x3328xf32, #tpu.memory_space<hbm>> -> memref<6x3328xf32, #tpu.memory_space<hbm>>
    %dma_start3A_549 = arith.constant 0 : i32
    %dma_start3A_550 = arith.constant 0 : i32
    %dma_start3A_551 = tpu.memref_slice %arg9[%dma_start3A_549, %dma_start3A_550] : memref<8x3328xf32, #tpu.memory_space<vmem>> -> memref<6x3328xf32, #tpu.memory_space<vmem>>
    tpu.enqueue_dma source(%dma_start3A_551 : memref<6x3328xf32, #tpu.memory_space<vmem>>) target(%dma_start3A_548 : memref<6x3328xf32, #tpu.memory_space<hbm>>) target_semaphore(%arg12 : memref<!tpu.dma_semaphore, #tpu.memory_space<semaphore_mem>>)
    %dma_wait3A_552 = arith.constant 0 : i32
    %dma_wait3A_553 = arith.constant 0 : i32
    %dma_wait3A_554 = arith.constant 0 : i32
    %dma_wait3A_555 = tpu.memref_slice %arg8[%dma_wait3A_553, %dma_wait3A_554] : memref<8x3328xf32, #tpu.memory_space<vmem>> -> memref<6x3328xf32, #tpu.memory_space<vmem>>
    %dma_wait3A_556 = arith.constant 8 : i32
    %dma_wait3A_557 = arith.constant 0 : i32
    %dma_wait3A_558 = tpu.memref_slice %arg4[%select_n3A_505, %select_n3A_521, %dma_wait3A_552, %dma_wait3A_556, %dma_wait3A_557] : memref<16x4x2x14x3328xf32, #tpu.memory_space<hbm>> -> memref<1x1x1x6x3328xf32, #tpu.memory_space<hbm>>
    %dma_wait3A_559 = tpu.memref_squeeze %dma_wait3A_558 : memref<1x1x1x6x3328xf32, #tpu.memory_space<hbm>> -> memref<6x3328xf32, #tpu.memory_space<hbm>>
    %dma_wait3A_560 = arith.constant 8 : i32
    %dma_wait3A_561 = arith.constant 0 : i32
    %dma_wait3A_562 = tpu.memref_slice %arg4[%select_n3A_505, %select_n3A_521, %dma_wait3A_552, %dma_wait3A_560, %dma_wait3A_561] : memref<16x4x2x14x3328xf32, #tpu.memory_space<hbm>> -> memref<1x1x1x6x3328xf32, #tpu.memory_space<hbm>>
    %dma_wait3A_563 = tpu.memref_squeeze %dma_wait3A_562 : memref<1x1x1x6x3328xf32, #tpu.memory_space<hbm>> -> memref<6x3328xf32, #tpu.memory_space<hbm>>
    %dma_wait3A_564 = arith.constant 0 : i32
    %dma_wait3A_565 = arith.constant 0 : i32
    %dma_wait3A_566 = tpu.memref_slice %arg8[%dma_wait3A_564, %dma_wait3A_565] : memref<8x3328xf32, #tpu.memory_space<vmem>> -> memref<6x3328xf32, #tpu.memory_space<vmem>>
    tpu.wait_dma2 semaphore(%arg12 : memref<!tpu.dma_semaphore, #tpu.memory_space<semaphore_mem>>) src(%dma_wait3A_566 : memref<6x3328xf32, #tpu.memory_space<vmem>>) dst(%dma_wait3A_563 : memref<6x3328xf32, #tpu.memory_space<hbm>>)
    %dma_wait3A_567 = arith.constant 1 : i32
    %dma_wait3A_568 = arith.constant 0 : i32
    %dma_wait3A_569 = arith.constant 0 : i32
    %dma_wait3A_570 = tpu.memref_slice %arg9[%dma_wait3A_568, %dma_wait3A_569] : memref<8x3328xf32, #tpu.memory_space<vmem>> -> memref<6x3328xf32, #tpu.memory_space<vmem>>
    %dma_wait3A_571 = arith.constant 8 : i32
    %dma_wait3A_572 = arith.constant 0 : i32
    %dma_wait3A_573 = tpu.memref_slice %arg4[%select_n3A_505, %select_n3A_521, %dma_wait3A_567, %dma_wait3A_571, %dma_wait3A_572] : memref<16x4x2x14x3328xf32, #tpu.memory_space<hbm>> -> memref<1x1x1x6x3328xf32, #tpu.memory_space<hbm>>
    %dma_wait3A_574 = tpu.memref_squeeze %dma_wait3A_573 : memref<1x1x1x6x3328xf32, #tpu.memory_space<hbm>> -> memref<6x3328xf32, #tpu.memory_space<hbm>>
    %dma_wait3A_575 = arith.constant 8 : i32
    %dma_wait3A_576 = arith.constant 0 : i32
    %dma_wait3A_577 = tpu.memref_slice %arg4[%select_n3A_505, %select_n3A_521, %dma_wait3A_567, %dma_wait3A_575, %dma_wait3A_576] : memref<16x4x2x14x3328xf32, #tpu.memory_space<hbm>> -> memref<1x1x1x6x3328xf32, #tpu.memory_space<hbm>>
    %dma_wait3A_578 = tpu.memref_squeeze %dma_wait3A_577 : memref<1x1x1x6x3328xf32, #tpu.memory_space<hbm>> -> memref<6x3328xf32, #tpu.memory_space<hbm>>
    %dma_wait3A_579 = arith.constant 0 : i32
    %dma_wait3A_580 = arith.constant 0 : i32
    %dma_wait3A_581 = tpu.memref_slice %arg9[%dma_wait3A_579, %dma_wait3A_580] : memref<8x3328xf32, #tpu.memory_space<vmem>> -> memref<6x3328xf32, #tpu.memory_space<vmem>>
    tpu.wait_dma2 semaphore(%arg12 : memref<!tpu.dma_semaphore, #tpu.memory_space<semaphore_mem>>) src(%dma_wait3A_581 : memref<6x3328xf32, #tpu.memory_space<vmem>>) dst(%dma_wait3A_578 : memref<6x3328xf32, #tpu.memory_space<hbm>>)
    return
  }
}

</mosaic_0001>

<sc_bundles>
// kernel: kernel.3.cloned.1.call-start
scs
__scs_entry_jumppad:
0x0: {  	(pc) =	sbr.rel $0x88, $3  }
0x1: {  	(tag) =	ssettag $0x0;
	lr =	simm.s32 $0x1  }
0x2: {  	[smem:$0x3F9F] =	sst lr;
	_ =	strace $0xD0000000  }
0x3: {  	_ = 	snop  }
0x4: {  	_ = 	snop  }
0x5: {  	_ = 	snop  }
0x6: {  	_ = 	snop  }
0x7: {  	_ = 	snop  }
__scs_overlays_trampoline_lowered:
0x8: {  	[smem:$0x3FAE] =	sst s0  }
0x9: {  	[smem:$0x3FAF] =	sst s1  }
0xa: {  	[smem:$0x3FB0] =	sst s2  }
0xb: {  	[smem:$0x3FB1] =	sst s3  }
0xc: {  	[smem:$0x3FB2] =	sst s4  }
0xd: {  	[smem:$0x3FB3] =	sst s5  }
0xe: {  	[smem:$0x3FB4] =	sst s6  }
0xf: {  	[smem:$0x3FB5] =	sst s7  }
0x10: {  	[smem:$0x3FB6] =	sst s8  }
0x11: {  	[smem:$0x3FB7] =	sst s9;
	s0 =	simm.s32 @!p0 $0x0  }
0x12: {  	s1 =	sld [smem:$0x3F9D];
	s0 =	simm.s32 @p0 $0x1  }
0x13: {  	[smem:$0x3FB8] =	sst s0;
	s0 =	simm.s32 @!p1 $0x0  }
0x14: {  	s2 =	sld [smem:$0x3F9C];
	s0 =	simm.s32 @p1 $0x1  }
0x15: {  	[smem:$0x3FB9] =	sst s0;
	s0 =	simm.s32 @!p2 $0x0  }
0x16: {  	s3 =	sld [smem:$0x3FDB];
	s0 =	simm.s32 @p2 $0x1  }
0x17: {  	s4 =	simm.s32 $0x1BF5;
	[smem:$0x3FBB] =	sst s0  }
0x18: {  	s0 =	sld [smem:$0x3F9E];
	_ =	swait.ge [sflag:s4], $0x0  }
0x19: {  	s7 =	sld [smem:$0x3F9F]  }
0x1a: {  	s8 =	sadd.s32 $0xFFFFE003, lr  }
0x1b: {  	s9 =	sadd.s32 $0xFFFFFEF7, lr;
	s5 =	simm.s32 $0xFFFFFFFF;
	p2 =	slt.u32 s8, $0xFFFFF086  }
0x1c: {  	p1 =	slt.u32 s9, $0xF7A;
	s5 =	simm.s32 @!p2 $0x0  }
0x1d: {  	s5 =	simm.s32 @p1 $0x1;
	p0 =	seq.s32 s7, s2  }
0x1e: {  	s7 =	smul.u32 @!p0 $0xF7A, s2;
	p2 =	seq.s32 @!p0 s5, $0x0  }
0x1f: {  	s9 =	smul.u32 $0xF7A, s1;
	s8 =	simm.s32 @!p0 $0x1BF5;
	p2 =	por !p2, p0  }
0x20: {  	[sflag:s8] =	ssyncset.s32 @!p0 $0xFFFFF086;
	s6 =	sadd.s32 @!p0 s3, s7;
	s7 =	simm.s32 @!p0 $0x108  }
0x21: {  	s3 =	sadd.s32 s3, s9;
	s6 =	sadd.s32 @!p0 $0x88, s6;
	s7 =	simm.s32 @p2 $0x1082  }
0x22: {  	[simem:s7], [sflag:s8] =	dma.local @!p0 [hbm:s6], $0xF7A  }
0x23: {  	s9 =	sor.u32 $0xD0000000, s2;
	s6 =	simm.s32 $0x108;
	_ =	swait.ge @!p0 [sflag:s8], $0x0  }
0x24: {  	s3 =	sadd.s32 $0x88, s3;
	s6 =	simm.s32 @!p1 $0x1082;
	[sflag:s4] =	ssyncset.s32 $0xFFFFF086  }
0x25: {  	[simem:s6], [sflag:s4] =	dma.local [hbm:s3], $0xF7A  }
0x26: {  	[smem:$0x3F9F] =	sst s1;
	(tag) =	ssettag s2;
	_ =	strace s9  }
0x27: {  	s1 =	sld [smem:$0x3FAF]  }
0x28: {  	s2 =	sld [smem:$0x3FB0]  }
0x29: {  	s4 =	sld [smem:$0x3FB2]  }
0x2a: {  	p0 =	seq.s32 s5, $0x0;
	s5 =	sld [smem:$0x3FB3]  }
0x2b: {  	s6 =	sld [smem:$0x3FB4]  }
0x2c: {  	s7 =	sld [smem:$0x3FB5]  }
0x2d: {  	s3 =	simm.s32 $0x108;
	s8 =	sld [smem:$0x3FB6]  }
0x2e: {  	s3 =	simm.s32 @!p0 $0x1082;
	s9 =	sld [smem:$0x3FB7]  }
0x2f: {  	lr =	sadd.s32 s0, s3;
	s0 =	sld [smem:$0x3FAE]  }
0x30: {  	s3 =	sld [smem:$0x3FB1]  }
0x31: {  	[smem:$0x3FBA] =	sst s10  }
0x32: {  	s10 =	sld [smem:$0x3FB8];
	_ =	sdelay $0x3  }
0x33: {  	p0 =	seq.s32 s10, $0x1;
	s10 =	sld [smem:$0x3FBA];
	_ =	sdelay $0x3  }
0x34: {  	[smem:$0x3FBA] =	sst s10  }
0x35: {  	s10 =	sld [smem:$0x3FB9];
	_ =	sdelay $0x3  }
0x36: {  	p1 =	seq.s32 s10, $0x1;
	s10 =	sld [smem:$0x3FBA];
	_ =	sdelay $0x3  }
0x37: {  	[smem:$0x3FBA] =	sst s10  }
0x38: {  	s10 =	sld [smem:$0x3FBB]  }
0x39: {  	_ = 	snop;
	(pc) =	sbr.ind lr, $3  }
0x3a: {  	_ = 	snop  }
0x3b: {  	_ = 	snop  }
0x3c: {  	p2 =	seq.s32 s10, $0x1;
	s10 =	sld [smem:$0x3FBA]  }
0x3d: {  	_ =	shalt  }
0x3e: {  	_ =	shalt  }
0x3f: {  	_ =	shalt  }
0x40: {  	_ =	shalt  }
0x41: {  	_ =	shalt  }
0x42: {  	_ =	shalt  }
0x43: {  	_ =	shalt  }
0x44: {  	_ =	shalt  }
0x45: {  	_ =	shalt  }
0x46: {  	_ =	shalt  }
0x47: {  	_ =	shalt  }
0x48: {  	_ =	shalt  }
0x49: {  	_ =	shalt  }
0x4a: {  	_ =	shalt  }
0x4b: {  	_ =	shalt  }
0x4c: {  	_ =	shalt  }
0x4d: {  	_ =	shalt  }
0x4e: {  	_ =	shalt  }
0x4f: {  	_ =	shalt  }
0x50: {  	_ =	shalt  }
0x51: {  	_ =	shalt  }
0x52: {  	_ =	shalt  }
0x53: {  	_ =	shalt  }
0x54: {  	_ =	shalt  }
0x55: {  	_ =	shalt  }
0x56: {  	_ =	shalt  }
0x57: {  	_ =	shalt  }
0x58: {  	_ =	shalt  }
0x59: {  	_ =	shalt  }
0x5a: {  	_ =	shalt  }
0x5b: {  	_ =	shalt  }
0x5c: {  	_ =	shalt  }
0x5d: {  	_ =	shalt  }
0x5e: {  	_ =	shalt  }
0x5f: {  	_ =	shalt  }
0x60: {  	_ =	shalt  }
0x61: {  	_ =	shalt  }
0x62: {  	_ =	shalt  }
0x63: {  	_ =	shalt  }
0x64: {  	_ =	shalt  }
0x65: {  	_ =	shalt  }
0x66: {  	_ =	shalt  }
0x67: {  	_ =	shalt  }
0x68: {  	_ =	shalt  }
0x69: {  	_ =	shalt  }
0x6a: {  	_ =	shalt  }
0x6b: {  	_ =	shalt  }
0x6c: {  	_ =	shalt  }
0x6d: {  	_ =	shalt  }
0x6e: {  	_ =	shalt  }
0x6f: {  	_ =	shalt  }
0x70: {  	_ =	shalt  }
0x71: {  	_ =	shalt  }
0x72: {  	_ =	shalt  }
0x73: {  	_ =	shalt  }
0x74: {  	_ =	shalt  }
0x75: {  	_ =	shalt  }
0x76: {  	_ =	shalt  }
0x77: {  	_ =	shalt  }
0x78: {  	_ =	shalt  }
0x79: {  	_ =	shalt  }
0x7a: {  	_ =	shalt  }
0x7b: {  	_ =	shalt  }
0x7c: {  	_ =	shalt  }
0x7d: {  	_ =	shalt  }
0x7e: {  	_ =	shalt  }
0x7f: {  	_ =	shalt  }
0x80: {  	_ =	shalt  }
0x81: {  	_ =	shalt  }
0x82: {  	_ =	shalt  }
0x83: {  	_ =	shalt  }
0x84: {  	_ =	shalt  }
0x85: {  	_ =	shalt  }
0x86: {  	_ =	shalt  }
0x87: {  	_ =	shalt  }
.Lfunc_end0:
.L_simem_size_0:
called_computation_lowered:
.L_overlay_start_0:
0x88: {  	s2 =	sld [smem:$0x3FD9]  }
0x89: {  	s3 =	sld [smem:$0x3FFE];
	_ =	sdelay $0x1  }
0x8a: {  	s1 =	srdreg.scid  }
0x8b: {  	s0 =	sand.u32 $0x1, s1  }
0x8c: {  	s17 =	sshll.u32 s0, $0xA;
	s2 =	sadd.s32 s3, s2  }
0x8d: {  	s2 =	sadd.s32 s2, s17  }
0x8e: {  	[smem:$0x3FC6] =	sst s2  }
0x8f: {  	_ = 	snop  }
0x90: {  	s2 =	sld [smem:$0x3FC9]  }
0x91: {  	s18 =	sld [smem:$0x3FD0];
	(tm) =	ssettm $0x1  }
0x92: {  	s4 =	sld [smem:$0x3FFB];
	_ =	sdelay $0x3  }
0x93: {  	_ =	strace s4  }
0x94: {  	s4 =	sld [smem:$0x3FFC];
	_ =	sdelay $0x3  }
0x95: {  	_ =	strace s4  }
0x96: {  	s4 =	sld [smem:$0x3FFD];
	_ =	sdelay $0x3  }
0x97: {  	_ =	strace s4  }
0x98: {  	_ =	strace $0x8FFFFFFF  }
0x99: {  	s19 =	sld [smem:$0x3FDB];
	_ =	sdelay $0x1  }
0x9a: {  	s5 =	simm.s32 $_scs_section_size  }
0x9b: {  	s6 =	simm.s32 $_size__tile_overlayer_lowered;
	s7 =	simm.s32 $_tile_overlayer_lowered  }
0x9c: {  	s22 =	simm.s32 $0x1BFF;
	s21 =	sshll.u32 s7, $0x1;
	s4 =	sadd.s32 s5, s19  }
0x9d: {  	s8 =	simm.s32 $0x0;
	s20 =	sshll.u32 s6, $0x1;
	s6 =	sadd.s32 s21, s4  }
0x9e: {  	[timem:s8], [sflag:s22] =	dma.local [hbm:s6], s20  }
0x9f: {  	_ =	swait.ge [sflag:s22], s20  }
0xa0: {  	s5 =	ssub.s32 $0x0, s20;
	[sflag:s22] =	ssyncset.done $0x0  }
0xa1: {  	[sflag:s22] =	ssyncadd.s32 s5;
	_ =	sdelay $0x1  }
0xa2: {  	s23 =	simm.s32 $0x1B8B  }
0xa3: {  	_ =	swait.ge [sflag:s23], $0x1  }
0xa4: {  	[sflag:s23] =	ssyncset.done $0x0  }
0xa5: {  	s25 =	simm.s32 $0x1B8E;
	s24 =	sld [smem:$0x3FFE];
	[sflag:s23] =	ssyncadd.s32 $0xFFFFFFFF  }
0xa6: {  	s26 =	simm.s32 $execute0_lowered;
	[smem:$0x3FD2] =	sst s25  }
0xa7: {  	s6 =	sshll.u32 s26, $0x1;
	_ =	strace $0x80000046;
	[dreg:$0x1] =	wrdreg $0xFFFFFFFF  }
0xa8: {  	s28 =	simm.s32 $_size_execute0_lowered;
	s4 =	sadd.s32 s4, s6;
	[dreg:$0x0] =	wrdreg $0x0  }
0xa9: {  	s6 =	sshll.u32 s28, $0x1;
	[dreg:$0x2] =	wrdreg s4  }
0xaa: {  	[dreg:$0x3] =	wrdreg s6  }
0xab: {  	[dreg:$0x4] =	wrdreg $0xC0  }
0xac: {  	_ =	task [dreg:s8], $0x5FFFF  }
0xad: {  	[dreg:$0x1] =	wrdreg $0xFFFFFFFF  }
0xae: {  	[dreg:$0x0] =	wrdreg $0x60  }
0xaf: {  	[dreg:$0x2] =	wrdreg s2  }
0xb0: {  	[dreg:$0x3] =	wrdreg s18  }
0xb1: {  	[dreg:$0x4] =	wrdreg s24  }
0xb2: {  	[dreg:$0x5] =	wrdreg $0x9  }
0xb3: {  	_ =	task.clear_ibuf [dreg:s8], $0x6FFFF;
	_ =	strace $0x90000046  }
0xb4: {  	s29 =	simm.s32 $0x9;
	_ =	strace $0x80000048  }
0xb5: {  	_ =	swait.ge [sflag:s29], $0x1  }
0xb6: {  	[sflag:s29] =	ssyncadd.s32 $0xFFFFFFFF  }
0xb7: {  	_ =	strace $0x90000048  }
0xb8: {  	_ =	sfence  }
0xb9: {  	s30 =	sld [smem:$0x0];
	_ =	sdelay $0x2  }
0xba: {  	s31 =	sshll.u32 s1, $0xD;
	s1 =	sshrl.u32 s1, $0x2  }
0xbb: {  	s3 =	sand.u32 $0x4000, s31;
	s1 =	sadd.s32 s1, s30  }
0xbc: {  	s0 =	sor.u32 s3, s0;
	s1 =	sshll.u32 s1, $0x11  }
0xbd: {  	s0 =	sor.u32 s1, s0  }
0xbe: {  	s0 =	sadd.s32 $0x8F2B, s0  }
0xbf: {  	[sflag:s0] =	ssyncadd.remote.s32 $0x1  }
0xc0: {  	_ =	sfence.sel $0xFFFF  }
0xc1: {  	[dreg:$0x0] =	wrdreg $0xFFFFFFFF;
	(pc) =	sbr.abs _section_cstart, $3  }
0xc2: {  	[dreg:$0x1] =	wrdreg $0xFFFFFFFF  }
0xc3: {  	_ =	task.clear_ibuf [dreg:s8], $0x2FFFF;
	_ =	strace $0x9FFFFFFF  }
0xc4: {  	(tm) =	ssettm $0x7FFFFFFF  }
0xc5: {  	_ =	shalt  }
tec
execute0_lowered:
.L_overlay_start_1:
0x0: {  	(tag) =	ssettag $0x1  }
0x1: {  	s0 =	rddreg [dreg:$0x0]  }
0x2: {  	s1 =	rddreg [dreg:$0x2]  }
0x3: {  	s2 =	srdreg.scid;
	s9 =	stileid.u32  }
0x4: {  	s3 =	simm.s32 $0x0;
	s2 =	sand.u32 $0x1, s2;
	s4 =	sshll.u32 s9, $0x1  }
0x5: {  	[smem:$0x7FF] =	sst s3;
	s9 =	smul.u32 $0x68000, s9;
	s4 =	sor.u32 s2, s4  }
0x6: {  	s1 =	sadd.s32 $0x400, s1;
	s2 =	ssub.s32 $0x2, s2;
	s5 =	smul.u32 $0x7000, s4  }
0x7: {  	s6 =	sshll.u32 s4, $0x1;
	s7 =	smul.u32 $0x38000, s4;
	s4 =	sshllo.u32 s4, $0x1  }
0x8: {  	_ =	strace $0x80000047;
	s8 =	sshrl.u32 s2, $0x1;
	s19 =	smul.u32 $0x3800, s4  }
0x9: {  	s6 =	sand.u32 $0x2, s6;
	s2 =	ssub.s32 s2, s8;
	s20 =	smul.u32 $0x1C000, s4  }
0xa: {  	s4 =	sand.u32 $0x3, s4;
	s6 =	smul.u32 $0x1A000, s6;
	s5 =	sadd.s32 s0, s5  }
0xb: {  	s18 =	sshrl.u32 s7, $0x3;
	s31 =	smax.u32 s2, $0x1;
	[dreg:$0x4] =	wrdreg s5  }
0xc: {  	s5 =	sadd.s32 s0, s18;
	s23 =	sadd.s32 s0, s19;
	[dreg:$0x13] =	wrdreg s31  }
0xd: {  	s4 =	smul.u32 $0x1A000, s4;
	s10 =	sadd.s32 $0x1000, s5;
	[dreg:$0xa] =	wrdreg s23  }
0xe: {  	s24 =	sshrl.u32 s20, $0x3;
	s21 =	sadd.s32 $0x2000, s5;
	[dreg:$0x5] =	wrdreg s10  }
0xf: {  	s5 =	sadd.s32 $0x3000, s5;
	s0 =	sadd.s32 s0, s24;
	[dreg:$0x7] =	wrdreg s21  }
0x10: {  	s6 =	sadd.s32 s9, s6;
	[dreg:$0x9] =	wrdreg s5;
	s26 =	sadd.s32 $0x1000, s0  }
0x11: {  	s4 =	sadd.s32 s9, s4;
	s28 =	sadd.s32 $0x2000, s0;
	[dreg:$0xd] =	wrdreg s26  }
0x12: {  	s6 =	sshrl.u32 s6, $0x3;
	s0 =	sadd.s32 $0x3000, s0;
	[dreg:$0xf] =	wrdreg s28  }
0x13: {  	s4 =	sshrl.u32 s4, $0x3;
	s6 =	sadd.s32 s1, s6;
	[dreg:$0x11] =	wrdreg s0  }
0x14: {  	s1 =	sadd.s32 s1, s4;
	[dreg:$0x6] =	wrdreg s6  }
0x15: {  	s22 =	sadd.s32 $0x1A00, s6;
	[dreg:$0xe] =	wrdreg s1  }
0x16: {  	s23 =	simm.s32 $0x8D00;
	s29 =	sadd.s32 $0x1A00, s1;
	[dreg:$0x8] =	wrdreg s22  }
0x17: {  	s24 =	simm.s32 $0x2;
	s18 =	sadd.s32 $0xD00, s6;
	[dreg:$0x10] =	wrdreg s29  }
0x18: {  	s21 =	simm.s32 $0x1;
	s25 =	sadd.s32 $0x2700, s6;
	[dreg:$0xb] =	wrdreg s18  }
0x19: {  	s30 =	sadd.s32 $0xD00, s1;
	s19 =	sadd.s32 $0x2700, s1;
	[dreg:$0xc] =	wrdreg s25  }
0x1a: {  	s1 =	simm.s32 $0x0;
	s22 =	simm.s32 $0xD00;
	[dreg:$0x12] =	wrdreg s30  }
.LBB2_1:
0x1b: {  	[dreg:$0x14] =	wrdreg s1  }
0x1c: {  	s0 =	rddreg [dreg:$0x1];
	s11 =	simm.s32 $0x4  }
0x1d: {  	[tilespmem:s3], [sflag:$0x4] =	stream.linear.gather [hbm4b:s0+s3], $0xD00, $0x38;
	[tilespmem:$0x1DD00] =	vst v63  }
0x1e: {  	_ =	swait.ge [sflag:s11], $0xD00  }
0x1f: {  	[sflag:s11] =	ssyncset.done $0x0  }
0x20: {  	s12 =	rddreg [dreg:$0x4];
	[sflag:s11] =	ssyncadd.s32 $0xFFFFF300  }
0x21: {  	[tilespmem:s22], [sflag:$0x1] =	stream.linear.gather [hbm4b:s12+s3], $0x8000, $0x38;
	[tilespmem:$0x1DD00] =	vst v63  }
0x22: {  	s13 =	rddreg [dreg:$0x5]  }
0x23: {  	[tilespmem:s23], [sflag:$0x2] =	stream.linear.gather [hbm4b:s13+s3], $0x8000, $0x38;
	[tilespmem:$0x1DD00] =	vst v63  }
0x24: {  	s14 =	sand.u32 $0x40, s3;
	_ =	swait.ge [sflag:s21], $0x8000  }
0x25: {  	s15 =	sand.u32 $0xF80, s3;
	s2 =	sor.u32 $0x30, s14;
	[sflag:s21] =	ssyncset.done $0x0  }
0x26: {  	s5 =	sor.u32 $0x10, s14;
	s4 =	sor.u32 s2, s15;
	[sflag:s21] =	ssyncadd.s32 $0xFFFF8000  }
0x27: {  	s6 =	sor.u32 $0x20, s14;
	s16 =	sor.u32 s5, s15;
	v3 =	vld [tilespmem:s4+$0x0]  }
0x28: {  	s1 =	sor.u32 s6, s15;
	v4 =	vld [tilespmem:s16+$0x0]  }
0x29: {  	v5 =	vld [tilespmem:s1+$0x0];
	_ =	sdelay $0x1  }
0x2a: {  	v0 =	vld [tilespmem:s3+$0x0];
	_ =	sdelay $0x3  }
0x2b: {  	v1 =	vld.idx.msk [tilespmem:v3+s22+$0x0], $0xffff  }
0x2c: {  	v2 =	vadd.s32 $0x80, v3;
	v6 =	vld.idx.msk [tilespmem:v4+s22+$0x0], $0xffff  }
0x2d: {  	v7 =	vadd.s32 $0x80, v4;
	v8 =	vld.idx.msk [tilespmem:v5+s22+$0x0], $0xffff  }
0x2e: {  	s17 =	sand.u32 $0x7C00, s3;
	v10 =	vadd.s32 $0x80, v5  }
0x2f: {  	s10 =	sor.u32 s17, s2;
	v9 =	vld.idx.msk [tilespmem:v0+s22+$0x0], $0xffff  }
0x30: {  	s1 =	sor.u32 s17, s5;
	[tilespmem:s10+$0x10D00] =	vst v1  }
0x31: {  	s31 =	sor.u32 s17, s6;
	v11 =	vadd.s32 $0x80, v0;
	[tilespmem:s1+$0x10D00] =	vst v6;
	v1 =	vld.idx.msk [tilespmem:v2+s22+$0x0], $0xffff  }
0x32: {  	[tilespmem:s31+$0x10D00] =	vst v8;
	v2 =	vadd.s32 $0x2000, v3;
	v6 =	vld.idx.msk [tilespmem:v7+s22+$0x0], $0xffff  }
0x33: {  	s0 =	sor.u32 s14, s17;
	v7 =	vadd.s32 $0x2000, v4;
	v8 =	vld.idx.msk [tilespmem:v10+s22+$0x0], $0xffff  }
0x34: {  	[tilespmem:s0+$0x10D00] =	vst v9;
	v9 =	vadd.s32 $0x2000, v5;
	_ =	sdelay $0x1  }
0x35: {  	v10 =	vld.idx.msk [tilespmem:v11+s22+$0x0], $0xffff;
	[tilespmem:s10+$0x17500] =	vst v1  }
0x36: {  	s26 =	simm.s32 $0x40;
	v11 =	vadd.s32 $0x2000, v0;
	[tilespmem:s1+$0x17500] =	vst v6;
	v1 =	vld.idx.msk [tilespmem:v2+s22+$0x0], $0xffff  }
0x37: {  	s20 =	sand.u32 $0x40, s26;
	[tilespmem:s31+$0x17500] =	vst v8;
	v2 =	vadd.s32 $0x2080, v3;
	v6 =	vld.idx.msk [tilespmem:v7+s22+$0x0], $0xffff  }
0x38: {  	s7 =	sor.u32 $0x10, s20;
	s21 =	sand.u32 $0xF80, s26;
	v7 =	vadd.s32 $0x2080, v4;
	v8 =	vld.idx.msk [tilespmem:v9+s22+$0x0], $0xffff  }
0x39: {  	s30 =	sor.u32 s7, s21;
	v9 =	vadd.s32 $0x2080, v5  }
0x3a: {  	v15 =	vld [tilespmem:s30+$0x0];
	[tilespmem:s0+$0x17500] =	vst v10  }
0x3b: {  	v10 =	vld.idx.msk [tilespmem:v11+s22+$0x0], $0xffff;
	[tilespmem:s10+$0x10D80] =	vst v1  }
0x3c: {  	v11 =	vadd.s32 $0x2080, v0;
	[tilespmem:s1+$0x10D80] =	vst v6;
	v12 =	vld.idx.msk [tilespmem:v2+s22+$0x0], $0xffff  }
0x3d: {  	s25 =	sor.u32 $0x30, s20;
	[tilespmem:s31+$0x10D80] =	vst v8;
	v7 =	vld.idx.msk [tilespmem:v7+s22+$0x0], $0xffff  }
0x3e: {  	s8 =	sor.u32 $0x20, s20;
	s29 =	sor.u32 s25, s21;
	v6 =	vadd.s32 $0x4000, v3;
	v8 =	vld.idx.msk [tilespmem:v9+s22+$0x0], $0xffff  }
0x3f: {  	s2 =	sor.u32 s8, s21;
	v9 =	vadd.s32 $0x4000, v4;
	v2 =	vld [tilespmem:s29+$0x0]  }
0x40: {  	v16 =	vld [tilespmem:s2+$0x0];
	[tilespmem:s0+$0x10D80] =	vst v10  }
0x41: {  	v10 =	vld.idx.msk [tilespmem:v11+s22+$0x0], $0xffff;
	v11 =	vadd.s32 $0x4000, v5  }
0x42: {  	v1 =	vld [tilespmem:s26+$0x0];
	[tilespmem:s10+$0x17580] =	vst v12  }
0x43: {  	v12 =	vadd.s32 $0x4000, v0;
	[tilespmem:s1+$0x17580] =	vst v7;
	v6 =	vld.idx.msk [tilespmem:v6+s22+$0x0], $0xffff  }
0x44: {  	[tilespmem:s31+$0x17580] =	vst v8;
	v8 =	vld.idx.msk [tilespmem:v9+s22+$0x0], $0xffff  }
0x45: {  	v17 =	vld.idx.msk [tilespmem:v15+s22+$0x0], $0xffff;
	v7 =	vadd.s32 $0x4080, v3  }
0x46: {  	v9 =	vld.idx.msk [tilespmem:v11+s22+$0x0], $0xffff;
	v11 =	vadd.s32 $0x4080, v4  }
0x47: {  	s4 =	simm.s32 $0x200;
	[tilespmem:s0+$0x17580] =	vst v10;
	v14 =	vld.idx.msk [tilespmem:v2+s22+$0x0], $0xffff  }
0x48: {  	s9 =	sand.u32 $0x7C00, s4;
	v19 =	vadd.s32 $0x80, v2;
	v10 =	vld.idx.msk [tilespmem:v12+s22+$0x0], $0xffff;
	[tilespmem:s10+$0x10E00] =	vst v6  }
0x49: {  	s7 =	sor.u32 s9, s7;
	v6 =	vadd.s32 $0x4080, v5;
	[tilespmem:s1+$0x10E00] =	vst v8;
	v8 =	vld.idx.msk [tilespmem:v16+s22+$0x0], $0xffff  }
0x4a: {  	v13 =	vadd.s32 $0x4080, v0;
	[tilespmem:s7+$0x10D00] =	vst v17;
	v7 =	vld.idx.msk [tilespmem:v7+s22+$0x0], $0xffff  }
0x4b: {  	s2 =	sor.u32 s9, s25;
	[tilespmem:s31+$0x10E00] =	vst v9;
	v9 =	vld.idx.msk [tilespmem:v11+s22+$0x0], $0xffff;
	v11 =	vadd.s32 $0x80, v16  }
0x4c: {  	v18 =	vadd.s32 $0x6000, v3;
	v12 =	vld.idx.msk [tilespmem:v1+s22+$0x0], $0xffff;
	[tilespmem:s2+$0x10D00] =	vst v14  }
0x4d: {  	s5 =	sor.u32 s9, s8;
	v20 =	vadd.s32 $0x80, v15;
	v17 =	vld.idx.msk [tilespmem:v19+s22+$0x0], $0xffff;
	[tilespmem:s0+$0x10E00] =	vst v10  }
0x4e: {  	v10 =	vadd.s32 $0x80, v1;
	v6 =	vld.idx.msk [tilespmem:v6+s22+$0x0], $0xffff;
	[tilespmem:s5+$0x10D00] =	vst v8  }
0x4f: {  	v21 =	vld.idx.msk [tilespmem:v13+s22+$0x0], $0xffff;
	[tilespmem:s10+$0x17600] =	vst v7;
	v7 =	vadd.s32 $0x6000, v4  }
0x50: {  	s28 =	sor.u32 s20, s9;
	v14 =	vadd.s32 $0x6000, v5;
	v8 =	vld.idx.msk [tilespmem:v11+s22+$0x0], $0xffff  }
0x51: {  	[tilespmem:s28+$0x10D00] =	vst v12;
	v11 =	vadd.s32 $0x2000, v2;
	v13 =	vld.idx.msk [tilespmem:v18+s22+$0x0], $0xffff  }
0x52: {  	v3 =	vadd.s32 $0x6080, v3;
	[tilespmem:s1+$0x17600] =	vst v9;
	v18 =	vld.idx.msk [tilespmem:v20+s22+$0x0], $0xffff  }
0x53: {  	v19 =	vadd.s32 $0x2000, v16;
	[tilespmem:s2+$0x17500] =	vst v17;
	v10 =	vld.idx.msk [tilespmem:v10+s22+$0x0], $0xffff  }
0x54: {  	v12 =	vadd.s32 $0x2000, v15;
	[tilespmem:s31+$0x17600] =	vst v6;
	v22 =	vld.idx.msk [tilespmem:v7+s22+$0x0], $0xffff  }
0x55: {  	v23 =	vadd.s32 $0x6000, v0;
	[tilespmem:s0+$0x17600] =	vst v21;
	v14 =	vld.idx.msk [tilespmem:v14+s22+$0x0], $0xffff  }
0x56: {  	v6 =	vadd.s32 $0x2000, v1;
	v17 =	vld.idx.msk [tilespmem:v11+s22+$0x0], $0xffff;
	[tilespmem:s10+$0x10E80] =	vst v13  }
0x57: {  	v25 =	vadd.s32 $0x6080, v4;
	[tilespmem:s5+$0x17500] =	vst v8;
	v24 =	vld.idx.msk [tilespmem:v3+s22+$0x0], $0xffff  }
0x58: {  	v9 =	vadd.s32 $0x4000, v15;
	[tilespmem:s7+$0x17500] =	vst v18;
	v19 =	vld.idx.msk [tilespmem:v19+s22+$0x0], $0xffff  }
0x59: {  	v4 =	vadd.s32 $0x6080, v15;
	v7 =	vadd.s32 $0x4080, v15;
	v18 =	vld.idx.msk [tilespmem:v12+s22+$0x0], $0xffff;
	[tilespmem:s1+$0x10E80] =	vst v22;
	v22 =	vadd.s32 $0x2080, v2  }
0x5a: {  	v13 =	vadd.s32 $0x2080, v15;
	v3 =	vadd.s32 $0x6080, v5;
	v5 =	vadd.s32 $0x6000, v15;
	v15 =	vld.idx.msk [tilespmem:v23+s22+$0x0], $0xffff;
	[tilespmem:s28+$0x17500] =	vst v10  }
0x5b: {  	v21 =	vadd.s32 $0x2080, v1;
	v8 =	vadd.s32 $0x4080, v16;
	v12 =	vadd.s32 $0x2080, v16;
	v20 =	vld.idx.msk [tilespmem:v6+s22+$0x0], $0xffff  }
0x5c: {  	s8 =	simm.s32 $0x4;
	s9 =	simm.s32 $0x80;
	v11 =	vadd.s32 $0x6080, v16;
	v10 =	vadd.s32 $0x4000, v16;
	v6 =	vadd.s32 $0x6000, v16;
	v16 =	vld.idx.msk [tilespmem:v25+s22+$0x0], $0xffff;
	[tilespmem:s10+$0x17680] =	vst v24  }
.LBB2_2:
0x5d: {  	v23 =	vld [tilespmem:s9+$0x0];
	[tilespmem:s2+$0x10D80] =	vst v17  }
0x5e: {  	[tilespmem:s7+$0x10D80] =	vst v18;
	v17 =	vld.idx.msk [tilespmem:v22+s22+$0x0], $0xffff;
	v18 =	vadd.s32 $0x6080, v0;
	v0 =	vmov v1  }
0x5f: {  	v13 =	vld.idx.msk [tilespmem:v13+s22+$0x0], $0xffff;
	[tilespmem:s5+$0x10D80] =	vst v19  }
0x60: {  	s26 =	sadd.s32 $0x40, s26;
	v19 =	vadd.s32 $0x4000, v2;
	[tilespmem:s28+$0x10D80] =	vst v20;
	v12 =	vld.idx.msk [tilespmem:v12+s22+$0x0], $0xffff  }
0x61: {  	s10 =	sand.u32 $0x40, s26;
	v20 =	vld.idx.msk [tilespmem:v21+s22+$0x0], $0xffff;
	[tilespmem:s31+$0x10E80] =	vst v14  }
0x62: {  	s8 =	sadd.s32 $0x4, s8;
	s6 =	sand.u32 $0xF80, s26;
	s13 =	sor.u32 $0x30, s10;
	[tilespmem:s0+$0x10E80] =	vst v15;
	v14 =	vld.idx.msk [tilespmem:v3+s22+$0x0], $0xffff;
	v1 =	vmov v23;
	v3 =	vmov v11  }
0x63: {  	p0 =	slt.u32 s8, $0xCC;
	s15 =	sor.u32 $0x10, s10;
	s17 =	sor.u32 s13, s6;
	v11 =	vld.idx.msk [tilespmem:v18+s22+$0x0], $0xffff;
	[tilespmem:s1+$0x17680] =	vst v16  }
0x64: {  	s16 =	sor.u32 $0x20, s10;
	s20 =	sor.u32 s15, s6;
	s1 =	smov.u32 s7;
	v15 =	vld [tilespmem:s17+$0x0];
	[tilespmem:s2+$0x17580] =	vst v17  }
0x65: {  	s6 =	sor.u32 s16, s6;
	v16 =	vadd.s32 $0x4000, v0;
	[tilespmem:s1+$0x17580] =	vst v13;
	v17 =	vld.idx.msk [tilespmem:v19+s22+$0x0], $0xffff  }
0x66: {  	v18 =	vld [tilespmem:s20+$0x0];
	[tilespmem:s5+$0x17580] =	vst v12  }
0x67: {  	v19 =	vld [tilespmem:s6+$0x0];
	[tilespmem:s28+$0x17580] =	vst v20;
	v20 =	vadd.s32 $0x4080, v2  }
0x68: {  	v21 =	vld.idx.msk [tilespmem:v9+s22+$0x0], $0xffff;
	[tilespmem:s31+$0x17680] =	vst v14;
	s31 =	smov.u32 s5  }
0x69: {  	v14 =	vld.idx.msk [tilespmem:v10+s22+$0x0], $0xffff;
	[tilespmem:s0+$0x17680] =	vst v11;
	s0 =	smov.u32 s28  }
0x6a: {  	v22 =	vadd.s32 $0x4080, v0;
	v16 =	vld.idx.msk [tilespmem:v16+s22+$0x0], $0xffff  }
0x6b: {  	v23 =	vld.idx.msk [tilespmem:v23+s22+$0x0], $0xffff;
	v24 =	vadd.s32 $0x80, v18;
	v25 =	vadd.s32 $0x2000, v18;
	v13 =	vadd.s32 $0x2080, v18;
	[tilespmem:s2+$0x10E00] =	vst v17  }
0x6c: {  	v17 =	vadd.s32 $0x80, v19;
	v26 =	vadd.s32 $0x2000, v19;
	v12 =	vadd.s32 $0x2080, v19;
	v20 =	vld.idx.msk [tilespmem:v20+s22+$0x0], $0xffff  }
0x6d: {  	v9 =	vadd.s32 $0x4000, v18;
	v27 =	vadd.s32 $0x4080, v18;
	v10 =	vadd.s32 $0x4000, v19;
	v28 =	vld.idx.msk [tilespmem:v15+s22+$0x0], $0xffff  }
0x6e: {  	v30 =	vadd.s32 $0x6000, v18;
	v31 =	vadd.s32 $0x4080, v19;
	v29 =	vld.idx.msk [tilespmem:v18+s22+$0x0], $0xffff;
	[tilespmem:s1+$0x10E00] =	vst v21;
	v21 =	vadd.s32 $0x6000, v2  }
0x6f: {  	v34 =	vadd.s32 $0x80, v15;
	v32 =	vadd.s32 $0x6080, v18;
	v33 =	vadd.s32 $0x6000, v19;
	v18 =	vld.idx.msk [tilespmem:v19+s22+$0x0], $0xffff;
	[tilespmem:s31+$0x10E00] =	vst v14  }
0x70: {  	s4 =	sadd.s32 $0x200, s4;
	v11 =	vadd.s32 $0x6080, v19;
	[tilespmem:s0+$0x10E00] =	vst v16;
	v14 =	vld.idx.msk [tilespmem:v7+s22+$0x0], $0xffff;
	v7 =	vmov v27  }
0x71: {  	s6 =	sand.u32 $0x7C00, s4;
	v16 =	vld.idx.msk [tilespmem:v8+s22+$0x0], $0xffff;
	v8 =	vmov v31  }
0x72: {  	s7 =	sor.u32 s6, s15;
	s5 =	sor.u32 s6, s16;
	s13 =	sor.u32 s6, s13;
	v19 =	vadd.s32 $0x80, v1;
	v27 =	vld.idx.msk [tilespmem:v22+s22+$0x0], $0xffff;
	[tilespmem:s2+$0x17600] =	vst v20  }
0x73: {  	s28 =	sor.u32 s10, s6;
	[tilespmem:s13+$0x10D00] =	vst v28;
	v20 =	vld.idx.msk [tilespmem:v21+s22+$0x0], $0xffff  }
0x74: {  	[tilespmem:s7+$0x10D00] =	vst v29;
	v21 =	vld.idx.msk [tilespmem:v34+s22+$0x0], $0xffff  }
0x75: {  	v22 =	vld.idx.msk [tilespmem:v24+s22+$0x0], $0xffff;
	[tilespmem:s5+$0x10D00] =	vst v18;
	v18 =	vadd.s32 $0x6080, v2;
	v2 =	vmov v15  }
0x76: {  	[tilespmem:s28+$0x10D00] =	vst v23;
	v15 =	vld.idx.msk [tilespmem:v17+s22+$0x0], $0xffff;
	v17 =	vadd.s32 $0x2000, v2  }
0x77: {  	v19 =	vld.idx.msk [tilespmem:v19+s22+$0x0], $0xffff;
	[tilespmem:s1+$0x17600] =	vst v14  }
0x78: {  	v23 =	vld.idx.msk [tilespmem:v5+s22+$0x0], $0xffff;
	[tilespmem:s31+$0x17600] =	vst v16;
	v5 =	vmov v30  }
0x79: {  	v16 =	vadd.s32 $0x2000, v1;
	v14 =	vld.idx.msk [tilespmem:v6+s22+$0x0], $0xffff;
	[tilespmem:s2+$0x10E80] =	vst v20;
	v6 =	vmov v33  }
0x7a: {  	[tilespmem:s13+$0x17500] =	vst v21;
	v21 =	vadd.s32 $0x6000, v0;
	v24 =	vld.idx.msk [tilespmem:v18+s22+$0x0], $0xffff  }
0x7b: {  	[tilespmem:s7+$0x17500] =	vst v22;
	v17 =	vld.idx.msk [tilespmem:v17+s22+$0x0], $0xffff  }
.Ltmp0:
0x7c: {  	v18 =	vld.idx.msk [tilespmem:v25+s22+$0x0], $0xffff;
	[tilespmem:s5+$0x17500] =	vst v15;
	(pc) =	sbr.rel @p0 .LBB2_2-.Ltmp0, $4  }
0x7d: {  	v22 =	vadd.s32 $0x2080, v2;
	[tilespmem:s28+$0x17500] =	vst v19;
	v19 =	vld.idx.msk [tilespmem:v26+s22+$0x0], $0xffff  }
0x7e: {  	v20 =	vld.idx.msk [tilespmem:v16+s22+$0x0], $0xffff;
	[tilespmem:s0+$0x17600] =	vst v27  }
0x7f: {  	v15 =	vld.idx.msk [tilespmem:v21+s22+$0x0], $0xffff;
	[tilespmem:s1+$0x10E80] =	vst v23  }
0x80: {  	s9 =	sadd.s32 $0x40, s9;
	v21 =	vadd.s32 $0x2080, v1;
	v16 =	vld.idx.msk [tilespmem:v4+s22+$0x0], $0xffff;
	[tilespmem:s2+$0x17680] =	vst v24;
	v4 =	vmov v32;
	s2 =	smov.u32 s13  }
0x81: {  	_ =	sdelay $0x2  }
0x82: {  	[tilespmem:s2+$0x10D80] =	vst v17  }
0x83: {  	[tilespmem:s7+$0x10D80] =	vst v18;
	v17 =	vld.idx.msk [tilespmem:v22+s22+$0x0], $0xffff  }
0x84: {  	v18 =	vadd.s32 $0x4000, v2;
	v13 =	vld.idx.msk [tilespmem:v13+s22+$0x0], $0xffff;
	[tilespmem:s5+$0x10D80] =	vst v19  }
0x85: {  	[tilespmem:s28+$0x10D80] =	vst v20;
	v12 =	vld.idx.msk [tilespmem:v12+s22+$0x0], $0xffff  }
0x86: {  	v19 =	vld.idx.msk [tilespmem:v21+s22+$0x0], $0xffff  }
0x87: {  	v20 =	vadd.s32 $0x4000, v1  }
0x88: {  	[tilespmem:s2+$0x17580] =	vst v17  }
0x89: {  	[tilespmem:s7+$0x17580] =	vst v13;
	v13 =	vld.idx.msk [tilespmem:v18+s22+$0x0], $0xffff  }
0x8a: {  	[tilespmem:s5+$0x17580] =	vst v12;
	v12 =	vadd.s32 $0x4080, v2;
	v9 =	vld.idx.msk [tilespmem:v9+s22+$0x0], $0xffff  }
0x8b: {  	[tilespmem:s28+$0x17580] =	vst v19;
	v10 =	vld.idx.msk [tilespmem:v10+s22+$0x0], $0xffff  }
0x8c: {  	v17 =	vld.idx.msk [tilespmem:v20+s22+$0x0], $0xffff  }
0x8d: {  	v18 =	vadd.s32 $0x4080, v1  }
0x8e: {  	[tilespmem:s2+$0x10E00] =	vst v13  }
0x8f: {  	[tilespmem:s7+$0x10E00] =	vst v9;
	v12 =	vld.idx.msk [tilespmem:v12+s22+$0x0], $0xffff  }
0x90: {  	v9 =	vadd.s32 $0x6000, v2;
	[tilespmem:s5+$0x10E00] =	vst v10;
	v7 =	vld.idx.msk [tilespmem:v7+s22+$0x0], $0xffff  }
0x91: {  	[tilespmem:s28+$0x10E00] =	vst v17;
	v8 =	vld.idx.msk [tilespmem:v8+s22+$0x0], $0xffff  }
0x92: {  	v10 =	vld.idx.msk [tilespmem:v18+s22+$0x0], $0xffff  }
0x93: {  	[tilespmem:s31+$0x10E80] =	vst v14;
	v13 =	vadd.s32 $0x6000, v1  }
0x94: {  	[tilespmem:s2+$0x17600] =	vst v12  }
0x95: {  	v0 =	vadd.s32 $0x6080, v0;
	[tilespmem:s7+$0x17600] =	vst v7;
	v9 =	vld.idx.msk [tilespmem:v9+s22+$0x0], $0xffff  }
0x96: {  	v2 =	vadd.s32 $0x6080, v2;
	v5 =	vld.idx.msk [tilespmem:v5+s22+$0x0], $0xffff;
	[tilespmem:s5+$0x17600] =	vst v8  }
0x97: {  	v6 =	vld.idx.msk [tilespmem:v6+s22+$0x0], $0xffff;
	[tilespmem:s28+$0x17600] =	vst v10  }
0x98: {  	[tilespmem:s0+$0x10E80] =	vst v15;
	v7 =	vld.idx.msk [tilespmem:v13+s22+$0x0], $0xffff  }
0x99: {  	v3 =	vld.idx.msk [tilespmem:v3+s22+$0x0], $0xffff;
	[tilespmem:s1+$0x17680] =	vst v16;
	v1 =	vadd.s32 $0x6080, v1  }
0x9a: {  	v0 =	vld.idx.msk [tilespmem:v0+s22+$0x0], $0xffff;
	[tilespmem:s2+$0x10E80] =	vst v9  }
0x9b: {  	[tilespmem:s7+$0x10E80] =	vst v5;
	v2 =	vld.idx.msk [tilespmem:v2+s22+$0x0], $0xffff  }
0x9c: {  	v4 =	vld.idx.msk [tilespmem:v4+s22+$0x0], $0xffff;
	[tilespmem:s5+$0x10E80] =	vst v6  }
0x9d: {  	[tilespmem:s28+$0x10E80] =	vst v7;
	v5 =	vld.idx.msk [tilespmem:v11+s22+$0x0], $0xffff  }
0x9e: {  	[tilespmem:s31+$0x17680] =	vst v3;
	v1 =	vld.idx.msk [tilespmem:v1+s22+$0x0], $0xffff  }
0x9f: {  	[tilespmem:s0+$0x17680] =	vst v0  }
0xa0: {  	[tilespmem:s2+$0x17680] =	vst v2  }
0xa1: {  	[tilespmem:s7+$0x17680] =	vst v4  }
0xa2: {  	[tilespmem:s5+$0x17680] =	vst v5  }
0xa3: {  	[tilespmem:s28+$0x17680] =	vst v1  }
0xa4: {  	s2 =	simm.s32 $0x0;
	s1 =	rddreg [dreg:$0x7]  }
0xa5: {  	[tilespmem:s22], [sflag:$0x1] =	stream.linear.gather [hbm4b:s1+s2], $0x8000, $0x38;
	[tilespmem:$0x1DD00] =	vst v63  }
0xa6: {  	_ =	swait.ge [sflag:s24], $0x8000  }
0xa7: {  	[sflag:s24] =	ssyncset.done $0x0  }
0xa8: {  	s4 =	sand.u32 $0xFC0, s2;
	[sflag:s24] =	ssyncadd.s32 $0xFFFF8000  }
0xa9: {  	v5 =	vld [tilespmem:s4+$0x30]  }
0xaa: {  	v4 =	vld [tilespmem:s4+$0x10]  }
0xab: {  	v3 =	vld [tilespmem:s4+$0x20];
	_ =	sdelay $0x1  }
0xac: {  	v0 =	vld [tilespmem:s2+$0x0];
	_ =	sdelay $0x2  }
0xad: {  	p0 =	por $0x0, $0x0;
	s0 =	simm.s32 $0x1  }
0xae: {  	s0 =	simm.s32 @!p0 $0x0;
	v1 =	vld.idx.msk [tilespmem:v5+s23+$0x0], $0xffff  }
0xaf: {  	s0 =	sshll.u32 s0, $0x6;
	v2 =	vadd.s32 $0x80, v5;
	v6 =	vld.idx.msk [tilespmem:v4+s23+$0x0], $0xffff  }
0xb0: {  	s2 =	sadd.s32 $0x0, s0;
	v7 =	vadd.s32 $0x80, v4;
	v8 =	vld.idx.msk [tilespmem:v3+s23+$0x0], $0xffff  }
0xb1: {  	s5 =	sadd.s32 $0x30, s2;
	v10 =	vadd.s32 $0x80, v3  }
0xb2: {  	s12 =	sadd.s32 $0x10, s2;
	s11 =	sor.u32 $0x200, s5;
	v9 =	vld.idx.msk [tilespmem:v0+s23+$0x0], $0xffff  }
0xb3: {  	s4 =	sadd.s32 $0x20, s2;
	s15 =	sor.u32 $0x200, s12;
	[tilespmem:s11+$0x10D00] =	vst v1  }
0xb4: {  	s6 =	sor.u32 $0x200, s4;
	v11 =	vadd.s32 $0x80, v0;
	[tilespmem:s15+$0x10D00] =	vst v6;
	v1 =	vld.idx.msk [tilespmem:v2+s23+$0x0], $0xffff  }
0xb5: {  	[tilespmem:s6+$0x10D00] =	vst v8;
	v2 =	vadd.s32 $0x2000, v5;
	v6 =	vld.idx.msk [tilespmem:v7+s23+$0x0], $0xffff  }
0xb6: {  	s8 =	sor.u32 $0x200, s2;
	v7 =	vadd.s32 $0x2000, v4;
	v8 =	vld.idx.msk [tilespmem:v10+s23+$0x0], $0xffff  }
0xb7: {  	[tilespmem:s8+$0x10D00] =	vst v9;
	v9 =	vadd.s32 $0x2000, v3;
	_ =	sdelay $0x1  }
0xb8: {  	v10 =	vld.idx.msk [tilespmem:v11+s23+$0x0], $0xffff;
	[tilespmem:s11+$0x17500] =	vst v1  }
0xb9: {  	v11 =	vadd.s32 $0x2000, v0;
	[tilespmem:s15+$0x17500] =	vst v6;
	v1 =	vld.idx.msk [tilespmem:v2+s23+$0x0], $0xffff  }
0xba: {  	[tilespmem:s6+$0x17500] =	vst v8;
	v2 =	vadd.s32 $0x2080, v5;
	v6 =	vld.idx.msk [tilespmem:v7+s23+$0x0], $0xffff  }
0xbb: {  	s0 =	simm.s32 $0x40;
	v7 =	vadd.s32 $0x2080, v4;
	v8 =	vld.idx.msk [tilespmem:v9+s23+$0x0], $0xffff  }
0xbc: {  	s10 =	sand.u32 $0xFC0, s0;
	v9 =	vadd.s32 $0x2080, v3  }
0xbd: {  	s16 =	sor.u32 $0x280, s5;
	v15 =	vld [tilespmem:s10+$0x10];
	[tilespmem:s8+$0x17500] =	vst v10  }
0xbe: {  	s17 =	sor.u32 $0x280, s12;
	v10 =	vld.idx.msk [tilespmem:v11+s23+$0x0], $0xffff;
	[tilespmem:s16+$0x10D00] =	vst v1  }
0xbf: {  	s20 =	sor.u32 $0x280, s4;
	v11 =	vadd.s32 $0x2080, v0;
	[tilespmem:s17+$0x10D00] =	vst v6;
	v12 =	vld.idx.msk [tilespmem:v2+s23+$0x0], $0xffff  }
0xc0: {  	[tilespmem:s20+$0x10D00] =	vst v8;
	v7 =	vld.idx.msk [tilespmem:v7+s23+$0x0], $0xffff  }
0xc1: {  	v6 =	vadd.s32 $0x4000, v5;
	v8 =	vld.idx.msk [tilespmem:v9+s23+$0x0], $0xffff  }
0xc2: {  	s9 =	sor.u32 $0x280, s2;
	v9 =	vadd.s32 $0x4000, v4;
	v2 =	vld [tilespmem:s10+$0x30]  }
0xc3: {  	v16 =	vld [tilespmem:s10+$0x20];
	[tilespmem:s9+$0x10D00] =	vst v10  }
0xc4: {  	v10 =	vld.idx.msk [tilespmem:v11+s23+$0x0], $0xffff;
	v11 =	vadd.s32 $0x4000, v3  }
0xc5: {  	v1 =	vld [tilespmem:s0+$0x0];
	[tilespmem:s16+$0x17500] =	vst v12  }
0xc6: {  	v12 =	vadd.s32 $0x4000, v0;
	[tilespmem:s17+$0x17500] =	vst v7;
	v6 =	vld.idx.msk [tilespmem:v6+s23+$0x0], $0xffff  }
0xc7: {  	p0 =	por !p0, !p0;
	s1 =	simm.s32 $0x1;
	[tilespmem:s20+$0x17500] =	vst v8;
	v8 =	vld.idx.msk [tilespmem:v9+s23+$0x0], $0xffff  }
0xc8: {  	s1 =	simm.s32 @!p0 $0x0;
	v17 =	vld.idx.msk [tilespmem:v15+s23+$0x0], $0xffff;
	v7 =	vadd.s32 $0x4080, v5  }
0xc9: {  	s1 =	sshll.u32 s1, $0x6;
	v9 =	vld.idx.msk [tilespmem:v11+s23+$0x0], $0xffff;
	v11 =	vadd.s32 $0x4080, v4  }
0xca: {  	s29 =	sadd.s32 $0x200, s1;
	s21 =	sor.u32 $0x300, s5;
	[tilespmem:s9+$0x17500] =	vst v10;
	v14 =	vld.idx.msk [tilespmem:v2+s23+$0x0], $0xffff  }
0xcb: {  	s13 =	sadd.s32 $0x10, s29;
	s24 =	sor.u32 $0x300, s12;
	v19 =	vadd.s32 $0x80, v2;
	v10 =	vld.idx.msk [tilespmem:v12+s23+$0x0], $0xffff;
	[tilespmem:s21+$0x10D00] =	vst v6  }
0xcc: {  	s17 =	sor.u32 $0x200, s13;
	v6 =	vadd.s32 $0x4080, v3;
	[tilespmem:s24+$0x10D00] =	vst v8;
	v8 =	vld.idx.msk [tilespmem:v16+s23+$0x0], $0xffff  }
0xcd: {  	s1 =	sadd.s32 $0x30, s29;
	v13 =	vadd.s32 $0x4080, v0;
	s15 =	sor.u32 $0x300, s4;
	[tilespmem:s17+$0x10D00] =	vst v17;
	v7 =	vld.idx.msk [tilespmem:v7+s23+$0x0], $0xffff  }
0xce: {  	s16 =	sor.u32 $0x200, s1;
	[tilespmem:s15+$0x10D00] =	vst v9;
	v9 =	vld.idx.msk [tilespmem:v11+s23+$0x0], $0xffff;
	v11 =	vadd.s32 $0x80, v16  }
0xcf: {  	s30 =	sadd.s32 $0x20, s29;
	s25 =	sor.u32 $0x300, s2;
	v18 =	vadd.s32 $0x6000, v5;
	v12 =	vld.idx.msk [tilespmem:v1+s23+$0x0], $0xffff;
	[tilespmem:s16+$0x10D00] =	vst v14  }
0xd0: {  	v20 =	vadd.s32 $0x80, v15;
	s20 =	sor.u32 $0x200, s30;
	v17 =	vld.idx.msk [tilespmem:v19+s23+$0x0], $0xffff;
	[tilespmem:s25+$0x10D00] =	vst v10  }
0xd1: {  	v10 =	vadd.s32 $0x80, v1;
	v6 =	vld.idx.msk [tilespmem:v6+s23+$0x0], $0xffff;
	[tilespmem:s20+$0x10D00] =	vst v8  }
0xd2: {  	v21 =	vld.idx.msk [tilespmem:v13+s23+$0x0], $0xffff;
	[tilespmem:s21+$0x17500] =	vst v7;
	v7 =	vadd.s32 $0x6000, v4  }
0xd3: {  	s28 =	sor.u32 $0x200, s29;
	v14 =	vadd.s32 $0x6000, v3;
	v8 =	vld.idx.msk [tilespmem:v11+s23+$0x0], $0xffff  }
0xd4: {  	[tilespmem:s28+$0x10D00] =	vst v12;
	v11 =	vadd.s32 $0x2000, v2;
	v13 =	vld.idx.msk [tilespmem:v18+s23+$0x0], $0xffff  }
0xd5: {  	v5 =	vadd.s32 $0x6080, v5;
	[tilespmem:s24+$0x17500] =	vst v9;
	v18 =	vld.idx.msk [tilespmem:v20+s23+$0x0], $0xffff  }
0xd6: {  	v19 =	vadd.s32 $0x2000, v16;
	[tilespmem:s16+$0x17500] =	vst v17;
	v10 =	vld.idx.msk [tilespmem:v10+s23+$0x0], $0xffff  }
0xd7: {  	v12 =	vadd.s32 $0x2000, v15;
	[tilespmem:s15+$0x17500] =	vst v6;
	v22 =	vld.idx.msk [tilespmem:v7+s23+$0x0], $0xffff  }
0xd8: {  	s14 =	sor.u32 $0x380, s5;
	v23 =	vadd.s32 $0x6000, v0;
	[tilespmem:s25+$0x17500] =	vst v21;
	v14 =	vld.idx.msk [tilespmem:v14+s23+$0x0], $0xffff  }
0xd9: {  	v6 =	vadd.s32 $0x2000, v1;
	v17 =	vld.idx.msk [tilespmem:v11+s23+$0x0], $0xffff;
	[tilespmem:s14+$0x10D00] =	vst v13  }
0xda: {  	s7 =	simm.s32 $0x4;
	v25 =	vadd.s32 $0x6080, v4;
	[tilespmem:s20+$0x17500] =	vst v8;
	v24 =	vld.idx.msk [tilespmem:v5+s23+$0x0], $0xffff  }
0xdb: {  	s2 =	sor.u32 $0x380, s2;
	s31 =	sor.u32 $0x380, s12;
	s26 =	sor.u32 $0x380, s4;
	v3 =	vadd.s32 $0x6080, v3;
	v9 =	vadd.s32 $0x4000, v15;
	[tilespmem:s17+$0x17500] =	vst v18;
	v19 =	vld.idx.msk [tilespmem:v19+s23+$0x0], $0xffff  }
0xdc: {  	s5 =	sor.u32 $0x300, s29;
	s8 =	simm.s32 $0x200;
	s4 =	sor.u32 $0x300, s30;
	v4 =	vadd.s32 $0x6080, v15;
	v21 =	vadd.s32 $0x2080, v1;
	v18 =	vld.idx.msk [tilespmem:v12+s23+$0x0], $0xffff;
	[tilespmem:s31+$0x10D00] =	vst v22;
	v22 =	vadd.s32 $0x2080, v2  }
0xdd: {  	s6 =	sor.u32 $0x280, s1;
	s10 =	sor.u32 $0x380, s30;
	s9 =	simm.s32 $0x80;
	v7 =	vadd.s32 $0x4080, v15;
	v13 =	vadd.s32 $0x2080, v15;
	v5 =	vadd.s32 $0x6000, v15;
	v15 =	vld.idx.msk [tilespmem:v23+s23+$0x0], $0xffff;
	[tilespmem:s28+$0x17500] =	vst v10  }
0xde: {  	s16 =	sor.u32 $0x280, s30;
	s15 =	sor.u32 $0x380, s13;
	s20 =	sor.u32 $0x280, s29;
	v8 =	vadd.s32 $0x4080, v16;
	v11 =	vadd.s32 $0x6080, v16;
	v12 =	vadd.s32 $0x2080, v16;
	v20 =	vld.idx.msk [tilespmem:v6+s23+$0x0], $0xffff  }
0xdf: {  	s17 =	sor.u32 $0x280, s13;
	v10 =	vadd.s32 $0x4000, v16;
	s28 =	sor.u32 $0x300, s13;
	s13 =	sor.u32 $0x380, s29;
	v6 =	vadd.s32 $0x6000, v16;
	v16 =	vld.idx.msk [tilespmem:v25+s23+$0x0], $0xffff;
	[tilespmem:s14+$0x17500] =	vst v24  }
.LBB2_4:
0xe0: {  	v23 =	vld [tilespmem:s9+$0x0];
	[tilespmem:s6+$0x10D00] =	vst v17  }
0xe1: {  	[tilespmem:s17+$0x10D00] =	vst v18;
	v17 =	vld.idx.msk [tilespmem:v22+s23+$0x0], $0xffff;
	v18 =	vadd.s32 $0x6080, v0;
	v0 =	vmov v1  }
0xe2: {  	v13 =	vld.idx.msk [tilespmem:v13+s23+$0x0], $0xffff;
	[tilespmem:s16+$0x10D00] =	vst v19  }
0xe3: {  	v19 =	vadd.s32 $0x4000, v2;
	[tilespmem:s20+$0x10D00] =	vst v20;
	v12 =	vld.idx.msk [tilespmem:v12+s23+$0x0], $0xffff  }
0xe4: {  	v20 =	vld.idx.msk [tilespmem:v21+s23+$0x0], $0xffff;
	[tilespmem:s26+$0x10D00] =	vst v14  }
0xe5: {  	s0 =	sadd.s32 $0x40, s0;
	[tilespmem:s2+$0x10D00] =	vst v15;
	v14 =	vld.idx.msk [tilespmem:v3+s23+$0x0], $0xffff;
	v1 =	vmov v23;
	v3 =	vmov v11  }
0xe6: {  	s14 =	sand.u32 $0xFC0, s0;
	v11 =	vld.idx.msk [tilespmem:v18+s23+$0x0], $0xffff;
	[tilespmem:s31+$0x17500] =	vst v16;
	s31 =	smov.u32 s15  }
0xe7: {  	s7 =	sadd.s32 $0x4, s7;
	v15 =	vld [tilespmem:s14+$0x30];
	[tilespmem:s6+$0x17500] =	vst v17  }
0xe8: {  	p1 =	slt.u32 s7, $0xCC;
	v16 =	vadd.s32 $0x4000, v0;
	[tilespmem:s17+$0x17500] =	vst v13;
	v17 =	vld.idx.msk [tilespmem:v19+s23+$0x0], $0xffff  }
0xe9: {  	v18 =	vld [tilespmem:s14+$0x10];
	[tilespmem:s16+$0x17500] =	vst v12  }
0xea: {  	v19 =	vld [tilespmem:s14+$0x20];
	[tilespmem:s20+$0x17500] =	vst v20;
	v20 =	vadd.s32 $0x4080, v2  }
0xeb: {  	v21 =	vld.idx.msk [tilespmem:v9+s23+$0x0], $0xffff;
	[tilespmem:s26+$0x17500] =	vst v14;
	s26 =	smov.u32 s10  }
0xec: {  	v14 =	vld.idx.msk [tilespmem:v10+s23+$0x0], $0xffff;
	[tilespmem:s2+$0x17500] =	vst v11;
	s2 =	smov.u32 s13  }
0xed: {  	v22 =	vadd.s32 $0x4080, v0;
	s6 =	sor.u32 $0x300, s1;
	v16 =	vld.idx.msk [tilespmem:v16+s23+$0x0], $0xffff  }
0xee: {  	v23 =	vld.idx.msk [tilespmem:v23+s23+$0x0], $0xffff;
	v24 =	vadd.s32 $0x80, v18;
	v25 =	vadd.s32 $0x2000, v18;
	v13 =	vadd.s32 $0x2080, v18;
	[tilespmem:s6+$0x10D00] =	vst v17  }
0xef: {  	v17 =	vadd.s32 $0x80, v19;
	v26 =	vadd.s32 $0x2000, v19;
	v12 =	vadd.s32 $0x2080, v19;
	v20 =	vld.idx.msk [tilespmem:v20+s23+$0x0], $0xffff  }
0xf0: {  	p0 =	por !p0, !p0;
	s10 =	simm.s32 $0x1;
	v9 =	vadd.s32 $0x4000, v18;
	v27 =	vadd.s32 $0x4080, v18;
	v10 =	vadd.s32 $0x4000, v19;
	v28 =	vld.idx.msk [tilespmem:v15+s23+$0x0], $0xffff  }
0xf1: {  	s10 =	simm.s32 @!p0 $0x0;
	v30 =	vadd.s32 $0x6000, v18;
	v31 =	vadd.s32 $0x4080, v19;
	v29 =	vld.idx.msk [tilespmem:v18+s23+$0x0], $0xffff;
	[tilespmem:s28+$0x10D00] =	vst v21;
	v21 =	vadd.s32 $0x6000, v2  }
0xf2: {  	s8 =	sadd.s32 $0x200, s8;
	v34 =	vadd.s32 $0x80, v15;
	s10 =	sshll.u32 s10, $0x6;
	v32 =	vadd.s32 $0x6080, v18;
	v33 =	vadd.s32 $0x6000, v19;
	v18 =	vld.idx.msk [tilespmem:v19+s23+$0x0], $0xffff;
	[tilespmem:s4+$0x10D00] =	vst v14  }
0xf3: {  	s13 =	sadd.s32 s10, s8;
	v11 =	vadd.s32 $0x6080, v19;
	[tilespmem:s5+$0x10D00] =	vst v16;
	v14 =	vld.idx.msk [tilespmem:v7+s23+$0x0], $0xffff;
	v7 =	vmov v27  }
0xf4: {  	s10 =	sadd.s32 $0x10, s13;
	s14 =	sadd.s32 $0x20, s13;
	s21 =	sadd.s32 $0x30, s13;
	v16 =	vld.idx.msk [tilespmem:v8+s23+$0x0], $0xffff;
	v8 =	vmov v31  }
0xf5: {  	s24 =	sor.u32 $0x200, s10;
	s25 =	sor.u32 $0x200, s14;
	s30 =	sor.u32 $0x200, s21;
	v19 =	vadd.s32 $0x80, v1;
	v27 =	vld.idx.msk [tilespmem:v22+s23+$0x0], $0xffff;
	[tilespmem:s6+$0x17500] =	vst v20  }
0xf6: {  	s17 =	sor.u32 $0x280, s10;
	s16 =	sor.u32 $0x280, s14;
	s6 =	sor.u32 $0x200, s13;
	[tilespmem:s30+$0x10D00] =	vst v28;
	v20 =	vld.idx.msk [tilespmem:v21+s23+$0x0], $0xffff  }
0xf7: {  	s20 =	sor.u32 $0x280, s13;
	s29 =	sor.u32 $0x300, s10;
	s11 =	sor.u32 $0x300, s14;
	[tilespmem:s24+$0x10D00] =	vst v29;
	v21 =	vld.idx.msk [tilespmem:v34+s23+$0x0], $0xffff  }
0xf8: {  	s12 =	sor.u32 $0x300, s13;
	s15 =	sor.u32 $0x380, s10;
	s10 =	sor.u32 $0x380, s14;
	v22 =	vld.idx.msk [tilespmem:v24+s23+$0x0], $0xffff;
	[tilespmem:s25+$0x10D00] =	vst v18;
	v18 =	vadd.s32 $0x6080, v2;
	v2 =	vmov v15  }
0xf9: {  	s13 =	sor.u32 $0x380, s13;
	[tilespmem:s6+$0x10D00] =	vst v23;
	v15 =	vld.idx.msk [tilespmem:v17+s23+$0x0], $0xffff;
	v17 =	vadd.s32 $0x2000, v2  }
0xfa: {  	v19 =	vld.idx.msk [tilespmem:v19+s23+$0x0], $0xffff;
	[tilespmem:s28+$0x17500] =	vst v14;
	s28 =	smov.u32 s29  }
0xfb: {  	s14 =	sor.u32 $0x380, s1;
	s1 =	smov.u32 s21;
	v23 =	vld.idx.msk [tilespmem:v5+s23+$0x0], $0xffff;
	[tilespmem:s4+$0x17500] =	vst v16;
	v5 =	vmov v30;
	s4 =	smov.u32 s11  }
0xfc: {  	v16 =	vadd.s32 $0x2000, v1;
	v14 =	vld.idx.msk [tilespmem:v6+s23+$0x0], $0xffff;
	[tilespmem:s14+$0x10D00] =	vst v20;
	v6 =	vmov v33  }
0xfd: {  	[tilespmem:s30+$0x17500] =	vst v21;
	v21 =	vadd.s32 $0x6000, v0;
	v24 =	vld.idx.msk [tilespmem:v18+s23+$0x0], $0xffff  }
0xfe: {  	[tilespmem:s24+$0x17500] =	vst v22;
	v17 =	vld.idx.msk [tilespmem:v17+s23+$0x0], $0xffff  }
.Ltmp1:
0xff: {  	v18 =	vld.idx.msk [tilespmem:v25+s23+$0x0], $0xffff;
	[tilespmem:s25+$0x17500] =	vst v15;
	(pc) =	sbr.rel @p1 .LBB2_4-.Ltmp1, $4  }
0x100: {  	v22 =	vadd.s32 $0x2080, v2;
	[tilespmem:s6+$0x17500] =	vst v19;
	v19 =	vld.idx.msk [tilespmem:v26+s23+$0x0], $0xffff  }
0x101: {  	v20 =	vld.idx.msk [tilespmem:v16+s23+$0x0], $0xffff;
	[tilespmem:s5+$0x17500] =	vst v27;
	s5 =	smov.u32 s12  }
0x102: {  	v15 =	vld.idx.msk [tilespmem:v21+s23+$0x0], $0xffff;
	[tilespmem:s31+$0x10D00] =	vst v23  }
0x103: {  	s9 =	sadd.s32 $0x40, s9;
	s6 =	sor.u32 $0x280, s1;
	v21 =	vadd.s32 $0x2080, v1;
	v16 =	vld.idx.msk [tilespmem:v4+s23+$0x0], $0xffff;
	[tilespmem:s14+$0x17500] =	vst v24;
	v4 =	vmov v32  }
0x104: {  	_ =	sdelay $0x2  }
0x105: {  	[tilespmem:s6+$0x10D00] =	vst v17  }
0x106: {  	[tilespmem:s17+$0x10D00] =	vst v18;
	v17 =	vld.idx.msk [tilespmem:v22+s23+$0x0], $0xffff  }
0x107: {  	v18 =	vadd.s32 $0x4000, v2;
	v13 =	vld.idx.msk [tilespmem:v13+s23+$0x0], $0xffff;
	[tilespmem:s16+$0x10D00] =	vst v19  }
0x108: {  	[tilespmem:s20+$0x10D00] =	vst v20;
	v12 =	vld.idx.msk [tilespmem:v12+s23+$0x0], $0xffff  }
0x109: {  	v19 =	vld.idx.msk [tilespmem:v21+s23+$0x0], $0xffff  }
0x10a: {  	v20 =	vadd.s32 $0x4000, v1  }
0x10b: {  	[tilespmem:s6+$0x17500] =	vst v17  }
0x10c: {  	[tilespmem:s17+$0x17500] =	vst v13;
	v13 =	vld.idx.msk [tilespmem:v18+s23+$0x0], $0xffff  }
0x10d: {  	[tilespmem:s16+$0x17500] =	vst v12;
	v12 =	vadd.s32 $0x4080, v2;
	v9 =	vld.idx.msk [tilespmem:v9+s23+$0x0], $0xffff  }
0x10e: {  	[tilespmem:s20+$0x17500] =	vst v19;
	v10 =	vld.idx.msk [tilespmem:v10+s23+$0x0], $0xffff  }
0x10f: {  	v17 =	vld.idx.msk [tilespmem:v20+s23+$0x0], $0xffff  }
0x110: {  	s0 =	sor.u32 $0x300, s1;
	v18 =	vadd.s32 $0x4080, v1  }
0x111: {  	[tilespmem:s0+$0x10D00] =	vst v13  }
0x112: {  	[tilespmem:s28+$0x10D00] =	vst v9;
	v12 =	vld.idx.msk [tilespmem:v12+s23+$0x0], $0xffff  }
0x113: {  	v9 =	vadd.s32 $0x6000, v2;
	[tilespmem:s4+$0x10D00] =	vst v10;
	v7 =	vld.idx.msk [tilespmem:v7+s23+$0x0], $0xffff  }
0x114: {  	[tilespmem:s5+$0x10D00] =	vst v17;
	v8 =	vld.idx.msk [tilespmem:v8+s23+$0x0], $0xffff  }
0x115: {  	v10 =	vld.idx.msk [tilespmem:v18+s23+$0x0], $0xffff  }
0x116: {  	[tilespmem:s26+$0x10D00] =	vst v14;
	v13 =	vadd.s32 $0x6000, v1  }
0x117: {  	[tilespmem:s0+$0x17500] =	vst v12  }
0x118: {  	v0 =	vadd.s32 $0x6080, v0;
	[tilespmem:s28+$0x17500] =	vst v7;
	v9 =	vld.idx.msk [tilespmem:v9+s23+$0x0], $0xffff  }
0x119: {  	v2 =	vadd.s32 $0x6080, v2;
	v5 =	vld.idx.msk [tilespmem:v5+s23+$0x0], $0xffff;
	[tilespmem:s4+$0x17500] =	vst v8  }
0x11a: {  	v6 =	vld.idx.msk [tilespmem:v6+s23+$0x0], $0xffff;
	[tilespmem:s5+$0x17500] =	vst v10  }
0x11b: {  	[tilespmem:s2+$0x10D00] =	vst v15;
	v7 =	vld.idx.msk [tilespmem:v13+s23+$0x0], $0xffff  }
0x11c: {  	s29 =	sor.u32 $0x380, s1;
	v3 =	vld.idx.msk [tilespmem:v3+s23+$0x0], $0xffff;
	[tilespmem:s31+$0x17500] =	vst v16;
	v1 =	vadd.s32 $0x6080, v1  }
0x11d: {  	v0 =	vld.idx.msk [tilespmem:v0+s23+$0x0], $0xffff;
	[tilespmem:s29+$0x10D00] =	vst v9  }
0x11e: {  	[tilespmem:s15+$0x10D00] =	vst v5;
	v2 =	vld.idx.msk [tilespmem:v2+s23+$0x0], $0xffff  }
0x11f: {  	v4 =	vld.idx.msk [tilespmem:v4+s23+$0x0], $0xffff;
	[tilespmem:s10+$0x10D00] =	vst v6  }
0x120: {  	[tilespmem:s13+$0x10D00] =	vst v7;
	v5 =	vld.idx.msk [tilespmem:v11+s23+$0x0], $0xffff  }
0x121: {  	[tilespmem:s26+$0x17500] =	vst v3;
	v1 =	vld.idx.msk [tilespmem:v1+s23+$0x0], $0xffff  }
0x122: {  	[tilespmem:s2+$0x17500] =	vst v0  }
0x123: {  	[tilespmem:s29+$0x17500] =	vst v2  }
0x124: {  	[tilespmem:s15+$0x17500] =	vst v4  }
0x125: {  	[tilespmem:s10+$0x17500] =	vst v5  }
0x126: {  	[tilespmem:s13+$0x17500] =	vst v1  }
0x127: {  	s30 =	simm.s32 $0x0;
	s5 =	simm.s32 $0x10D00;
	s4 =	rddreg [dreg:$0x6]  }
0x128: {  	[hbm4b:s4+s30] =	stream.linear.scatter [tilespmem:s5], [sflag:$0x3], $0x6800, $0x38;
	[tilespmem:$0x1DD00] =	vst v63  }
0x129: {  	s7 =	simm.s32 $0x17500;
	s6 =	rddreg [dreg:$0x8]  }
0x12a: {  	[hbm4b:s6+s30] =	stream.linear.scatter [tilespmem:s7], [sflag:$0x3], $0x6800, $0x38;
	[tilespmem:$0x1DD00] =	vst v63  }
0x12b: {  	s21 =	simm.s32 $0x1;
	s8 =	rddreg [dreg:$0x9]  }
0x12c: {  	[tilespmem:s23], [sflag:$0x2] =	stream.linear.gather [hbm4b:s8+s30], $0x4000, $0x38;
	[tilespmem:$0x1DD00] =	vst v63  }
0x12d: {  	_ =	swait.ge [sflag:s21], $0x8000  }
0x12e: {  	[sflag:s21] =	ssyncset.done $0x0  }
0x12f: {  	s25 =	simm.s32 $0x3;
	[sflag:s21] =	ssyncadd.s32 $0xFFFF8000  }
0x130: {  	_ =	swait.ge [sflag:s25], $0x6800  }
0x131: {  	[sflag:s25] =	ssyncset.done $0x0  }
0x132: {  	[sflag:s25] =	ssyncadd.s32 $0xFFFF9800  }
0x133: {  	s9 =	sand.u32 $0x40, s30;
	_ =	swait.ge [sflag:s25], $0x6800  }
0x134: {  	s11 =	sor.u32 $0x30, s9;
	s10 =	sand.u32 $0xF80, s30;
	[sflag:s25] =	ssyncset.done $0x0  }
0x135: {  	s12 =	sor.u32 s11, s10;
	s13 =	sor.u32 $0x10, s9;
	[sflag:s25] =	ssyncadd.s32 $0xFFFF9800  }
0x136: {  	s14 =	sor.u32 s13, s10;
	s7 =	sor.u32 $0x20, s9;
	v3 =	vld [tilespmem:s12+$0x0]  }
0x137: {  	s1 =	sor.u32 s7, s10;
	v4 =	vld [tilespmem:s14+$0x0]  }
0x138: {  	v5 =	vld [tilespmem:s1+$0x0];
	_ =	sdelay $0x1  }
0x139: {  	v0 =	vld [tilespmem:s30+$0x0];
	_ =	sdelay $0x3  }
0x13a: {  	v1 =	vld.idx.msk [tilespmem:v3+s22+$0x0], $0xffff  }
0x13b: {  	v2 =	vadd.s32 $0x80, v3;
	v6 =	vld.idx.msk [tilespmem:v4+s22+$0x0], $0xffff  }
0x13c: {  	v7 =	vadd.s32 $0x80, v4;
	v8 =	vld.idx.msk [tilespmem:v5+s22+$0x0], $0xffff  }
0x13d: {  	s0 =	sand.u32 $0x7C00, s30;
	v10 =	vadd.s32 $0x80, v5  }
0x13e: {  	s15 =	sor.u32 s0, s11;
	v9 =	vld.idx.msk [tilespmem:v0+s22+$0x0], $0xffff  }
0x13f: {  	s1 =	sor.u32 s0, s13;
	[tilespmem:s15+$0x10D00] =	vst v1  }
0x140: {  	s31 =	sor.u32 s0, s7;
	v11 =	vadd.s32 $0x80, v0;
	[tilespmem:s1+$0x10D00] =	vst v6;
	v1 =	vld.idx.msk [tilespmem:v2+s22+$0x0], $0xffff  }
0x141: {  	[tilespmem:s31+$0x10D00] =	vst v8;
	v2 =	vadd.s32 $0x2000, v3;
	v6 =	vld.idx.msk [tilespmem:v7+s22+$0x0], $0xffff  }
0x142: {  	s0 =	sor.u32 s9, s0;
	v7 =	vadd.s32 $0x2000, v4;
	v8 =	vld.idx.msk [tilespmem:v10+s22+$0x0], $0xffff  }
0x143: {  	[tilespmem:s0+$0x10D00] =	vst v9;
	v9 =	vadd.s32 $0x2000, v5;
	_ =	sdelay $0x1  }
0x144: {  	v10 =	vld.idx.msk [tilespmem:v11+s22+$0x0], $0xffff;
	[tilespmem:s15+$0x17500] =	vst v1  }
0x145: {  	s26 =	simm.s32 $0x40;
	v11 =	vadd.s32 $0x2000, v0;
	[tilespmem:s1+$0x17500] =	vst v6;
	v1 =	vld.idx.msk [tilespmem:v2+s22+$0x0], $0xffff  }
0x146: {  	s16 =	sand.u32 $0x40, s26;
	[tilespmem:s31+$0x17500] =	vst v8;
	v2 =	vadd.s32 $0x2080, v3;
	v6 =	vld.idx.msk [tilespmem:v7+s22+$0x0], $0xffff  }
0x147: {  	s17 =	sand.u32 $0xF80, s26;
	s29 =	sor.u32 $0x10, s16;
	v7 =	vadd.s32 $0x2080, v4;
	v8 =	vld.idx.msk [tilespmem:v9+s22+$0x0], $0xffff  }
0x148: {  	s30 =	sor.u32 s29, s17;
	v9 =	vadd.s32 $0x2080, v5  }
0x149: {  	v15 =	vld [tilespmem:s30+$0x0];
	[tilespmem:s0+$0x17500] =	vst v10  }
0x14a: {  	v10 =	vld.idx.msk [tilespmem:v11+s22+$0x0], $0xffff;
	[tilespmem:s15+$0x10D80] =	vst v1  }
0x14b: {  	v11 =	vadd.s32 $0x2080, v0;
	[tilespmem:s1+$0x10D80] =	vst v6;
	v12 =	vld.idx.msk [tilespmem:v2+s22+$0x0], $0xffff  }
0x14c: {  	s20 =	sor.u32 $0x30, s16;
	[tilespmem:s31+$0x10D80] =	vst v8;
	v7 =	vld.idx.msk [tilespmem:v7+s22+$0x0], $0xffff  }
0x14d: {  	s24 =	sor.u32 s20, s17;
	s8 =	sor.u32 $0x20, s16;
	v6 =	vadd.s32 $0x4000, v3;
	v8 =	vld.idx.msk [tilespmem:v9+s22+$0x0], $0xffff  }
0x14e: {  	s2 =	sor.u32 s8, s17;
	v9 =	vadd.s32 $0x4000, v4;
	v2 =	vld [tilespmem:s24+$0x0]  }
0x14f: {  	v16 =	vld [tilespmem:s2+$0x0];
	[tilespmem:s0+$0x10D80] =	vst v10  }
0x150: {  	v10 =	vld.idx.msk [tilespmem:v11+s22+$0x0], $0xffff;
	v11 =	vadd.s32 $0x4000, v5  }
0x151: {  	v1 =	vld [tilespmem:s26+$0x0];
	[tilespmem:s15+$0x17580] =	vst v12  }
0x152: {  	v12 =	vadd.s32 $0x4000, v0;
	[tilespmem:s1+$0x17580] =	vst v7;
	v6 =	vld.idx.msk [tilespmem:v6+s22+$0x0], $0xffff  }
0x153: {  	[tilespmem:s31+$0x17580] =	vst v8;
	v8 =	vld.idx.msk [tilespmem:v9+s22+$0x0], $0xffff  }
0x154: {  	v17 =	vld.idx.msk [tilespmem:v15+s22+$0x0], $0xffff;
	v7 =	vadd.s32 $0x4080, v3  }
0x155: {  	v9 =	vld.idx.msk [tilespmem:v11+s22+$0x0], $0xffff;
	v11 =	vadd.s32 $0x4080, v4  }
0x156: {  	s4 =	simm.s32 $0x200;
	[tilespmem:s0+$0x17580] =	vst v10;
	v14 =	vld.idx.msk [tilespmem:v2+s22+$0x0], $0xffff  }
0x157: {  	s9 =	sand.u32 $0x7C00, s4;
	v19 =	vadd.s32 $0x80, v2;
	v10 =	vld.idx.msk [tilespmem:v12+s22+$0x0], $0xffff;
	[tilespmem:s15+$0x10E00] =	vst v6  }
0x158: {  	s7 =	sor.u32 s9, s29;
	v6 =	vadd.s32 $0x4080, v5;
	[tilespmem:s1+$0x10E00] =	vst v8;
	v8 =	vld.idx.msk [tilespmem:v16+s22+$0x0], $0xffff  }
0x159: {  	v13 =	vadd.s32 $0x4080, v0;
	[tilespmem:s7+$0x10D00] =	vst v17;
	v7 =	vld.idx.msk [tilespmem:v7+s22+$0x0], $0xffff  }
0x15a: {  	s2 =	sor.u32 s9, s20;
	[tilespmem:s31+$0x10E00] =	vst v9;
	v9 =	vld.idx.msk [tilespmem:v11+s22+$0x0], $0xffff;
	v11 =	vadd.s32 $0x80, v16  }
0x15b: {  	v18 =	vadd.s32 $0x6000, v3;
	v12 =	vld.idx.msk [tilespmem:v1+s22+$0x0], $0xffff;
	[tilespmem:s2+$0x10D00] =	vst v14  }
0x15c: {  	s5 =	sor.u32 s9, s8;
	v20 =	vadd.s32 $0x80, v15;
	v17 =	vld.idx.msk [tilespmem:v19+s22+$0x0], $0xffff;
	[tilespmem:s0+$0x10E00] =	vst v10  }
0x15d: {  	v10 =	vadd.s32 $0x80, v1;
	v6 =	vld.idx.msk [tilespmem:v6+s22+$0x0], $0xffff;
	[tilespmem:s5+$0x10D00] =	vst v8  }
0x15e: {  	v21 =	vld.idx.msk [tilespmem:v13+s22+$0x0], $0xffff;
	[tilespmem:s15+$0x17600] =	vst v7;
	v7 =	vadd.s32 $0x6000, v4  }
0x15f: {  	s28 =	sor.u32 s16, s9;
	v14 =	vadd.s32 $0x6000, v5;
	v8 =	vld.idx.msk [tilespmem:v11+s22+$0x0], $0xffff  }
0x160: {  	[tilespmem:s28+$0x10D00] =	vst v12;
	v11 =	vadd.s32 $0x2000, v2;
	v13 =	vld.idx.msk [tilespmem:v18+s22+$0x0], $0xffff  }
0x161: {  	v3 =	vadd.s32 $0x6080, v3;
	[tilespmem:s1+$0x17600] =	vst v9;
	v18 =	vld.idx.msk [tilespmem:v20+s22+$0x0], $0xffff  }
0x162: {  	v19 =	vadd.s32 $0x2000, v16;
	[tilespmem:s2+$0x17500] =	vst v17;
	v10 =	vld.idx.msk [tilespmem:v10+s22+$0x0], $0xffff  }
0x163: {  	v12 =	vadd.s32 $0x2000, v15;
	[tilespmem:s31+$0x17600] =	vst v6;
	v22 =	vld.idx.msk [tilespmem:v7+s22+$0x0], $0xffff  }
0x164: {  	v23 =	vadd.s32 $0x6000, v0;
	[tilespmem:s0+$0x17600] =	vst v21;
	v14 =	vld.idx.msk [tilespmem:v14+s22+$0x0], $0xffff  }
0x165: {  	v6 =	vadd.s32 $0x2000, v1;
	v17 =	vld.idx.msk [tilespmem:v11+s22+$0x0], $0xffff;
	[tilespmem:s15+$0x10E80] =	vst v13  }
0x166: {  	v25 =	vadd.s32 $0x6080, v4;
	[tilespmem:s5+$0x17500] =	vst v8;
	v24 =	vld.idx.msk [tilespmem:v3+s22+$0x0], $0xffff  }
0x167: {  	v9 =	vadd.s32 $0x4000, v15;
	[tilespmem:s7+$0x17500] =	vst v18;
	v19 =	vld.idx.msk [tilespmem:v19+s22+$0x0], $0xffff  }
0x168: {  	v4 =	vadd.s32 $0x6080, v15;
	v7 =	vadd.s32 $0x4080, v15;
	v18 =	vld.idx.msk [tilespmem:v12+s22+$0x0], $0xffff;
	[tilespmem:s1+$0x10E80] =	vst v22;
	v22 =	vadd.s32 $0x2080, v2  }
0x169: {  	v13 =	vadd.s32 $0x2080, v15;
	v3 =	vadd.s32 $0x6080, v5;
	v5 =	vadd.s32 $0x6000, v15;
	v15 =	vld.idx.msk [tilespmem:v23+s22+$0x0], $0xffff;
	[tilespmem:s28+$0x17500] =	vst v10  }
0x16a: {  	v21 =	vadd.s32 $0x2080, v1;
	v8 =	vadd.s32 $0x4080, v16;
	v12 =	vadd.s32 $0x2080, v16;
	v20 =	vld.idx.msk [tilespmem:v6+s22+$0x0], $0xffff  }
0x16b: {  	s8 =	simm.s32 $0x4;
	s9 =	simm.s32 $0x80;
	v11 =	vadd.s32 $0x6080, v16;
	v10 =	vadd.s32 $0x4000, v16;
	v6 =	vadd.s32 $0x6000, v16;
	v16 =	vld.idx.msk [tilespmem:v25+s22+$0x0], $0xffff;
	[tilespmem:s15+$0x17680] =	vst v24  }
.LBB2_6:
0x16c: {  	v23 =	vld [tilespmem:s9+$0x0];
	[tilespmem:s2+$0x10D80] =	vst v17  }
0x16d: {  	[tilespmem:s7+$0x10D80] =	vst v18;
	v17 =	vld.idx.msk [tilespmem:v22+s22+$0x0], $0xffff;
	v18 =	vadd.s32 $0x6080, v0;
	v0 =	vmov v1  }
0x16e: {  	v13 =	vld.idx.msk [tilespmem:v13+s22+$0x0], $0xffff;
	[tilespmem:s5+$0x10D80] =	vst v19  }
0x16f: {  	s26 =	sadd.s32 $0x40, s26;
	v19 =	vadd.s32 $0x4000, v2;
	[tilespmem:s28+$0x10D80] =	vst v20;
	v12 =	vld.idx.msk [tilespmem:v12+s22+$0x0], $0xffff  }
0x170: {  	s10 =	sand.u32 $0x40, s26;
	v20 =	vld.idx.msk [tilespmem:v21+s22+$0x0], $0xffff;
	[tilespmem:s31+$0x10E80] =	vst v14  }
0x171: {  	s8 =	sadd.s32 $0x4, s8;
	s6 =	sand.u32 $0xF80, s26;
	s13 =	sor.u32 $0x30, s10;
	[tilespmem:s0+$0x10E80] =	vst v15;
	v14 =	vld.idx.msk [tilespmem:v3+s22+$0x0], $0xffff;
	v1 =	vmov v23;
	v3 =	vmov v11  }
0x172: {  	p0 =	slt.u32 s8, $0xCC;
	s15 =	sor.u32 $0x10, s10;
	s11 =	sor.u32 s13, s6;
	v11 =	vld.idx.msk [tilespmem:v18+s22+$0x0], $0xffff;
	[tilespmem:s1+$0x17680] =	vst v16  }
0x173: {  	s16 =	sor.u32 $0x20, s10;
	s12 =	sor.u32 s15, s6;
	s1 =	smov.u32 s7;
	v15 =	vld [tilespmem:s11+$0x0];
	[tilespmem:s2+$0x17580] =	vst v17  }
0x174: {  	s6 =	sor.u32 s16, s6;
	v16 =	vadd.s32 $0x4000, v0;
	[tilespmem:s1+$0x17580] =	vst v13;
	v17 =	vld.idx.msk [tilespmem:v19+s22+$0x0], $0xffff  }
0x175: {  	v18 =	vld [tilespmem:s12+$0x0];
	[tilespmem:s5+$0x17580] =	vst v12  }
0x176: {  	v19 =	vld [tilespmem:s6+$0x0];
	[tilespmem:s28+$0x17580] =	vst v20;
	v20 =	vadd.s32 $0x4080, v2  }
0x177: {  	v21 =	vld.idx.msk [tilespmem:v9+s22+$0x0], $0xffff;
	[tilespmem:s31+$0x17680] =	vst v14;
	s31 =	smov.u32 s5  }
0x178: {  	v14 =	vld.idx.msk [tilespmem:v10+s22+$0x0], $0xffff;
	[tilespmem:s0+$0x17680] =	vst v11;
	s0 =	smov.u32 s28  }
0x179: {  	v22 =	vadd.s32 $0x4080, v0;
	v16 =	vld.idx.msk [tilespmem:v16+s22+$0x0], $0xffff  }
0x17a: {  	v23 =	vld.idx.msk [tilespmem:v23+s22+$0x0], $0xffff;
	v24 =	vadd.s32 $0x80, v18;
	v25 =	vadd.s32 $0x2000, v18;
	v13 =	vadd.s32 $0x2080, v18;
	[tilespmem:s2+$0x10E00] =	vst v17  }
0x17b: {  	v17 =	vadd.s32 $0x80, v19;
	v26 =	vadd.s32 $0x2000, v19;
	v12 =	vadd.s32 $0x2080, v19;
	v20 =	vld.idx.msk [tilespmem:v20+s22+$0x0], $0xffff  }
0x17c: {  	v9 =	vadd.s32 $0x4000, v18;
	v27 =	vadd.s32 $0x4080, v18;
	v10 =	vadd.s32 $0x4000, v19;
	v28 =	vld.idx.msk [tilespmem:v15+s22+$0x0], $0xffff  }
0x17d: {  	v30 =	vadd.s32 $0x6000, v18;
	v31 =	vadd.s32 $0x4080, v19;
	v29 =	vld.idx.msk [tilespmem:v18+s22+$0x0], $0xffff;
	[tilespmem:s1+$0x10E00] =	vst v21;
	v21 =	vadd.s32 $0x6000, v2  }
0x17e: {  	v34 =	vadd.s32 $0x80, v15;
	v32 =	vadd.s32 $0x6080, v18;
	v33 =	vadd.s32 $0x6000, v19;
	v18 =	vld.idx.msk [tilespmem:v19+s22+$0x0], $0xffff;
	[tilespmem:s31+$0x10E00] =	vst v14  }
0x17f: {  	s4 =	sadd.s32 $0x200, s4;
	v11 =	vadd.s32 $0x6080, v19;
	[tilespmem:s0+$0x10E00] =	vst v16;
	v14 =	vld.idx.msk [tilespmem:v7+s22+$0x0], $0xffff;
	v7 =	vmov v27  }
0x180: {  	s6 =	sand.u32 $0x7C00, s4;
	v16 =	vld.idx.msk [tilespmem:v8+s22+$0x0], $0xffff;
	v8 =	vmov v31  }
0x181: {  	s7 =	sor.u32 s6, s15;
	s5 =	sor.u32 s6, s16;
	s11 =	sor.u32 s6, s13;
	v19 =	vadd.s32 $0x80, v1;
	v27 =	vld.idx.msk [tilespmem:v22+s22+$0x0], $0xffff;
	[tilespmem:s2+$0x17600] =	vst v20  }
0x182: {  	s28 =	sor.u32 s10, s6;
	[tilespmem:s11+$0x10D00] =	vst v28;
	v20 =	vld.idx.msk [tilespmem:v21+s22+$0x0], $0xffff  }
0x183: {  	[tilespmem:s7+$0x10D00] =	vst v29;
	v21 =	vld.idx.msk [tilespmem:v34+s22+$0x0], $0xffff  }
0x184: {  	v22 =	vld.idx.msk [tilespmem:v24+s22+$0x0], $0xffff;
	[tilespmem:s5+$0x10D00] =	vst v18;
	v18 =	vadd.s32 $0x6080, v2;
	v2 =	vmov v15  }
0x185: {  	[tilespmem:s28+$0x10D00] =	vst v23;
	v15 =	vld.idx.msk [tilespmem:v17+s22+$0x0], $0xffff;
	v17 =	vadd.s32 $0x2000, v2  }
0x186: {  	v19 =	vld.idx.msk [tilespmem:v19+s22+$0x0], $0xffff;
	[tilespmem:s1+$0x17600] =	vst v14  }
0x187: {  	v23 =	vld.idx.msk [tilespmem:v5+s22+$0x0], $0xffff;
	[tilespmem:s31+$0x17600] =	vst v16;
	v5 =	vmov v30  }
0x188: {  	v16 =	vadd.s32 $0x2000, v1;
	v14 =	vld.idx.msk [tilespmem:v6+s22+$0x0], $0xffff;
	[tilespmem:s2+$0x10E80] =	vst v20;
	v6 =	vmov v33  }
0x189: {  	[tilespmem:s11+$0x17500] =	vst v21;
	v21 =	vadd.s32 $0x6000, v0;
	v24 =	vld.idx.msk [tilespmem:v18+s22+$0x0], $0xffff  }
0x18a: {  	[tilespmem:s7+$0x17500] =	vst v22;
	v17 =	vld.idx.msk [tilespmem:v17+s22+$0x0], $0xffff  }
.Ltmp2:
0x18b: {  	v18 =	vld.idx.msk [tilespmem:v25+s22+$0x0], $0xffff;
	[tilespmem:s5+$0x17500] =	vst v15;
	(pc) =	sbr.rel @p0 .LBB2_6-.Ltmp2, $4  }
0x18c: {  	v22 =	vadd.s32 $0x2080, v2;
	[tilespmem:s28+$0x17500] =	vst v19;
	v19 =	vld.idx.msk [tilespmem:v26+s22+$0x0], $0xffff  }
0x18d: {  	v20 =	vld.idx.msk [tilespmem:v16+s22+$0x0], $0xffff;
	[tilespmem:s0+$0x17600] =	vst v27  }
0x18e: {  	v15 =	vld.idx.msk [tilespmem:v21+s22+$0x0], $0xffff;
	[tilespmem:s1+$0x10E80] =	vst v23  }
0x18f: {  	s9 =	sadd.s32 $0x40, s9;
	v21 =	vadd.s32 $0x2080, v1;
	v16 =	vld.idx.msk [tilespmem:v4+s22+$0x0], $0xffff;
	[tilespmem:s2+$0x17680] =	vst v24;
	v4 =	vmov v32;
	s2 =	smov.u32 s11  }
0x190: {  	_ =	sdelay $0x2  }
0x191: {  	[tilespmem:s2+$0x10D80] =	vst v17  }
0x192: {  	[tilespmem:s7+$0x10D80] =	vst v18;
	v17 =	vld.idx.msk [tilespmem:v22+s22+$0x0], $0xffff  }
0x193: {  	v59 =	vadd.s32 $0x4000, v2;
	v13 =	vld.idx.msk [tilespmem:v13+s22+$0x0], $0xffff;
	[tilespmem:s5+$0x10D80] =	vst v19  }
0x194: {  	[tilespmem:s28+$0x10D80] =	vst v20;
	v12 =	vld.idx.msk [tilespmem:v12+s22+$0x0], $0xffff  }
0x195: {  	v60 =	vld.idx.msk [tilespmem:v21+s22+$0x0], $0xffff  }
0x196: {  	v61 =	vadd.s32 $0x4000, v1  }
0x197: {  	[tilespmem:s2+$0x17580] =	vst v17  }
0x198: {  	[tilespmem:s7+$0x17580] =	vst v13;
	v13 =	vld.idx.msk [tilespmem:v59+s22+$0x0], $0xffff  }
0x199: {  	[tilespmem:s5+$0x17580] =	vst v12;
	v12 =	vadd.s32 $0x4080, v2;
	v9 =	vld.idx.msk [tilespmem:v9+s22+$0x0], $0xffff  }
0x19a: {  	[tilespmem:s28+$0x17580] =	vst v60;
	v10 =	vld.idx.msk [tilespmem:v10+s22+$0x0], $0xffff  }
0x19b: {  	v17 =	vld.idx.msk [tilespmem:v61+s22+$0x0], $0xffff  }
0x19c: {  	v62 =	vadd.s32 $0x4080, v1  }
0x19d: {  	[tilespmem:s2+$0x10E00] =	vst v13  }
0x19e: {  	[tilespmem:s7+$0x10E00] =	vst v9;
	v12 =	vld.idx.msk [tilespmem:v12+s22+$0x0], $0xffff  }
0x19f: {  	v9 =	vadd.s32 $0x6000, v2;
	[tilespmem:s5+$0x10E00] =	vst v10;
	v7 =	vld.idx.msk [tilespmem:v7+s22+$0x0], $0xffff  }
0x1a0: {  	[tilespmem:s28+$0x10E00] =	vst v17;
	v8 =	vld.idx.msk [tilespmem:v8+s22+$0x0], $0xffff  }
0x1a1: {  	v10 =	vld.idx.msk [tilespmem:v62+s22+$0x0], $0xffff  }
0x1a2: {  	[tilespmem:s31+$0x10E80] =	vst v14;
	v13 =	vadd.s32 $0x6000, v1  }
0x1a3: {  	[tilespmem:s2+$0x17600] =	vst v12  }
0x1a4: {  	v0 =	vadd.s32 $0x6080, v0;
	[tilespmem:s7+$0x17600] =	vst v7;
	v9 =	vld.idx.msk [tilespmem:v9+s22+$0x0], $0xffff  }
0x1a5: {  	v2 =	vadd.s32 $0x6080, v2;
	v5 =	vld.idx.msk [tilespmem:v5+s22+$0x0], $0xffff;
	[tilespmem:s5+$0x17600] =	vst v8  }
0x1a6: {  	v6 =	vld.idx.msk [tilespmem:v6+s22+$0x0], $0xffff;
	[tilespmem:s28+$0x17600] =	vst v10  }
0x1a7: {  	[tilespmem:s0+$0x10E80] =	vst v15;
	v7 =	vld.idx.msk [tilespmem:v13+s22+$0x0], $0xffff  }
0x1a8: {  	v3 =	vld.idx.msk [tilespmem:v3+s22+$0x0], $0xffff;
	[tilespmem:s1+$0x17680] =	vst v16;
	v1 =	vadd.s32 $0x6080, v1  }
0x1a9: {  	v0 =	vld.idx.msk [tilespmem:v0+s22+$0x0], $0xffff;
	[tilespmem:s2+$0x10E80] =	vst v9  }
0x1aa: {  	[tilespmem:s7+$0x10E80] =	vst v5;
	v2 =	vld.idx.msk [tilespmem:v2+s22+$0x0], $0xffff  }
0x1ab: {  	v4 =	vld.idx.msk [tilespmem:v4+s22+$0x0], $0xffff;
	[tilespmem:s5+$0x10E80] =	vst v6  }
0x1ac: {  	[tilespmem:s28+$0x10E80] =	vst v7;
	v5 =	vld.idx.msk [tilespmem:v11+s22+$0x0], $0xffff  }
0x1ad: {  	[tilespmem:s31+$0x17680] =	vst v3;
	v1 =	vld.idx.msk [tilespmem:v1+s22+$0x0], $0xffff  }
0x1ae: {  	[tilespmem:s0+$0x17680] =	vst v0  }
0x1af: {  	[tilespmem:s2+$0x17680] =	vst v2  }
0x1b0: {  	[tilespmem:s7+$0x17680] =	vst v4  }
0x1b1: {  	[tilespmem:s5+$0x17680] =	vst v5  }
0x1b2: {  	[tilespmem:s28+$0x17680] =	vst v1  }
0x1b3: {  	s16 =	simm.s32 $0x0;
	s24 =	simm.s32 $0x2;
	s1 =	rddreg [dreg:$0xa]  }
0x1b4: {  	[tilespmem:s22], [sflag:$0x1] =	stream.linear.gather [hbm4b:s1+s16], $0x8000, $0x38;
	[tilespmem:$0x1DD00] =	vst v63  }
0x1b5: {  	_ =	swait.ge [sflag:s24], $0x4000  }
0x1b6: {  	[sflag:s24] =	ssyncset.done $0x0  }
0x1b7: {  	s17 =	sand.u32 $0xFC0, s16;
	[sflag:s24] =	ssyncadd.s32 $0xFFFFC000  }
0x1b8: {  	v2 =	vld [tilespmem:s17+$0x30]  }
0x1b9: {  	v3 =	vld [tilespmem:s17+$0x10]  }
0x1ba: {  	v4 =	vld [tilespmem:s17+$0x20]  }
0x1bb: {  	v6 =	vld [tilespmem:s16+$0x0];
	_ =	sdelay $0x3  }
0x1bc: {  	p0 =	por $0x0, $0x0;
	s0 =	simm.s32 $0x1  }
0x1bd: {  	s0 =	simm.s32 @!p0 $0x0;
	v0 =	vld.idx.msk [tilespmem:v2+s23+$0x0], $0xffff  }
0x1be: {  	s0 =	sshll.u32 s0, $0x6;
	v1 =	vadd.s32 $0x80, v2;
	v5 =	vld.idx.msk [tilespmem:v3+s23+$0x0], $0xffff  }
0x1bf: {  	s20 =	sadd.s32 $0x0, s0;
	s0 =	simm.s32 $0x40;
	v7 =	vadd.s32 $0x80, v3;
	v8 =	vld.idx.msk [tilespmem:v4+s23+$0x0], $0xffff  }
0x1c0: {  	s26 =	sadd.s32 $0x30, s20;
	s10 =	sand.u32 $0xFC0, s0;
	v10 =	vadd.s32 $0x80, v4;
	v9 =	vld.idx.msk [tilespmem:v6+s23+$0x0], $0xffff  }
0x1c1: {  	s4 =	sor.u32 $0x200, s26;
	s28 =	sadd.s32 $0x10, s20;
	v14 =	vld [tilespmem:s10+$0x10];
	v11 =	vadd.s32 $0x80, v6  }
0x1c2: {  	s6 =	sadd.s32 $0x20, s20;
	s29 =	sor.u32 $0x200, s28;
	v15 =	vld [tilespmem:s10+$0x20];
	[tilespmem:s4+$0x10D00] =	vst v0  }
0x1c3: {  	s8 =	sor.u32 $0x200, s6;
	[tilespmem:s29+$0x10D00] =	vst v5;
	v12 =	vld.idx.msk [tilespmem:v1+s23+$0x0], $0xffff  }
0x1c4: {  	s9 =	sor.u32 $0x200, s20;
	[tilespmem:s8+$0x10D00] =	vst v8;
	v5 =	vld.idx.msk [tilespmem:v7+s23+$0x0], $0xffff  }
0x1c5: {  	[tilespmem:s9+$0x10D00] =	vst v9;
	v7 =	vadd.s32 $0x2000, v2;
	v8 =	vld.idx.msk [tilespmem:v10+s23+$0x0], $0xffff  }
0x1c6: {  	v9 =	vadd.s32 $0x2000, v3;
	v10 =	vld.idx.msk [tilespmem:v11+s23+$0x0], $0xffff  }
0x1c7: {  	v11 =	vadd.s32 $0x2000, v4;
	v1 =	vld [tilespmem:s10+$0x30]  }
0x1c8: {  	v13 =	vadd.s32 $0x2000, v6;
	v0 =	vld [tilespmem:s0+$0x0]  }
0x1c9: {  	[tilespmem:s4+$0x17500] =	vst v12;
	v12 =	vld.idx.msk [tilespmem:v14+s23+$0x0], $0xffff  }
0x1ca: {  	[tilespmem:s29+$0x17500] =	vst v5;
	v7 =	vld.idx.msk [tilespmem:v7+s23+$0x0], $0xffff  }
0x1cb: {  	v2 =	vadd.s32 $0x2080, v2;
	[tilespmem:s8+$0x17500] =	vst v8;
	v9 =	vld.idx.msk [tilespmem:v9+s23+$0x0], $0xffff  }
0x1cc: {  	[tilespmem:s9+$0x17500] =	vst v10;
	v8 =	vld.idx.msk [tilespmem:v11+s23+$0x0], $0xffff  }
0x1cd: {  	v3 =	vadd.s32 $0x2080, v3;
	v11 =	vld.idx.msk [tilespmem:v13+s23+$0x0], $0xffff  }
0x1ce: {  	p0 =	por !p0, !p0;
	s11 =	sor.u32 $0x280, s26;
	s7 =	simm.s32 $0x1;
	v4 =	vadd.s32 $0x2080, v4;
	v13 =	vld.idx.msk [tilespmem:v15+s23+$0x0], $0xffff  }
0x1cf: {  	s7 =	simm.s32 @!p0 $0x0;
	v6 =	vadd.s32 $0x2080, v6;
	v16 =	vld.idx.msk [tilespmem:v1+s23+$0x0], $0xffff;
	[tilespmem:s11+$0x10D00] =	vst v7  }
0x1d0: {  	s2 =	sor.u32 $0x280, s20;
	s30 =	sshll.u32 s7, $0x6;
	s4 =	sor.u32 $0x280, s28;
	v63 =	vadd.s32 $0x80, v1;
	v17 =	vld.idx.msk [tilespmem:v2+s23+$0x0], $0xffff  }
0x1d1: {  	s5 =	simm.s32 $0x4;
	s1 =	sor.u32 $0x280, s6;
	s6 =	sadd.s32 $0x200, s30;
	v5 =	vld.idx.msk [tilespmem:v0+s23+$0x0], $0xffff;
	[tilespmem:s4+$0x10D00] =	vst v9  }
0x1d2: {  	s7 =	simm.s32 $0x200;
	s31 =	sadd.s32 $0x10, s6;
	s8 =	sadd.s32 $0x30, s6;
	[tilespmem:s1+$0x10D00] =	vst v8;
	v7 =	vadd.s32 $0x80, v14;
	v10 =	vld.idx.msk [tilespmem:v3+s23+$0x0], $0xffff  }
0x1d3: {  	s12 =	sadd.s32 $0x20, s6;
	s15 =	sor.u32 $0x200, s6;
	s26 =	sor.u32 $0x200, s8;
	[tilespmem:s2+$0x10D00] =	vst v11;
	v9 =	vadd.s32 $0x80, v15;
	v8 =	vld.idx.msk [tilespmem:v4+s23+$0x0], $0xffff  }
0x1d4: {  	s13 =	sor.u32 $0x200, s12;
	s20 =	sor.u32 $0x280, s12;
	s17 =	sor.u32 $0x280, s31;
	v11 =	vld.idx.msk [tilespmem:v6+s23+$0x0], $0xffff;
	v6 =	vadd.s32 $0x2000, v15;
	v3 =	vadd.s32 $0x2080, v15;
	v15 =	vadd.s32 $0x80, v0;
	[tilespmem:s26+$0x10D00] =	vst v16  }
0x1d5: {  	s16 =	sor.u32 $0x280, s6;
	s10 =	sor.u32 $0x200, s31;
	s9 =	simm.s32 $0x80;
	v4 =	vadd.s32 $0x2000, v14;
	v2 =	vadd.s32 $0x2080, v14;
	v14 =	vld.idx.msk [tilespmem:v63+s23+$0x0], $0xffff;
	[tilespmem:s11+$0x17500] =	vst v17  }
.LBB2_8:
0x1d6: {  	v16 =	vld [tilespmem:s9+$0x0];
	[tilespmem:s10+$0x10D00] =	vst v12  }
0x1d7: {  	v12 =	vadd.s32 $0x2000, v1;
	v7 =	vld.idx.msk [tilespmem:v7+s23+$0x0], $0xffff;
	[tilespmem:s13+$0x10D00] =	vst v13  }
0x1d8: {  	s0 =	sadd.s32 $0x40, s0;
	[tilespmem:s15+$0x10D00] =	vst v5;
	v5 =	vld.idx.msk [tilespmem:v9+s23+$0x0], $0xffff  }
0x1d9: {  	s5 =	sadd.s32 $0x4, s5;
	s6 =	sand.u32 $0xFC0, s0;
	v9 =	vld.idx.msk [tilespmem:v15+s23+$0x0], $0xffff;
	[tilespmem:s4+$0x17500] =	vst v10;
	s4 =	smov.u32 s17  }
0x1da: {  	p1 =	slt.u32 s5, $0xCC;
	v10 =	vld [tilespmem:s6+$0x30];
	[tilespmem:s1+$0x17500] =	vst v8;
	s1 =	smov.u32 s20  }
0x1db: {  	v13 =	vadd.s32 $0x2000, v0;
	v8 =	vld [tilespmem:s6+$0x10];
	[tilespmem:s26+$0x17500] =	vst v14  }
0x1dc: {  	v12 =	vld.idx.msk [tilespmem:v12+s23+$0x0], $0xffff;
	[tilespmem:s2+$0x17500] =	vst v11;
	s2 =	smov.u32 s16  }
0x1dd: {  	v11 =	vld [tilespmem:s6+$0x20];
	[tilespmem:s10+$0x17500] =	vst v7  }
0x1de: {  	v15 =	vadd.s32 $0x2080, v1;
	v14 =	vld.idx.msk [tilespmem:v4+s23+$0x0], $0xffff;
	[tilespmem:s13+$0x17500] =	vst v5  }
0x1df: {  	[tilespmem:s15+$0x17500] =	vst v9;
	v17 =	vld.idx.msk [tilespmem:v6+s23+$0x0], $0xffff;
	v1 =	vmov v10  }
0x1e0: {  	v7 =	vadd.s32 $0x80, v8;
	v4 =	vadd.s32 $0x2000, v8;
	v18 =	vadd.s32 $0x2080, v8;
	v19 =	vld.idx.msk [tilespmem:v13+s23+$0x0], $0xffff  }
0x1e1: {  	s6 =	sor.u32 $0x280, s8;
	v5 =	vld.idx.msk [tilespmem:v16+s23+$0x0], $0xffff  }
0x1e2: {  	p0 =	por !p0, !p0;
	s8 =	simm.s32 $0x1;
	v9 =	vadd.s32 $0x80, v11;
	v6 =	vadd.s32 $0x2000, v11;
	v20 =	vadd.s32 $0x2080, v11;
	v21 =	vld.idx.msk [tilespmem:v10+s23+$0x0], $0xffff;
	[tilespmem:s6+$0x10D00] =	vst v12  }
0x1e3: {  	v22 =	vadd.s32 $0x2080, v0;
	v0 =	vmov v16;
	s8 =	simm.s32 @!p0 $0x0;
	v23 =	vld.idx.msk [tilespmem:v15+s23+$0x0], $0xffff  }
0x1e4: {  	s7 =	sadd.s32 $0x200, s7;
	s8 =	sshll.u32 s8, $0x6;
	v16 =	vadd.s32 $0x80, v1;
	v12 =	vld.idx.msk [tilespmem:v8+s23+$0x0], $0xffff;
	[tilespmem:s4+$0x10D00] =	vst v14  }
.Ltmp3:
0x1e5: {  	s11 =	sadd.s32 s8, s7;
	v13 =	vld.idx.msk [tilespmem:v11+s23+$0x0], $0xffff;
	[tilespmem:s1+$0x10D00] =	vst v17;
	(pc) =	sbr.rel @p1 .LBB2_8-.Ltmp3, $4  }
0x1e6: {  	s12 =	sadd.s32 $0x10, s11;
	s14 =	sadd.s32 $0x20, s11;
	s8 =	sadd.s32 $0x30, s11;
	[tilespmem:s2+$0x10D00] =	vst v19;
	v10 =	vld.idx.msk [tilespmem:v2+s23+$0x0], $0xffff;
	v2 =	vmov v18  }
0x1e7: {  	s10 =	sor.u32 $0x200, s12;
	s13 =	sor.u32 $0x200, s14;
	s26 =	sor.u32 $0x200, s8;
	v8 =	vld.idx.msk [tilespmem:v3+s23+$0x0], $0xffff;
	v3 =	vmov v20  }
0x1e8: {  	s15 =	sor.u32 $0x200, s11;
	s17 =	sor.u32 $0x280, s12;
	s20 =	sor.u32 $0x280, s14;
	v15 =	vadd.s32 $0x80, v0;
	[tilespmem:s26+$0x10D00] =	vst v21;
	v11 =	vld.idx.msk [tilespmem:v22+s23+$0x0], $0xffff  }
0x1e9: {  	s9 =	sadd.s32 $0x40, s9;
	s16 =	sor.u32 $0x280, s11;
	v14 =	vld.idx.msk [tilespmem:v16+s23+$0x0], $0xffff;
	[tilespmem:s6+$0x17500] =	vst v23  }
0x1ea: {  	_ =	sdelay $0x2  }
0x1eb: {  	[tilespmem:s10+$0x10D00] =	vst v12  }
0x1ec: {  	[tilespmem:s13+$0x10D00] =	vst v13;
	v57 =	vadd.s32 $0x2000, v1;
	v7 =	vld.idx.msk [tilespmem:v7+s23+$0x0], $0xffff  }
0x1ed: {  	[tilespmem:s15+$0x10D00] =	vst v5;
	v58 =	vld.idx.msk [tilespmem:v9+s23+$0x0], $0xffff  }
0x1ee: {  	v59 =	vld.idx.msk [tilespmem:v15+s23+$0x0], $0xffff  }
0x1ef: {  	v60 =	vadd.s32 $0x2000, v0  }
0x1f0: {  	[tilespmem:s26+$0x17500] =	vst v14  }
0x1f1: {  	v12 =	vld.idx.msk [tilespmem:v57+s23+$0x0], $0xffff;
	[tilespmem:s10+$0x17500] =	vst v7  }
0x1f2: {  	v61 =	vadd.s32 $0x2080, v1;
	[tilespmem:s13+$0x17500] =	vst v58;
	v4 =	vld.idx.msk [tilespmem:v4+s23+$0x0], $0xffff  }
0x1f3: {  	[tilespmem:s15+$0x17500] =	vst v59;
	v5 =	vld.idx.msk [tilespmem:v6+s23+$0x0], $0xffff  }
0x1f4: {  	v62 =	vld.idx.msk [tilespmem:v60+s23+$0x0], $0xffff  }
0x1f5: {  	s0 =	sor.u32 $0x280, s8;
	v63 =	vadd.s32 $0x2080, v0;
	[tilespmem:s4+$0x17500] =	vst v10  }
0x1f6: {  	[tilespmem:s0+$0x10D00] =	vst v12  }
0x1f7: {  	v1 =	vld.idx.msk [tilespmem:v61+s23+$0x0], $0xffff;
	[tilespmem:s17+$0x10D00] =	vst v4  }
0x1f8: {  	[tilespmem:s20+$0x10D00] =	vst v5;
	v2 =	vld.idx.msk [tilespmem:v2+s23+$0x0], $0xffff  }
0x1f9: {  	[tilespmem:s16+$0x10D00] =	vst v62;
	v3 =	vld.idx.msk [tilespmem:v3+s23+$0x0], $0xffff  }
0x1fa: {  	[tilespmem:s1+$0x17500] =	vst v8;
	v0 =	vld.idx.msk [tilespmem:v63+s23+$0x0], $0xffff  }
0x1fb: {  	[tilespmem:s2+$0x17500] =	vst v11  }
0x1fc: {  	[tilespmem:s0+$0x17500] =	vst v1  }
0x1fd: {  	[tilespmem:s17+$0x17500] =	vst v2  }
0x1fe: {  	s4 =	sadd.s32 $0x0, s18;
	[tilespmem:s20+$0x17500] =	vst v3  }
0x1ff: {  	s1 =	simm.s32 $0x80;
	s2 =	simm.s32 $0x11100;
	s0 =	simm.s32 $0x10D00;
	[tilespmem:s16+$0x17500] =	vst v0  }
.LBB2_10:
0x200: {  	[hbm4b:s4+s3] =	stream.linear.scatter [tilespmem:s0], [sflag:$0x3], $0x300, $0x38;
	[tilespmem:$0x1DD00] =	vst v63  }
0x201: {  	s4 =	smov.u32 s1;
	s0 =	smov.u32 s2;
	p0 =	sne.s32 s1, $0xC80  }
.Ltmp4:
0x202: {  	s1 =	sadd.s32 $0x80, s1;
	(pc) =	sbr.rel @p0 .LBB2_10-.Ltmp4, $2  }
0x203: {  	_ =	sdelay $0x2  }
0x204: {  	s2 =	sadd.s32 $0x400, s2;
	s4 =	sadd.s32 s4, s18  }
0x205: {  	[hbm4b:s4+s3] =	stream.linear.scatter [tilespmem:s0], [sflag:$0x3], $0x300, $0x38;
	[tilespmem:$0x1DD00] =	vst v63  }
0x206: {  	s0 =	simm.s32 $0x17500;
	s5 =	rddreg [dreg:$0xc]  }
0x207: {  	s1 =	simm.s32 $0x80;
	s2 =	simm.s32 $0x17900;
	s4 =	sadd.s32 $0x0, s5  }
.LBB2_12:
0x208: {  	[hbm4b:s4+s3] =	stream.linear.scatter [tilespmem:s0], [sflag:$0x3], $0x300, $0x38;
	[tilespmem:$0x1DD00] =	vst v63  }
0x209: {  	s4 =	smov.u32 s1;
	s0 =	smov.u32 s2;
	p0 =	sne.s32 s1, $0xC80  }
.Ltmp5:
0x20a: {  	s1 =	sadd.s32 $0x80, s1;
	(pc) =	sbr.rel @p0 .LBB2_12-.Ltmp5, $2  }
0x20b: {  	_ =	sdelay $0x2  }
0x20c: {  	s2 =	sadd.s32 $0x400, s2;
	s4 =	sadd.s32 s4, s5  }
0x20d: {  	[hbm4b:s4+s3] =	stream.linear.scatter [tilespmem:s0], [sflag:$0x3], $0x300, $0x38;
	[tilespmem:$0x1DD00] =	vst v63  }
0x20e: {  	s14 =	simm.s32 $0x0;
	s1 =	rddreg [dreg:$0xd]  }
0x20f: {  	[tilespmem:s23], [sflag:$0x2] =	stream.linear.gather [hbm4b:s1+s14], $0x8000, $0x38;
	[tilespmem:$0x1DD00] =	vst v63  }
0x210: {  	_ =	swait.ge [sflag:s21], $0x8000  }
0x211: {  	[sflag:s21] =	ssyncset.done $0x0  }
0x212: {  	[sflag:s21] =	ssyncadd.s32 $0xFFFF8000  }
0x213: {  	_ =	swait.ge [sflag:s25], $0x4E00  }
0x214: {  	[sflag:s25] =	ssyncset.done $0x0  }
0x215: {  	[sflag:s25] =	ssyncadd.s32 $0xFFFFB200  }
0x216: {  	s2 =	sand.u32 $0x40, s14;
	_ =	swait.ge [sflag:s25], $0x4E00  }
0x217: {  	s15 =	sand.u32 $0xF80, s14;
	s16 =	sor.u32 $0x30, s2;
	[sflag:s25] =	ssyncset.done $0x0  }
0x218: {  	s6 =	sor.u32 $0x10, s2;
	s5 =	sor.u32 s16, s15;
	[sflag:s25] =	ssyncadd.s32 $0xFFFFB200  }
0x219: {  	s7 =	sor.u32 $0x20, s2;
	s17 =	sor.u32 s6, s15;
	v3 =	vld [tilespmem:s5+$0x0]  }
0x21a: {  	s1 =	sor.u32 s7, s15;
	v4 =	vld [tilespmem:s17+$0x0]  }
0x21b: {  	v5 =	vld [tilespmem:s1+$0x0];
	_ =	sdelay $0x1  }
0x21c: {  	v0 =	vld [tilespmem:s14+$0x0];
	_ =	sdelay $0x3  }
0x21d: {  	v1 =	vld.idx.msk [tilespmem:v3+s22+$0x0], $0xffff  }
0x21e: {  	v2 =	vadd.s32 $0x80, v3;
	v6 =	vld.idx.msk [tilespmem:v4+s22+$0x0], $0xffff  }
0x21f: {  	v7 =	vadd.s32 $0x80, v4;
	v8 =	vld.idx.msk [tilespmem:v5+s22+$0x0], $0xffff  }
0x220: {  	s0 =	sand.u32 $0x7C00, s14;
	v10 =	vadd.s32 $0x80, v5  }
0x221: {  	s10 =	sor.u32 s0, s16;
	v9 =	vld.idx.msk [tilespmem:v0+s22+$0x0], $0xffff  }
0x222: {  	s1 =	sor.u32 s0, s6;
	[tilespmem:s10+$0x10D00] =	vst v1  }
0x223: {  	s31 =	sor.u32 s0, s7;
	v11 =	vadd.s32 $0x80, v0;
	[tilespmem:s1+$0x10D00] =	vst v6;
	v1 =	vld.idx.msk [tilespmem:v2+s22+$0x0], $0xffff  }
0x224: {  	[tilespmem:s31+$0x10D00] =	vst v8;
	v2 =	vadd.s32 $0x2000, v3;
	v6 =	vld.idx.msk [tilespmem:v7+s22+$0x0], $0xffff  }
0x225: {  	s0 =	sor.u32 s2, s0;
	v7 =	vadd.s32 $0x2000, v4;
	v8 =	vld.idx.msk [tilespmem:v10+s22+$0x0], $0xffff  }
0x226: {  	[tilespmem:s0+$0x10D00] =	vst v9;
	v9 =	vadd.s32 $0x2000, v5;
	_ =	sdelay $0x1  }
0x227: {  	v10 =	vld.idx.msk [tilespmem:v11+s22+$0x0], $0xffff;
	[tilespmem:s10+$0x17500] =	vst v1  }
0x228: {  	s26 =	simm.s32 $0x40;
	v11 =	vadd.s32 $0x2000, v0;
	[tilespmem:s1+$0x17500] =	vst v6;
	v1 =	vld.idx.msk [tilespmem:v2+s22+$0x0], $0xffff  }
0x229: {  	s18 =	sand.u32 $0x40, s26;
	[tilespmem:s31+$0x17500] =	vst v8;
	v2 =	vadd.s32 $0x2080, v3;
	v6 =	vld.idx.msk [tilespmem:v7+s22+$0x0], $0xffff  }
0x22a: {  	s20 =	sand.u32 $0xF80, s26;
	s29 =	sor.u32 $0x10, s18;
	v7 =	vadd.s32 $0x2080, v4;
	v8 =	vld.idx.msk [tilespmem:v9+s22+$0x0], $0xffff  }
0x22b: {  	s30 =	sor.u32 s29, s20;
	v9 =	vadd.s32 $0x2080, v5  }
0x22c: {  	v15 =	vld [tilespmem:s30+$0x0];
	[tilespmem:s0+$0x17500] =	vst v10  }
0x22d: {  	v10 =	vld.idx.msk [tilespmem:v11+s22+$0x0], $0xffff;
	[tilespmem:s10+$0x10D80] =	vst v1  }
0x22e: {  	v11 =	vadd.s32 $0x2080, v0;
	[tilespmem:s1+$0x10D80] =	vst v6;
	v12 =	vld.idx.msk [tilespmem:v2+s22+$0x0], $0xffff  }
0x22f: {  	s21 =	sor.u32 $0x30, s18;
	[tilespmem:s31+$0x10D80] =	vst v8;
	v7 =	vld.idx.msk [tilespmem:v7+s22+$0x0], $0xffff  }
0x230: {  	s8 =	sor.u32 $0x20, s18;
	s25 =	sor.u32 s21, s20;
	v6 =	vadd.s32 $0x4000, v3;
	v8 =	vld.idx.msk [tilespmem:v9+s22+$0x0], $0xffff  }
0x231: {  	s2 =	sor.u32 s8, s20;
	v9 =	vadd.s32 $0x4000, v4;
	v2 =	vld [tilespmem:s25+$0x0]  }
0x232: {  	v16 =	vld [tilespmem:s2+$0x0];
	[tilespmem:s0+$0x10D80] =	vst v10  }
0x233: {  	v10 =	vld.idx.msk [tilespmem:v11+s22+$0x0], $0xffff;
	v11 =	vadd.s32 $0x4000, v5  }
0x234: {  	v1 =	vld [tilespmem:s26+$0x0];
	[tilespmem:s10+$0x17580] =	vst v12  }
0x235: {  	v12 =	vadd.s32 $0x4000, v0;
	[tilespmem:s1+$0x17580] =	vst v7;
	v6 =	vld.idx.msk [tilespmem:v6+s22+$0x0], $0xffff  }
0x236: {  	[tilespmem:s31+$0x17580] =	vst v8;
	v8 =	vld.idx.msk [tilespmem:v9+s22+$0x0], $0xffff  }
0x237: {  	v17 =	vld.idx.msk [tilespmem:v15+s22+$0x0], $0xffff;
	v7 =	vadd.s32 $0x4080, v3  }
0x238: {  	v9 =	vld.idx.msk [tilespmem:v11+s22+$0x0], $0xffff;
	v11 =	vadd.s32 $0x4080, v4  }
0x239: {  	s4 =	simm.s32 $0x200;
	[tilespmem:s0+$0x17580] =	vst v10;
	v14 =	vld.idx.msk [tilespmem:v2+s22+$0x0], $0xffff  }
0x23a: {  	s9 =	sand.u32 $0x7C00, s4;
	v19 =	vadd.s32 $0x80, v2;
	v10 =	vld.idx.msk [tilespmem:v12+s22+$0x0], $0xffff;
	[tilespmem:s10+$0x10E00] =	vst v6  }
0x23b: {  	s7 =	sor.u32 s9, s29;
	v6 =	vadd.s32 $0x4080, v5;
	[tilespmem:s1+$0x10E00] =	vst v8;
	v8 =	vld.idx.msk [tilespmem:v16+s22+$0x0], $0xffff  }
0x23c: {  	v13 =	vadd.s32 $0x4080, v0;
	[tilespmem:s7+$0x10D00] =	vst v17;
	v7 =	vld.idx.msk [tilespmem:v7+s22+$0x0], $0xffff  }
0x23d: {  	s2 =	sor.u32 s9, s21;
	[tilespmem:s31+$0x10E00] =	vst v9;
	v9 =	vld.idx.msk [tilespmem:v11+s22+$0x0], $0xffff;
	v11 =	vadd.s32 $0x80, v16  }
0x23e: {  	v18 =	vadd.s32 $0x6000, v3;
	v12 =	vld.idx.msk [tilespmem:v1+s22+$0x0], $0xffff;
	[tilespmem:s2+$0x10D00] =	vst v14  }
0x23f: {  	s5 =	sor.u32 s9, s8;
	v20 =	vadd.s32 $0x80, v15;
	v17 =	vld.idx.msk [tilespmem:v19+s22+$0x0], $0xffff;
	[tilespmem:s0+$0x10E00] =	vst v10  }
0x240: {  	v10 =	vadd.s32 $0x80, v1;
	v6 =	vld.idx.msk [tilespmem:v6+s22+$0x0], $0xffff;
	[tilespmem:s5+$0x10D00] =	vst v8  }
0x241: {  	v21 =	vld.idx.msk [tilespmem:v13+s22+$0x0], $0xffff;
	[tilespmem:s10+$0x17600] =	vst v7;
	v7 =	vadd.s32 $0x6000, v4  }
0x242: {  	s28 =	sor.u32 s18, s9;
	v14 =	vadd.s32 $0x6000, v5;
	v8 =	vld.idx.msk [tilespmem:v11+s22+$0x0], $0xffff  }
0x243: {  	[tilespmem:s28+$0x10D00] =	vst v12;
	v11 =	vadd.s32 $0x2000, v2;
	v13 =	vld.idx.msk [tilespmem:v18+s22+$0x0], $0xffff  }
0x244: {  	v3 =	vadd.s32 $0x6080, v3;
	[tilespmem:s1+$0x17600] =	vst v9;
	v18 =	vld.idx.msk [tilespmem:v20+s22+$0x0], $0xffff  }
0x245: {  	v19 =	vadd.s32 $0x2000, v16;
	[tilespmem:s2+$0x17500] =	vst v17;
	v10 =	vld.idx.msk [tilespmem:v10+s22+$0x0], $0xffff  }
0x246: {  	v12 =	vadd.s32 $0x2000, v15;
	[tilespmem:s31+$0x17600] =	vst v6;
	v22 =	vld.idx.msk [tilespmem:v7+s22+$0x0], $0xffff  }
0x247: {  	v23 =	vadd.s32 $0x6000, v0;
	[tilespmem:s0+$0x17600] =	vst v21;
	v14 =	vld.idx.msk [tilespmem:v14+s22+$0x0], $0xffff  }
0x248: {  	v6 =	vadd.s32 $0x2000, v1;
	v17 =	vld.idx.msk [tilespmem:v11+s22+$0x0], $0xffff;
	[tilespmem:s10+$0x10E80] =	vst v13  }
0x249: {  	v25 =	vadd.s32 $0x6080, v4;
	[tilespmem:s5+$0x17500] =	vst v8;
	v24 =	vld.idx.msk [tilespmem:v3+s22+$0x0], $0xffff  }
0x24a: {  	v9 =	vadd.s32 $0x4000, v15;
	[tilespmem:s7+$0x17500] =	vst v18;
	v19 =	vld.idx.msk [tilespmem:v19+s22+$0x0], $0xffff  }
0x24b: {  	v4 =	vadd.s32 $0x6080, v15;
	v7 =	vadd.s32 $0x4080, v15;
	v18 =	vld.idx.msk [tilespmem:v12+s22+$0x0], $0xffff;
	[tilespmem:s1+$0x10E80] =	vst v22;
	v22 =	vadd.s32 $0x2080, v2  }
0x24c: {  	v13 =	vadd.s32 $0x2080, v15;
	v3 =	vadd.s32 $0x6080, v5;
	v5 =	vadd.s32 $0x6000, v15;
	v15 =	vld.idx.msk [tilespmem:v23+s22+$0x0], $0xffff;
	[tilespmem:s28+$0x17500] =	vst v10  }
0x24d: {  	v21 =	vadd.s32 $0x2080, v1;
	v8 =	vadd.s32 $0x4080, v16;
	v12 =	vadd.s32 $0x2080, v16;
	v20 =	vld.idx.msk [tilespmem:v6+s22+$0x0], $0xffff  }
0x24e: {  	s8 =	simm.s32 $0x4;
	s9 =	simm.s32 $0x80;
	v11 =	vadd.s32 $0x6080, v16;
	v10 =	vadd.s32 $0x4000, v16;
	v6 =	vadd.s32 $0x6000, v16;
	v16 =	vld.idx.msk [tilespmem:v25+s22+$0x0], $0xffff;
	[tilespmem:s10+$0x17680] =	vst v24  }
.LBB2_14:
0x24f: {  	v23 =	vld [tilespmem:s9+$0x0];
	[tilespmem:s2+$0x10D80] =	vst v17  }
0x250: {  	[tilespmem:s7+$0x10D80] =	vst v18;
	v17 =	vld.idx.msk [tilespmem:v22+s22+$0x0], $0xffff;
	v18 =	vadd.s32 $0x6080, v0;
	v0 =	vmov v1  }
0x251: {  	v13 =	vld.idx.msk [tilespmem:v13+s22+$0x0], $0xffff;
	[tilespmem:s5+$0x10D80] =	vst v19  }
0x252: {  	s26 =	sadd.s32 $0x40, s26;
	v19 =	vadd.s32 $0x4000, v2;
	[tilespmem:s28+$0x10D80] =	vst v20;
	v12 =	vld.idx.msk [tilespmem:v12+s22+$0x0], $0xffff  }
0x253: {  	s10 =	sand.u32 $0x40, s26;
	v20 =	vld.idx.msk [tilespmem:v21+s22+$0x0], $0xffff;
	[tilespmem:s31+$0x10E80] =	vst v14  }
0x254: {  	s8 =	sadd.s32 $0x4, s8;
	s6 =	sand.u32 $0xF80, s26;
	s13 =	sor.u32 $0x30, s10;
	[tilespmem:s0+$0x10E80] =	vst v15;
	v14 =	vld.idx.msk [tilespmem:v3+s22+$0x0], $0xffff;
	v1 =	vmov v23;
	v3 =	vmov v11  }
0x255: {  	p0 =	slt.u32 s8, $0xCC;
	s15 =	sor.u32 $0x10, s10;
	s11 =	sor.u32 s13, s6;
	v11 =	vld.idx.msk [tilespmem:v18+s22+$0x0], $0xffff;
	[tilespmem:s1+$0x17680] =	vst v16  }
0x256: {  	s16 =	sor.u32 $0x20, s10;
	s12 =	sor.u32 s15, s6;
	s1 =	smov.u32 s7;
	v15 =	vld [tilespmem:s11+$0x0];
	[tilespmem:s2+$0x17580] =	vst v17  }
0x257: {  	s6 =	sor.u32 s16, s6;
	v16 =	vadd.s32 $0x4000, v0;
	[tilespmem:s1+$0x17580] =	vst v13;
	v17 =	vld.idx.msk [tilespmem:v19+s22+$0x0], $0xffff  }
0x258: {  	v18 =	vld [tilespmem:s12+$0x0];
	[tilespmem:s5+$0x17580] =	vst v12  }
0x259: {  	v19 =	vld [tilespmem:s6+$0x0];
	[tilespmem:s28+$0x17580] =	vst v20;
	v20 =	vadd.s32 $0x4080, v2  }
0x25a: {  	v21 =	vld.idx.msk [tilespmem:v9+s22+$0x0], $0xffff;
	[tilespmem:s31+$0x17680] =	vst v14;
	s31 =	smov.u32 s5  }
0x25b: {  	v14 =	vld.idx.msk [tilespmem:v10+s22+$0x0], $0xffff;
	[tilespmem:s0+$0x17680] =	vst v11;
	s0 =	smov.u32 s28  }
0x25c: {  	v22 =	vadd.s32 $0x4080, v0;
	v16 =	vld.idx.msk [tilespmem:v16+s22+$0x0], $0xffff  }
0x25d: {  	v23 =	vld.idx.msk [tilespmem:v23+s22+$0x0], $0xffff;
	v24 =	vadd.s32 $0x80, v18;
	v25 =	vadd.s32 $0x2000, v18;
	v13 =	vadd.s32 $0x2080, v18;
	[tilespmem:s2+$0x10E00] =	vst v17  }
0x25e: {  	v17 =	vadd.s32 $0x80, v19;
	v26 =	vadd.s32 $0x2000, v19;
	v12 =	vadd.s32 $0x2080, v19;
	v20 =	vld.idx.msk [tilespmem:v20+s22+$0x0], $0xffff  }
0x25f: {  	v9 =	vadd.s32 $0x4000, v18;
	v27 =	vadd.s32 $0x4080, v18;
	v10 =	vadd.s32 $0x4000, v19;
	v28 =	vld.idx.msk [tilespmem:v15+s22+$0x0], $0xffff  }
0x260: {  	v30 =	vadd.s32 $0x6000, v18;
	v31 =	vadd.s32 $0x4080, v19;
	v29 =	vld.idx.msk [tilespmem:v18+s22+$0x0], $0xffff;
	[tilespmem:s1+$0x10E00] =	vst v21;
	v21 =	vadd.s32 $0x6000, v2  }
0x261: {  	v34 =	vadd.s32 $0x80, v15;
	v32 =	vadd.s32 $0x6080, v18;
	v33 =	vadd.s32 $0x6000, v19;
	v18 =	vld.idx.msk [tilespmem:v19+s22+$0x0], $0xffff;
	[tilespmem:s31+$0x10E00] =	vst v14  }
0x262: {  	s4 =	sadd.s32 $0x200, s4;
	v11 =	vadd.s32 $0x6080, v19;
	[tilespmem:s0+$0x10E00] =	vst v16;
	v14 =	vld.idx.msk [tilespmem:v7+s22+$0x0], $0xffff;
	v7 =	vmov v27  }
0x263: {  	s6 =	sand.u32 $0x7C00, s4;
	v16 =	vld.idx.msk [tilespmem:v8+s22+$0x0], $0xffff;
	v8 =	vmov v31  }
0x264: {  	s7 =	sor.u32 s6, s15;
	s5 =	sor.u32 s6, s16;
	s11 =	sor.u32 s6, s13;
	v19 =	vadd.s32 $0x80, v1;
	v27 =	vld.idx.msk [tilespmem:v22+s22+$0x0], $0xffff;
	[tilespmem:s2+$0x17600] =	vst v20  }
0x265: {  	s28 =	sor.u32 s10, s6;
	[tilespmem:s11+$0x10D00] =	vst v28;
	v20 =	vld.idx.msk [tilespmem:v21+s22+$0x0], $0xffff  }
0x266: {  	[tilespmem:s7+$0x10D00] =	vst v29;
	v21 =	vld.idx.msk [tilespmem:v34+s22+$0x0], $0xffff  }
0x267: {  	v22 =	vld.idx.msk [tilespmem:v24+s22+$0x0], $0xffff;
	[tilespmem:s5+$0x10D00] =	vst v18;
	v18 =	vadd.s32 $0x6080, v2;
	v2 =	vmov v15  }
0x268: {  	[tilespmem:s28+$0x10D00] =	vst v23;
	v15 =	vld.idx.msk [tilespmem:v17+s22+$0x0], $0xffff;
	v17 =	vadd.s32 $0x2000, v2  }
0x269: {  	v19 =	vld.idx.msk [tilespmem:v19+s22+$0x0], $0xffff;
	[tilespmem:s1+$0x17600] =	vst v14  }
0x26a: {  	v23 =	vld.idx.msk [tilespmem:v5+s22+$0x0], $0xffff;
	[tilespmem:s31+$0x17600] =	vst v16;
	v5 =	vmov v30  }
0x26b: {  	v16 =	vadd.s32 $0x2000, v1;
	v14 =	vld.idx.msk [tilespmem:v6+s22+$0x0], $0xffff;
	[tilespmem:s2+$0x10E80] =	vst v20;
	v6 =	vmov v33  }
0x26c: {  	[tilespmem:s11+$0x17500] =	vst v21;
	v21 =	vadd.s32 $0x6000, v0;
	v24 =	vld.idx.msk [tilespmem:v18+s22+$0x0], $0xffff  }
0x26d: {  	[tilespmem:s7+$0x17500] =	vst v22;
	v17 =	vld.idx.msk [tilespmem:v17+s22+$0x0], $0xffff  }
.Ltmp6:
0x26e: {  	v18 =	vld.idx.msk [tilespmem:v25+s22+$0x0], $0xffff;
	[tilespmem:s5+$0x17500] =	vst v15;
	(pc) =	sbr.rel @p0 .LBB2_14-.Ltmp6, $4  }
0x26f: {  	v22 =	vadd.s32 $0x2080, v2;
	[tilespmem:s28+$0x17500] =	vst v19;
	v19 =	vld.idx.msk [tilespmem:v26+s22+$0x0], $0xffff  }
0x270: {  	v20 =	vld.idx.msk [tilespmem:v16+s22+$0x0], $0xffff;
	[tilespmem:s0+$0x17600] =	vst v27  }
0x271: {  	v15 =	vld.idx.msk [tilespmem:v21+s22+$0x0], $0xffff;
	[tilespmem:s1+$0x10E80] =	vst v23  }
0x272: {  	s9 =	sadd.s32 $0x40, s9;
	v21 =	vadd.s32 $0x2080, v1;
	v16 =	vld.idx.msk [tilespmem:v4+s22+$0x0], $0xffff;
	[tilespmem:s2+$0x17680] =	vst v24;
	v4 =	vmov v32;
	s2 =	smov.u32 s11  }
0x273: {  	_ =	sdelay $0x2  }
0x274: {  	[tilespmem:s2+$0x10D80] =	vst v17  }
0x275: {  	[tilespmem:s7+$0x10D80] =	vst v18;
	v17 =	vld.idx.msk [tilespmem:v22+s22+$0x0], $0xffff  }
0x276: {  	v18 =	vadd.s32 $0x4000, v2;
	v13 =	vld.idx.msk [tilespmem:v13+s22+$0x0], $0xffff;
	[tilespmem:s5+$0x10D80] =	vst v19  }
0x277: {  	[tilespmem:s28+$0x10D80] =	vst v20;
	v12 =	vld.idx.msk [tilespmem:v12+s22+$0x0], $0xffff  }
0x278: {  	v19 =	vld.idx.msk [tilespmem:v21+s22+$0x0], $0xffff  }
0x279: {  	v20 =	vadd.s32 $0x4000, v1  }
0x27a: {  	[tilespmem:s2+$0x17580] =	vst v17  }
0x27b: {  	[tilespmem:s7+$0x17580] =	vst v13;
	v13 =	vld.idx.msk [tilespmem:v18+s22+$0x0], $0xffff  }
0x27c: {  	[tilespmem:s5+$0x17580] =	vst v12;
	v12 =	vadd.s32 $0x4080, v2;
	v9 =	vld.idx.msk [tilespmem:v9+s22+$0x0], $0xffff  }
0x27d: {  	[tilespmem:s28+$0x17580] =	vst v19;
	v10 =	vld.idx.msk [tilespmem:v10+s22+$0x0], $0xffff  }
0x27e: {  	v17 =	vld.idx.msk [tilespmem:v20+s22+$0x0], $0xffff  }
0x27f: {  	v18 =	vadd.s32 $0x4080, v1  }
0x280: {  	[tilespmem:s2+$0x10E00] =	vst v13  }
0x281: {  	[tilespmem:s7+$0x10E00] =	vst v9;
	v12 =	vld.idx.msk [tilespmem:v12+s22+$0x0], $0xffff  }
0x282: {  	v9 =	vadd.s32 $0x6000, v2;
	[tilespmem:s5+$0x10E00] =	vst v10;
	v7 =	vld.idx.msk [tilespmem:v7+s22+$0x0], $0xffff  }
0x283: {  	[tilespmem:s28+$0x10E00] =	vst v17;
	v8 =	vld.idx.msk [tilespmem:v8+s22+$0x0], $0xffff  }
0x284: {  	v10 =	vld.idx.msk [tilespmem:v18+s22+$0x0], $0xffff  }
0x285: {  	[tilespmem:s31+$0x10E80] =	vst v14;
	v13 =	vadd.s32 $0x6000, v1  }
0x286: {  	[tilespmem:s2+$0x17600] =	vst v12  }
0x287: {  	v0 =	vadd.s32 $0x6080, v0;
	[tilespmem:s7+$0x17600] =	vst v7;
	v9 =	vld.idx.msk [tilespmem:v9+s22+$0x0], $0xffff  }
0x288: {  	v2 =	vadd.s32 $0x6080, v2;
	v5 =	vld.idx.msk [tilespmem:v5+s22+$0x0], $0xffff;
	[tilespmem:s5+$0x17600] =	vst v8  }
0x289: {  	v6 =	vld.idx.msk [tilespmem:v6+s22+$0x0], $0xffff;
	[tilespmem:s28+$0x17600] =	vst v10  }
0x28a: {  	[tilespmem:s0+$0x10E80] =	vst v15;
	v7 =	vld.idx.msk [tilespmem:v13+s22+$0x0], $0xffff  }
0x28b: {  	v3 =	vld.idx.msk [tilespmem:v3+s22+$0x0], $0xffff;
	[tilespmem:s1+$0x17680] =	vst v16;
	v1 =	vadd.s32 $0x6080, v1  }
0x28c: {  	v0 =	vld.idx.msk [tilespmem:v0+s22+$0x0], $0xffff;
	[tilespmem:s2+$0x10E80] =	vst v9  }
0x28d: {  	[tilespmem:s7+$0x10E80] =	vst v5;
	v2 =	vld.idx.msk [tilespmem:v2+s22+$0x0], $0xffff  }
0x28e: {  	v4 =	vld.idx.msk [tilespmem:v4+s22+$0x0], $0xffff;
	[tilespmem:s5+$0x10E80] =	vst v6  }
0x28f: {  	[tilespmem:s28+$0x10E80] =	vst v7;
	v5 =	vld.idx.msk [tilespmem:v11+s22+$0x0], $0xffff  }
0x290: {  	[tilespmem:s31+$0x17680] =	vst v3;
	v1 =	vld.idx.msk [tilespmem:v1+s22+$0x0], $0xffff  }
0x291: {  	[tilespmem:s0+$0x17680] =	vst v0  }
0x292: {  	[tilespmem:s2+$0x17680] =	vst v2  }
0x293: {  	[tilespmem:s7+$0x17680] =	vst v4  }
0x294: {  	[tilespmem:s5+$0x17680] =	vst v5  }
0x295: {  	[tilespmem:s28+$0x17680] =	vst v1  }
0x296: {  	s2 =	simm.s32 $0x0;
	s1 =	rddreg [dreg:$0xf]  }
0x297: {  	[tilespmem:s22], [sflag:$0x1] =	stream.linear.gather [hbm4b:s1+s2], $0x8000, $0x38;
	[tilespmem:$0x1DD00] =	vst v63  }
0x298: {  	_ =	swait.ge [sflag:s24], $0x8000  }
0x299: {  	[sflag:s24] =	ssyncset.done $0x0  }
0x29a: {  	s4 =	sand.u32 $0xFC0, s2;
	[sflag:s24] =	ssyncadd.s32 $0xFFFF8000  }
0x29b: {  	v5 =	vld [tilespmem:s4+$0x30]  }
0x29c: {  	v4 =	vld [tilespmem:s4+$0x10]  }
0x29d: {  	v3 =	vld [tilespmem:s4+$0x20];
	_ =	sdelay $0x1  }
0x29e: {  	v0 =	vld [tilespmem:s2+$0x0];
	_ =	sdelay $0x2  }
0x29f: {  	p0 =	por $0x0, $0x0;
	s0 =	simm.s32 $0x1  }
0x2a0: {  	s0 =	simm.s32 @!p0 $0x0;
	v1 =	vld.idx.msk [tilespmem:v5+s23+$0x0], $0xffff  }
0x2a1: {  	s0 =	sshll.u32 s0, $0x6;
	v2 =	vadd.s32 $0x80, v5;
	v6 =	vld.idx.msk [tilespmem:v4+s23+$0x0], $0xffff  }
0x2a2: {  	s2 =	sadd.s32 $0x0, s0;
	v7 =	vadd.s32 $0x80, v4;
	v8 =	vld.idx.msk [tilespmem:v3+s23+$0x0], $0xffff  }
0x2a3: {  	s5 =	sadd.s32 $0x30, s2;
	v10 =	vadd.s32 $0x80, v3  }
0x2a4: {  	s26 =	sadd.s32 $0x10, s2;
	s25 =	sor.u32 $0x200, s5;
	v9 =	vld.idx.msk [tilespmem:v0+s23+$0x0], $0xffff  }
0x2a5: {  	s4 =	sadd.s32 $0x20, s2;
	s15 =	sor.u32 $0x200, s26;
	[tilespmem:s25+$0x10D00] =	vst v1  }
0x2a6: {  	s6 =	sor.u32 $0x200, s4;
	v11 =	vadd.s32 $0x80, v0;
	[tilespmem:s15+$0x10D00] =	vst v6;
	v1 =	vld.idx.msk [tilespmem:v2+s23+$0x0], $0xffff  }
0x2a7: {  	[tilespmem:s6+$0x10D00] =	vst v8;
	v2 =	vadd.s32 $0x2000, v5;
	v6 =	vld.idx.msk [tilespmem:v7+s23+$0x0], $0xffff  }
0x2a8: {  	s8 =	sor.u32 $0x200, s2;
	v7 =	vadd.s32 $0x2000, v4;
	v8 =	vld.idx.msk [tilespmem:v10+s23+$0x0], $0xffff  }
0x2a9: {  	[tilespmem:s8+$0x10D00] =	vst v9;
	v9 =	vadd.s32 $0x2000, v3;
	_ =	sdelay $0x1  }
0x2aa: {  	v10 =	vld.idx.msk [tilespmem:v11+s23+$0x0], $0xffff;
	[tilespmem:s25+$0x17500] =	vst v1  }
0x2ab: {  	v11 =	vadd.s32 $0x2000, v0;
	[tilespmem:s15+$0x17500] =	vst v6;
	v1 =	vld.idx.msk [tilespmem:v2+s23+$0x0], $0xffff  }
0x2ac: {  	[tilespmem:s6+$0x17500] =	vst v8;
	v2 =	vadd.s32 $0x2080, v5;
	v6 =	vld.idx.msk [tilespmem:v7+s23+$0x0], $0xffff  }
0x2ad: {  	s0 =	simm.s32 $0x40;
	v7 =	vadd.s32 $0x2080, v4;
	v8 =	vld.idx.msk [tilespmem:v9+s23+$0x0], $0xffff  }
0x2ae: {  	s10 =	sand.u32 $0xFC0, s0;
	v9 =	vadd.s32 $0x2080, v3  }
0x2af: {  	s16 =	sor.u32 $0x280, s5;
	v15 =	vld [tilespmem:s10+$0x10];
	[tilespmem:s8+$0x17500] =	vst v10  }
0x2b0: {  	s17 =	sor.u32 $0x280, s26;
	v10 =	vld.idx.msk [tilespmem:v11+s23+$0x0], $0xffff;
	[tilespmem:s16+$0x10D00] =	vst v1  }
0x2b1: {  	s18 =	sor.u32 $0x280, s4;
	v11 =	vadd.s32 $0x2080, v0;
	[tilespmem:s17+$0x10D00] =	vst v6;
	v12 =	vld.idx.msk [tilespmem:v2+s23+$0x0], $0xffff  }
0x2b2: {  	[tilespmem:s18+$0x10D00] =	vst v8;
	v7 =	vld.idx.msk [tilespmem:v7+s23+$0x0], $0xffff  }
0x2b3: {  	v6 =	vadd.s32 $0x4000, v5;
	v8 =	vld.idx.msk [tilespmem:v9+s23+$0x0], $0xffff  }
0x2b4: {  	s9 =	sor.u32 $0x280, s2;
	v9 =	vadd.s32 $0x4000, v4;
	v2 =	vld [tilespmem:s10+$0x30]  }
0x2b5: {  	v16 =	vld [tilespmem:s10+$0x20];
	[tilespmem:s9+$0x10D00] =	vst v10  }
0x2b6: {  	v10 =	vld.idx.msk [tilespmem:v11+s23+$0x0], $0xffff;
	v11 =	vadd.s32 $0x4000, v3  }
0x2b7: {  	v1 =	vld [tilespmem:s0+$0x0];
	[tilespmem:s16+$0x17500] =	vst v12  }
0x2b8: {  	v12 =	vadd.s32 $0x4000, v0;
	[tilespmem:s17+$0x17500] =	vst v7;
	v6 =	vld.idx.msk [tilespmem:v6+s23+$0x0], $0xffff  }
0x2b9: {  	p0 =	por !p0, !p0;
	s1 =	simm.s32 $0x1;
	[tilespmem:s18+$0x17500] =	vst v8;
	v8 =	vld.idx.msk [tilespmem:v9+s23+$0x0], $0xffff  }
0x2ba: {  	s1 =	simm.s32 @!p0 $0x0;
	v17 =	vld.idx.msk [tilespmem:v15+s23+$0x0], $0xffff;
	v7 =	vadd.s32 $0x4080, v5  }
0x2bb: {  	s1 =	sshll.u32 s1, $0x6;
	v9 =	vld.idx.msk [tilespmem:v11+s23+$0x0], $0xffff;
	v11 =	vadd.s32 $0x4080, v4  }
0x2bc: {  	s20 =	sor.u32 $0x300, s5;
	s25 =	sadd.s32 $0x200, s1;
	[tilespmem:s9+$0x17500] =	vst v10;
	v14 =	vld.idx.msk [tilespmem:v2+s23+$0x0], $0xffff  }
0x2bd: {  	s21 =	sor.u32 $0x300, s26;
	s13 =	sadd.s32 $0x10, s25;
	v19 =	vadd.s32 $0x80, v2;
	v10 =	vld.idx.msk [tilespmem:v12+s23+$0x0], $0xffff;
	[tilespmem:s20+$0x10D00] =	vst v6  }
0x2be: {  	s14 =	sor.u32 $0x200, s13;
	v6 =	vadd.s32 $0x4080, v3;
	[tilespmem:s21+$0x10D00] =	vst v8;
	v8 =	vld.idx.msk [tilespmem:v16+s23+$0x0], $0xffff  }
0x2bf: {  	s11 =	sor.u32 $0x300, s4;
	v13 =	vadd.s32 $0x4080, v0;
	s1 =	sadd.s32 $0x30, s25;
	[tilespmem:s14+$0x10D00] =	vst v17;
	v7 =	vld.idx.msk [tilespmem:v7+s23+$0x0], $0xffff  }
0x2c0: {  	s12 =	sor.u32 $0x200, s1;
	[tilespmem:s11+$0x10D00] =	vst v9;
	v9 =	vld.idx.msk [tilespmem:v11+s23+$0x0], $0xffff;
	v11 =	vadd.s32 $0x80, v16  }
0x2c1: {  	s24 =	sor.u32 $0x300, s2;
	v18 =	vadd.s32 $0x6000, v5;
	s29 =	sadd.s32 $0x20, s25;
	v12 =	vld.idx.msk [tilespmem:v1+s23+$0x0], $0xffff;
	[tilespmem:s12+$0x10D00] =	vst v14  }
0x2c2: {  	v20 =	vadd.s32 $0x80, v15;
	s15 =	sor.u32 $0x200, s29;
	v17 =	vld.idx.msk [tilespmem:v19+s23+$0x0], $0xffff;
	[tilespmem:s24+$0x10D00] =	vst v10  }
0x2c3: {  	v10 =	vadd.s32 $0x80, v1;
	v6 =	vld.idx.msk [tilespmem:v6+s23+$0x0], $0xffff;
	[tilespmem:s15+$0x10D00] =	vst v8  }
0x2c4: {  	v21 =	vld.idx.msk [tilespmem:v13+s23+$0x0], $0xffff;
	[tilespmem:s20+$0x17500] =	vst v7;
	v7 =	vadd.s32 $0x6000, v4  }
0x2c5: {  	v14 =	vadd.s32 $0x6000, v3;
	v8 =	vld.idx.msk [tilespmem:v11+s23+$0x0], $0xffff  }
0x2c6: {  	s20 =	sor.u32 $0x200, s25;
	v11 =	vadd.s32 $0x2000, v2;
	[tilespmem:s21+$0x17500] =	vst v9;
	v13 =	vld.idx.msk [tilespmem:v18+s23+$0x0], $0xffff  }
0x2c7: {  	v5 =	vadd.s32 $0x6080, v5;
	v18 =	vld.idx.msk [tilespmem:v20+s23+$0x0], $0xffff;
	[tilespmem:s20+$0x10D00] =	vst v12  }
0x2c8: {  	v19 =	vadd.s32 $0x2000, v16;
	[tilespmem:s12+$0x17500] =	vst v17;
	v10 =	vld.idx.msk [tilespmem:v10+s23+$0x0], $0xffff  }
0x2c9: {  	v12 =	vadd.s32 $0x2000, v15;
	[tilespmem:s11+$0x17500] =	vst v6;
	v22 =	vld.idx.msk [tilespmem:v7+s23+$0x0], $0xffff  }
0x2ca: {  	s30 =	sor.u32 $0x380, s5;
	v23 =	vadd.s32 $0x6000, v0;
	[tilespmem:s24+$0x17500] =	vst v21;
	v14 =	vld.idx.msk [tilespmem:v14+s23+$0x0], $0xffff  }
0x2cb: {  	v6 =	vadd.s32 $0x2000, v1;
	v17 =	vld.idx.msk [tilespmem:v11+s23+$0x0], $0xffff;
	[tilespmem:s30+$0x10D00] =	vst v13  }
0x2cc: {  	s7 =	simm.s32 $0x4;
	v25 =	vadd.s32 $0x6080, v4;
	[tilespmem:s15+$0x17500] =	vst v8;
	v24 =	vld.idx.msk [tilespmem:v5+s23+$0x0], $0xffff  }
0x2cd: {  	s31 =	sor.u32 $0x380, s26;
	s26 =	sor.u32 $0x380, s4;
	s8 =	simm.s32 $0x200;
	v3 =	vadd.s32 $0x6080, v3;
	[tilespmem:s14+$0x17500] =	vst v18;
	v19 =	vld.idx.msk [tilespmem:v19+s23+$0x0], $0xffff  }
0x2ce: {  	s5 =	sor.u32 $0x300, s25;
	s28 =	sor.u32 $0x300, s13;
	s4 =	sor.u32 $0x300, s29;
	v9 =	vadd.s32 $0x4000, v15;
	v4 =	vadd.s32 $0x6080, v15;
	v18 =	vld.idx.msk [tilespmem:v12+s23+$0x0], $0xffff;
	[tilespmem:s31+$0x10D00] =	vst v22;
	v22 =	vadd.s32 $0x2080, v2  }
0x2cf: {  	s2 =	sor.u32 $0x380, s2;
	s6 =	sor.u32 $0x280, s1;
	s10 =	sor.u32 $0x380, s29;
	v7 =	vadd.s32 $0x4080, v15;
	v13 =	vadd.s32 $0x2080, v15;
	v5 =	vadd.s32 $0x6000, v15;
	v15 =	vld.idx.msk [tilespmem:v23+s23+$0x0], $0xffff;
	[tilespmem:s20+$0x17500] =	vst v10  }
0x2d0: {  	s17 =	sor.u32 $0x280, s13;
	s16 =	sor.u32 $0x280, s29;
	s9 =	simm.s32 $0x80;
	v21 =	vadd.s32 $0x2080, v1;
	v8 =	vadd.s32 $0x4080, v16;
	v12 =	vadd.s32 $0x2080, v16;
	v20 =	vld.idx.msk [tilespmem:v6+s23+$0x0], $0xffff  }
0x2d1: {  	s15 =	sor.u32 $0x380, s13;
	v11 =	vadd.s32 $0x6080, v16;
	s13 =	sor.u32 $0x380, s25;
	v10 =	vadd.s32 $0x4000, v16;
	s20 =	sor.u32 $0x280, s25;
	v6 =	vadd.s32 $0x6000, v16;
	v16 =	vld.idx.msk [tilespmem:v25+s23+$0x0], $0xffff;
	[tilespmem:s30+$0x17500] =	vst v24  }
.LBB2_16:
0x2d2: {  	v23 =	vld [tilespmem:s9+$0x0];
	[tilespmem:s6+$0x10D00] =	vst v17  }
0x2d3: {  	[tilespmem:s17+$0x10D00] =	vst v18;
	v17 =	vld.idx.msk [tilespmem:v22+s23+$0x0], $0xffff;
	v18 =	vadd.s32 $0x6080, v0;
	v0 =	vmov v1  }
0x2d4: {  	v13 =	vld.idx.msk [tilespmem:v13+s23+$0x0], $0xffff;
	[tilespmem:s16+$0x10D00] =	vst v19  }
0x2d5: {  	v19 =	vadd.s32 $0x4000, v2;
	[tilespmem:s20+$0x10D00] =	vst v20;
	v12 =	vld.idx.msk [tilespmem:v12+s23+$0x0], $0xffff  }
0x2d6: {  	v20 =	vld.idx.msk [tilespmem:v21+s23+$0x0], $0xffff;
	[tilespmem:s26+$0x10D00] =	vst v14  }
0x2d7: {  	s0 =	sadd.s32 $0x40, s0;
	[tilespmem:s2+$0x10D00] =	vst v15;
	v14 =	vld.idx.msk [tilespmem:v3+s23+$0x0], $0xffff;
	v1 =	vmov v23;
	v3 =	vmov v11  }
0x2d8: {  	s11 =	sand.u32 $0xFC0, s0;
	v11 =	vld.idx.msk [tilespmem:v18+s23+$0x0], $0xffff;
	[tilespmem:s31+$0x17500] =	vst v16;
	s31 =	smov.u32 s15  }
0x2d9: {  	s7 =	sadd.s32 $0x4, s7;
	v15 =	vld [tilespmem:s11+$0x30];
	[tilespmem:s6+$0x17500] =	vst v17  }
0x2da: {  	p1 =	slt.u32 s7, $0xCC;
	v16 =	vadd.s32 $0x4000, v0;
	[tilespmem:s17+$0x17500] =	vst v13;
	v17 =	vld.idx.msk [tilespmem:v19+s23+$0x0], $0xffff  }
0x2db: {  	v18 =	vld [tilespmem:s11+$0x10];
	[tilespmem:s16+$0x17500] =	vst v12  }
0x2dc: {  	v19 =	vld [tilespmem:s11+$0x20];
	[tilespmem:s20+$0x17500] =	vst v20;
	v20 =	vadd.s32 $0x4080, v2  }
0x2dd: {  	v21 =	vld.idx.msk [tilespmem:v9+s23+$0x0], $0xffff;
	[tilespmem:s26+$0x17500] =	vst v14;
	s26 =	smov.u32 s10  }
0x2de: {  	v14 =	vld.idx.msk [tilespmem:v10+s23+$0x0], $0xffff;
	[tilespmem:s2+$0x17500] =	vst v11;
	s2 =	smov.u32 s13  }
0x2df: {  	v22 =	vadd.s32 $0x4080, v0;
	s6 =	sor.u32 $0x300, s1;
	v16 =	vld.idx.msk [tilespmem:v16+s23+$0x0], $0xffff  }
0x2e0: {  	v23 =	vld.idx.msk [tilespmem:v23+s23+$0x0], $0xffff;
	v24 =	vadd.s32 $0x80, v18;
	v25 =	vadd.s32 $0x2000, v18;
	v13 =	vadd.s32 $0x2080, v18;
	[tilespmem:s6+$0x10D00] =	vst v17  }
0x2e1: {  	v17 =	vadd.s32 $0x80, v19;
	v26 =	vadd.s32 $0x2000, v19;
	v12 =	vadd.s32 $0x2080, v19;
	v20 =	vld.idx.msk [tilespmem:v20+s23+$0x0], $0xffff  }
0x2e2: {  	p0 =	por !p0, !p0;
	s10 =	simm.s32 $0x1;
	v9 =	vadd.s32 $0x4000, v18;
	v27 =	vadd.s32 $0x4080, v18;
	v10 =	vadd.s32 $0x4000, v19;
	v28 =	vld.idx.msk [tilespmem:v15+s23+$0x0], $0xffff  }
0x2e3: {  	s10 =	simm.s32 @!p0 $0x0;
	v30 =	vadd.s32 $0x6000, v18;
	v31 =	vadd.s32 $0x4080, v19;
	v29 =	vld.idx.msk [tilespmem:v18+s23+$0x0], $0xffff;
	[tilespmem:s28+$0x10D00] =	vst v21;
	v21 =	vadd.s32 $0x6000, v2  }
0x2e4: {  	s8 =	sadd.s32 $0x200, s8;
	v34 =	vadd.s32 $0x80, v15;
	s10 =	sshll.u32 s10, $0x6;
	v32 =	vadd.s32 $0x6080, v18;
	v33 =	vadd.s32 $0x6000, v19;
	v18 =	vld.idx.msk [tilespmem:v19+s23+$0x0], $0xffff;
	[tilespmem:s4+$0x10D00] =	vst v14  }
0x2e5: {  	s11 =	sadd.s32 s10, s8;
	v11 =	vadd.s32 $0x6080, v19;
	[tilespmem:s5+$0x10D00] =	vst v16;
	v14 =	vld.idx.msk [tilespmem:v7+s23+$0x0], $0xffff;
	v7 =	vmov v27  }
0x2e6: {  	s10 =	sadd.s32 $0x10, s11;
	s12 =	sadd.s32 $0x20, s11;
	s14 =	sadd.s32 $0x30, s11;
	v16 =	vld.idx.msk [tilespmem:v8+s23+$0x0], $0xffff;
	v8 =	vmov v31  }
0x2e7: {  	s21 =	sor.u32 $0x200, s10;
	s24 =	sor.u32 $0x200, s12;
	s25 =	sor.u32 $0x200, s14;
	v19 =	vadd.s32 $0x80, v1;
	v27 =	vld.idx.msk [tilespmem:v22+s23+$0x0], $0xffff;
	[tilespmem:s6+$0x17500] =	vst v20  }
0x2e8: {  	s17 =	sor.u32 $0x280, s10;
	s16 =	sor.u32 $0x280, s12;
	s6 =	sor.u32 $0x200, s11;
	[tilespmem:s25+$0x10D00] =	vst v28;
	v20 =	vld.idx.msk [tilespmem:v21+s23+$0x0], $0xffff  }
0x2e9: {  	s20 =	sor.u32 $0x280, s11;
	s29 =	sor.u32 $0x300, s10;
	s30 =	sor.u32 $0x300, s12;
	[tilespmem:s21+$0x10D00] =	vst v29;
	v21 =	vld.idx.msk [tilespmem:v34+s23+$0x0], $0xffff  }
0x2ea: {  	s18 =	sor.u32 $0x300, s11;
	s15 =	sor.u32 $0x380, s10;
	s10 =	sor.u32 $0x380, s12;
	v22 =	vld.idx.msk [tilespmem:v24+s23+$0x0], $0xffff;
	[tilespmem:s24+$0x10D00] =	vst v18;
	v18 =	vadd.s32 $0x6080, v2;
	v2 =	vmov v15  }
0x2eb: {  	s13 =	sor.u32 $0x380, s11;
	[tilespmem:s6+$0x10D00] =	vst v23;
	v15 =	vld.idx.msk [tilespmem:v17+s23+$0x0], $0xffff;
	v17 =	vadd.s32 $0x2000, v2  }
0x2ec: {  	v19 =	vld.idx.msk [tilespmem:v19+s23+$0x0], $0xffff;
	[tilespmem:s28+$0x17500] =	vst v14;
	s28 =	smov.u32 s29  }
0x2ed: {  	s11 =	sor.u32 $0x380, s1;
	s1 =	smov.u32 s14;
	v23 =	vld.idx.msk [tilespmem:v5+s23+$0x0], $0xffff;
	[tilespmem:s4+$0x17500] =	vst v16;
	v5 =	vmov v30;
	s4 =	smov.u32 s30  }
0x2ee: {  	v16 =	vadd.s32 $0x2000, v1;
	v14 =	vld.idx.msk [tilespmem:v6+s23+$0x0], $0xffff;
	[tilespmem:s11+$0x10D00] =	vst v20;
	v6 =	vmov v33  }
0x2ef: {  	[tilespmem:s25+$0x17500] =	vst v21;
	v21 =	vadd.s32 $0x6000, v0;
	v24 =	vld.idx.msk [tilespmem:v18+s23+$0x0], $0xffff  }
0x2f0: {  	[tilespmem:s21+$0x17500] =	vst v22;
	v17 =	vld.idx.msk [tilespmem:v17+s23+$0x0], $0xffff  }
.Ltmp7:
0x2f1: {  	v18 =	vld.idx.msk [tilespmem:v25+s23+$0x0], $0xffff;
	[tilespmem:s24+$0x17500] =	vst v15;
	(pc) =	sbr.rel @p1 .LBB2_16-.Ltmp7, $4  }
0x2f2: {  	v22 =	vadd.s32 $0x2080, v2;
	[tilespmem:s6+$0x17500] =	vst v19;
	v19 =	vld.idx.msk [tilespmem:v26+s23+$0x0], $0xffff  }
0x2f3: {  	v20 =	vld.idx.msk [tilespmem:v16+s23+$0x0], $0xffff;
	[tilespmem:s5+$0x17500] =	vst v27;
	s5 =	smov.u32 s18  }
0x2f4: {  	v15 =	vld.idx.msk [tilespmem:v21+s23+$0x0], $0xffff;
	[tilespmem:s31+$0x10D00] =	vst v23  }
0x2f5: {  	s9 =	sadd.s32 $0x40, s9;
	s6 =	sor.u32 $0x280, s1;
	v21 =	vadd.s32 $0x2080, v1;
	v16 =	vld.idx.msk [tilespmem:v4+s23+$0x0], $0xffff;
	[tilespmem:s11+$0x17500] =	vst v24;
	v4 =	vmov v32  }
0x2f6: {  	_ =	sdelay $0x2  }
0x2f7: {  	[tilespmem:s6+$0x10D00] =	vst v17  }
0x2f8: {  	[tilespmem:s17+$0x10D00] =	vst v18;
	v17 =	vld.idx.msk [tilespmem:v22+s23+$0x0], $0xffff  }
0x2f9: {  	v18 =	vadd.s32 $0x4000, v2;
	v13 =	vld.idx.msk [tilespmem:v13+s23+$0x0], $0xffff;
	[tilespmem:s16+$0x10D00] =	vst v19  }
0x2fa: {  	[tilespmem:s20+$0x10D00] =	vst v20;
	v12 =	vld.idx.msk [tilespmem:v12+s23+$0x0], $0xffff  }
0x2fb: {  	v19 =	vld.idx.msk [tilespmem:v21+s23+$0x0], $0xffff  }
0x2fc: {  	v20 =	vadd.s32 $0x4000, v1  }
0x2fd: {  	[tilespmem:s6+$0x17500] =	vst v17  }
0x2fe: {  	[tilespmem:s17+$0x17500] =	vst v13;
	v13 =	vld.idx.msk [tilespmem:v18+s23+$0x0], $0xffff  }
0x2ff: {  	[tilespmem:s16+$0x17500] =	vst v12;
	v12 =	vadd.s32 $0x4080, v2;
	v9 =	vld.idx.msk [tilespmem:v9+s23+$0x0], $0xffff  }
0x300: {  	[tilespmem:s20+$0x17500] =	vst v19;
	v10 =	vld.idx.msk [tilespmem:v10+s23+$0x0], $0xffff  }
0x301: {  	v17 =	vld.idx.msk [tilespmem:v20+s23+$0x0], $0xffff  }
0x302: {  	s0 =	sor.u32 $0x300, s1;
	v18 =	vadd.s32 $0x4080, v1  }
0x303: {  	[tilespmem:s0+$0x10D00] =	vst v13  }
0x304: {  	[tilespmem:s28+$0x10D00] =	vst v9;
	v12 =	vld.idx.msk [tilespmem:v12+s23+$0x0], $0xffff  }
0x305: {  	v9 =	vadd.s32 $0x6000, v2;
	[tilespmem:s4+$0x10D00] =	vst v10;
	v7 =	vld.idx.msk [tilespmem:v7+s23+$0x0], $0xffff  }
0x306: {  	[tilespmem:s5+$0x10D00] =	vst v17;
	v8 =	vld.idx.msk [tilespmem:v8+s23+$0x0], $0xffff  }
0x307: {  	v10 =	vld.idx.msk [tilespmem:v18+s23+$0x0], $0xffff  }
0x308: {  	[tilespmem:s26+$0x10D00] =	vst v14;
	v13 =	vadd.s32 $0x6000, v1  }
0x309: {  	[tilespmem:s0+$0x17500] =	vst v12  }
0x30a: {  	v0 =	vadd.s32 $0x6080, v0;
	[tilespmem:s28+$0x17500] =	vst v7;
	v9 =	vld.idx.msk [tilespmem:v9+s23+$0x0], $0xffff  }
0x30b: {  	v2 =	vadd.s32 $0x6080, v2;
	v5 =	vld.idx.msk [tilespmem:v5+s23+$0x0], $0xffff;
	[tilespmem:s4+$0x17500] =	vst v8  }
0x30c: {  	v6 =	vld.idx.msk [tilespmem:v6+s23+$0x0], $0xffff;
	[tilespmem:s5+$0x17500] =	vst v10  }
0x30d: {  	[tilespmem:s2+$0x10D00] =	vst v15;
	v7 =	vld.idx.msk [tilespmem:v13+s23+$0x0], $0xffff  }
0x30e: {  	s1 =	sor.u32 $0x380, s1;
	v3 =	vld.idx.msk [tilespmem:v3+s23+$0x0], $0xffff;
	[tilespmem:s31+$0x17500] =	vst v16;
	v1 =	vadd.s32 $0x6080, v1  }
0x30f: {  	v0 =	vld.idx.msk [tilespmem:v0+s23+$0x0], $0xffff;
	[tilespmem:s1+$0x10D00] =	vst v9  }
0x310: {  	[tilespmem:s15+$0x10D00] =	vst v5;
	v2 =	vld.idx.msk [tilespmem:v2+s23+$0x0], $0xffff  }
0x311: {  	v4 =	vld.idx.msk [tilespmem:v4+s23+$0x0], $0xffff;
	[tilespmem:s10+$0x10D00] =	vst v6  }
0x312: {  	[tilespmem:s13+$0x10D00] =	vst v7;
	v5 =	vld.idx.msk [tilespmem:v11+s23+$0x0], $0xffff  }
0x313: {  	[tilespmem:s26+$0x17500] =	vst v3;
	v1 =	vld.idx.msk [tilespmem:v1+s23+$0x0], $0xffff  }
0x314: {  	[tilespmem:s2+$0x17500] =	vst v0  }
0x315: {  	[tilespmem:s1+$0x17500] =	vst v2  }
0x316: {  	[tilespmem:s15+$0x17500] =	vst v4  }
0x317: {  	[tilespmem:s10+$0x17500] =	vst v5  }
0x318: {  	[tilespmem:s13+$0x17500] =	vst v1  }
0x319: {  	s6 =	simm.s32 $0x10D00;
	s4 =	simm.s32 $0x0;
	s5 =	rddreg [dreg:$0xe]  }
0x31a: {  	[hbm4b:s5+s4] =	stream.linear.scatter [tilespmem:s6], [sflag:$0x3], $0x6800, $0x38;
	[tilespmem:$0x1DD00] =	vst v63  }
0x31b: {  	s8 =	simm.s32 $0x17500;
	s7 =	rddreg [dreg:$0x10]  }
0x31c: {  	[hbm4b:s7+s4] =	stream.linear.scatter [tilespmem:s8], [sflag:$0x3], $0x6800, $0x38;
	[tilespmem:$0x1DD00] =	vst v63  }
0x31d: {  	s21 =	simm.s32 $0x1;
	s9 =	rddreg [dreg:$0x11]  }
0x31e: {  	[tilespmem:s23], [sflag:$0x2] =	stream.linear.gather [hbm4b:s9+s4], $0x4000, $0x38;
	[tilespmem:$0x1DD00] =	vst v63  }
0x31f: {  	_ =	swait.ge [sflag:s21], $0x8000  }
0x320: {  	[sflag:s21] =	ssyncset.done $0x0  }
0x321: {  	s25 =	simm.s32 $0x3;
	[sflag:s21] =	ssyncadd.s32 $0xFFFF8000  }
0x322: {  	_ =	swait.ge [sflag:s25], $0x6800  }
0x323: {  	[sflag:s25] =	ssyncset.done $0x0  }
0x324: {  	[sflag:s25] =	ssyncadd.s32 $0xFFFF9800  }
0x325: {  	s10 =	sand.u32 $0x40, s4;
	_ =	swait.ge [sflag:s25], $0x6800  }
0x326: {  	s11 =	sand.u32 $0xF80, s4;
	s12 =	sor.u32 $0x30, s10;
	[sflag:s25] =	ssyncset.done $0x0  }
0x327: {  	s14 =	sor.u32 $0x10, s10;
	s13 =	sor.u32 s12, s11;
	[sflag:s25] =	ssyncadd.s32 $0xFFFF9800  }
0x328: {  	s15 =	sor.u32 s14, s11;
	s7 =	sor.u32 $0x20, s10;
	v3 =	vld [tilespmem:s13+$0x0]  }
0x329: {  	s1 =	sor.u32 s7, s11;
	v4 =	vld [tilespmem:s15+$0x0]  }
0x32a: {  	v5 =	vld [tilespmem:s1+$0x0];
	_ =	sdelay $0x1  }
0x32b: {  	v0 =	vld [tilespmem:s4+$0x0];
	_ =	sdelay $0x3  }
0x32c: {  	v1 =	vld.idx.msk [tilespmem:v3+s22+$0x0], $0xffff  }
0x32d: {  	v2 =	vadd.s32 $0x80, v3;
	v6 =	vld.idx.msk [tilespmem:v4+s22+$0x0], $0xffff  }
0x32e: {  	v7 =	vadd.s32 $0x80, v4;
	v8 =	vld.idx.msk [tilespmem:v5+s22+$0x0], $0xffff  }
0x32f: {  	s0 =	sand.u32 $0x7C00, s4;
	v10 =	vadd.s32 $0x80, v5  }
0x330: {  	s16 =	sor.u32 s0, s12;
	v9 =	vld.idx.msk [tilespmem:v0+s22+$0x0], $0xffff  }
0x331: {  	s1 =	sor.u32 s0, s14;
	[tilespmem:s16+$0x10D00] =	vst v1  }
0x332: {  	s31 =	sor.u32 s0, s7;
	v11 =	vadd.s32 $0x80, v0;
	[tilespmem:s1+$0x10D00] =	vst v6;
	v1 =	vld.idx.msk [tilespmem:v2+s22+$0x0], $0xffff  }
0x333: {  	[tilespmem:s31+$0x10D00] =	vst v8;
	v2 =	vadd.s32 $0x2000, v3;
	v6 =	vld.idx.msk [tilespmem:v7+s22+$0x0], $0xffff  }
0x334: {  	s0 =	sor.u32 s10, s0;
	v7 =	vadd.s32 $0x2000, v4;
	v8 =	vld.idx.msk [tilespmem:v10+s22+$0x0], $0xffff  }
0x335: {  	[tilespmem:s0+$0x10D00] =	vst v9;
	v9 =	vadd.s32 $0x2000, v5;
	_ =	sdelay $0x1  }
0x336: {  	v10 =	vld.idx.msk [tilespmem:v11+s22+$0x0], $0xffff;
	[tilespmem:s16+$0x17500] =	vst v1  }
0x337: {  	s26 =	simm.s32 $0x40;
	v11 =	vadd.s32 $0x2000, v0;
	[tilespmem:s1+$0x17500] =	vst v6;
	v1 =	vld.idx.msk [tilespmem:v2+s22+$0x0], $0xffff  }
0x338: {  	s17 =	sand.u32 $0x40, s26;
	[tilespmem:s31+$0x17500] =	vst v8;
	v2 =	vadd.s32 $0x2080, v3;
	v6 =	vld.idx.msk [tilespmem:v7+s22+$0x0], $0xffff  }
0x339: {  	s18 =	sand.u32 $0xF80, s26;
	s29 =	sor.u32 $0x10, s17;
	v7 =	vadd.s32 $0x2080, v4;
	v8 =	vld.idx.msk [tilespmem:v9+s22+$0x0], $0xffff  }
0x33a: {  	s30 =	sor.u32 s29, s18;
	v9 =	vadd.s32 $0x2080, v5  }
0x33b: {  	v15 =	vld [tilespmem:s30+$0x0];
	[tilespmem:s0+$0x17500] =	vst v10  }
0x33c: {  	v10 =	vld.idx.msk [tilespmem:v11+s22+$0x0], $0xffff;
	[tilespmem:s16+$0x10D80] =	vst v1  }
0x33d: {  	v11 =	vadd.s32 $0x2080, v0;
	[tilespmem:s1+$0x10D80] =	vst v6;
	v12 =	vld.idx.msk [tilespmem:v2+s22+$0x0], $0xffff  }
0x33e: {  	s20 =	sor.u32 $0x30, s17;
	[tilespmem:s31+$0x10D80] =	vst v8;
	v7 =	vld.idx.msk [tilespmem:v7+s22+$0x0], $0xffff  }
0x33f: {  	s24 =	sor.u32 s20, s18;
	s8 =	sor.u32 $0x20, s17;
	v6 =	vadd.s32 $0x4000, v3;
	v8 =	vld.idx.msk [tilespmem:v9+s22+$0x0], $0xffff  }
0x340: {  	s2 =	sor.u32 s8, s18;
	v9 =	vadd.s32 $0x4000, v4;
	v2 =	vld [tilespmem:s24+$0x0]  }
0x341: {  	v16 =	vld [tilespmem:s2+$0x0];
	[tilespmem:s0+$0x10D80] =	vst v10  }
0x342: {  	v10 =	vld.idx.msk [tilespmem:v11+s22+$0x0], $0xffff;
	v11 =	vadd.s32 $0x4000, v5  }
0x343: {  	v1 =	vld [tilespmem:s26+$0x0];
	[tilespmem:s16+$0x17580] =	vst v12  }
0x344: {  	v12 =	vadd.s32 $0x4000, v0;
	[tilespmem:s1+$0x17580] =	vst v7;
	v6 =	vld.idx.msk [tilespmem:v6+s22+$0x0], $0xffff  }
0x345: {  	[tilespmem:s31+$0x17580] =	vst v8;
	v8 =	vld.idx.msk [tilespmem:v9+s22+$0x0], $0xffff  }
0x346: {  	v17 =	vld.idx.msk [tilespmem:v15+s22+$0x0], $0xffff;
	v7 =	vadd.s32 $0x4080, v3  }
0x347: {  	v9 =	vld.idx.msk [tilespmem:v11+s22+$0x0], $0xffff;
	v11 =	vadd.s32 $0x4080, v4  }
0x348: {  	s4 =	simm.s32 $0x200;
	[tilespmem:s0+$0x17580] =	vst v10;
	v14 =	vld.idx.msk [tilespmem:v2+s22+$0x0], $0xffff  }
0x349: {  	s9 =	sand.u32 $0x7C00, s4;
	v19 =	vadd.s32 $0x80, v2;
	v10 =	vld.idx.msk [tilespmem:v12+s22+$0x0], $0xffff;
	[tilespmem:s16+$0x10E00] =	vst v6  }
0x34a: {  	s7 =	sor.u32 s9, s29;
	v6 =	vadd.s32 $0x4080, v5;
	[tilespmem:s1+$0x10E00] =	vst v8;
	v8 =	vld.idx.msk [tilespmem:v16+s22+$0x0], $0xffff  }
0x34b: {  	v13 =	vadd.s32 $0x4080, v0;
	[tilespmem:s7+$0x10D00] =	vst v17;
	v7 =	vld.idx.msk [tilespmem:v7+s22+$0x0], $0xffff  }
0x34c: {  	s2 =	sor.u32 s9, s20;
	[tilespmem:s31+$0x10E00] =	vst v9;
	v9 =	vld.idx.msk [tilespmem:v11+s22+$0x0], $0xffff;
	v11 =	vadd.s32 $0x80, v16  }
0x34d: {  	v18 =	vadd.s32 $0x6000, v3;
	v12 =	vld.idx.msk [tilespmem:v1+s22+$0x0], $0xffff;
	[tilespmem:s2+$0x10D00] =	vst v14  }
0x34e: {  	s5 =	sor.u32 s9, s8;
	v20 =	vadd.s32 $0x80, v15;
	v17 =	vld.idx.msk [tilespmem:v19+s22+$0x0], $0xffff;
	[tilespmem:s0+$0x10E00] =	vst v10  }
0x34f: {  	v10 =	vadd.s32 $0x80, v1;
	v6 =	vld.idx.msk [tilespmem:v6+s22+$0x0], $0xffff;
	[tilespmem:s5+$0x10D00] =	vst v8  }
0x350: {  	v21 =	vld.idx.msk [tilespmem:v13+s22+$0x0], $0xffff;
	[tilespmem:s16+$0x17600] =	vst v7;
	v7 =	vadd.s32 $0x6000, v4  }
0x351: {  	s28 =	sor.u32 s17, s9;
	v14 =	vadd.s32 $0x6000, v5;
	v8 =	vld.idx.msk [tilespmem:v11+s22+$0x0], $0xffff  }
0x352: {  	[tilespmem:s28+$0x10D00] =	vst v12;
	v11 =	vadd.s32 $0x2000, v2;
	v13 =	vld.idx.msk [tilespmem:v18+s22+$0x0], $0xffff  }
0x353: {  	v3 =	vadd.s32 $0x6080, v3;
	[tilespmem:s1+$0x17600] =	vst v9;
	v18 =	vld.idx.msk [tilespmem:v20+s22+$0x0], $0xffff  }
0x354: {  	v19 =	vadd.s32 $0x2000, v16;
	[tilespmem:s2+$0x17500] =	vst v17;
	v10 =	vld.idx.msk [tilespmem:v10+s22+$0x0], $0xffff  }
0x355: {  	v12 =	vadd.s32 $0x2000, v15;
	[tilespmem:s31+$0x17600] =	vst v6;
	v22 =	vld.idx.msk [tilespmem:v7+s22+$0x0], $0xffff  }
0x356: {  	v23 =	vadd.s32 $0x6000, v0;
	[tilespmem:s0+$0x17600] =	vst v21;
	v14 =	vld.idx.msk [tilespmem:v14+s22+$0x0], $0xffff  }
0x357: {  	v6 =	vadd.s32 $0x2000, v1;
	v17 =	vld.idx.msk [tilespmem:v11+s22+$0x0], $0xffff;
	[tilespmem:s16+$0x10E80] =	vst v13  }
0x358: {  	v25 =	vadd.s32 $0x6080, v4;
	[tilespmem:s5+$0x17500] =	vst v8;
	v24 =	vld.idx.msk [tilespmem:v3+s22+$0x0], $0xffff  }
0x359: {  	v9 =	vadd.s32 $0x4000, v15;
	[tilespmem:s7+$0x17500] =	vst v18;
	v19 =	vld.idx.msk [tilespmem:v19+s22+$0x0], $0xffff  }
0x35a: {  	v4 =	vadd.s32 $0x6080, v15;
	v7 =	vadd.s32 $0x4080, v15;
	v18 =	vld.idx.msk [tilespmem:v12+s22+$0x0], $0xffff;
	[tilespmem:s1+$0x10E80] =	vst v22;
	v22 =	vadd.s32 $0x2080, v2  }
0x35b: {  	v13 =	vadd.s32 $0x2080, v15;
	v3 =	vadd.s32 $0x6080, v5;
	v5 =	vadd.s32 $0x6000, v15;
	v15 =	vld.idx.msk [tilespmem:v23+s22+$0x0], $0xffff;
	[tilespmem:s28+$0x17500] =	vst v10  }
0x35c: {  	v21 =	vadd.s32 $0x2080, v1;
	v8 =	vadd.s32 $0x4080, v16;
	v12 =	vadd.s32 $0x2080, v16;
	v20 =	vld.idx.msk [tilespmem:v6+s22+$0x0], $0xffff  }
0x35d: {  	s8 =	simm.s32 $0x4;
	s9 =	simm.s32 $0x80;
	v11 =	vadd.s32 $0x6080, v16;
	v10 =	vadd.s32 $0x4000, v16;
	v6 =	vadd.s32 $0x6000, v16;
	v16 =	vld.idx.msk [tilespmem:v25+s22+$0x0], $0xffff;
	[tilespmem:s16+$0x17680] =	vst v24  }
.LBB2_18:
0x35e: {  	v23 =	vld [tilespmem:s9+$0x0];
	[tilespmem:s2+$0x10D80] =	vst v17  }
0x35f: {  	[tilespmem:s7+$0x10D80] =	vst v18;
	v17 =	vld.idx.msk [tilespmem:v22+s22+$0x0], $0xffff;
	v18 =	vadd.s32 $0x6080, v0;
	v0 =	vmov v1  }
0x360: {  	v13 =	vld.idx.msk [tilespmem:v13+s22+$0x0], $0xffff;
	[tilespmem:s5+$0x10D80] =	vst v19  }
0x361: {  	s26 =	sadd.s32 $0x40, s26;
	v19 =	vadd.s32 $0x4000, v2;
	[tilespmem:s28+$0x10D80] =	vst v20;
	v12 =	vld.idx.msk [tilespmem:v12+s22+$0x0], $0xffff  }
0x362: {  	s10 =	sand.u32 $0x40, s26;
	v20 =	vld.idx.msk [tilespmem:v21+s22+$0x0], $0xffff;
	[tilespmem:s31+$0x10E80] =	vst v14  }
0x363: {  	s8 =	sadd.s32 $0x4, s8;
	s6 =	sand.u32 $0xF80, s26;
	s13 =	sor.u32 $0x30, s10;
	[tilespmem:s0+$0x10E80] =	vst v15;
	v14 =	vld.idx.msk [tilespmem:v3+s22+$0x0], $0xffff;
	v1 =	vmov v23;
	v3 =	vmov v11  }
0x364: {  	p0 =	slt.u32 s8, $0xCC;
	s15 =	sor.u32 $0x10, s10;
	s11 =	sor.u32 s13, s6;
	v11 =	vld.idx.msk [tilespmem:v18+s22+$0x0], $0xffff;
	[tilespmem:s1+$0x17680] =	vst v16  }
0x365: {  	s16 =	sor.u32 $0x20, s10;
	s12 =	sor.u32 s15, s6;
	s1 =	smov.u32 s7;
	v15 =	vld [tilespmem:s11+$0x0];
	[tilespmem:s2+$0x17580] =	vst v17  }
0x366: {  	s6 =	sor.u32 s16, s6;
	v16 =	vadd.s32 $0x4000, v0;
	[tilespmem:s1+$0x17580] =	vst v13;
	v17 =	vld.idx.msk [tilespmem:v19+s22+$0x0], $0xffff  }
0x367: {  	v18 =	vld [tilespmem:s12+$0x0];
	[tilespmem:s5+$0x17580] =	vst v12  }
0x368: {  	v19 =	vld [tilespmem:s6+$0x0];
	[tilespmem:s28+$0x17580] =	vst v20;
	v20 =	vadd.s32 $0x4080, v2  }
0x369: {  	v21 =	vld.idx.msk [tilespmem:v9+s22+$0x0], $0xffff;
	[tilespmem:s31+$0x17680] =	vst v14;
	s31 =	smov.u32 s5  }
0x36a: {  	v14 =	vld.idx.msk [tilespmem:v10+s22+$0x0], $0xffff;
	[tilespmem:s0+$0x17680] =	vst v11;
	s0 =	smov.u32 s28  }
0x36b: {  	v22 =	vadd.s32 $0x4080, v0;
	v16 =	vld.idx.msk [tilespmem:v16+s22+$0x0], $0xffff  }
0x36c: {  	v23 =	vld.idx.msk [tilespmem:v23+s22+$0x0], $0xffff;
	v24 =	vadd.s32 $0x80, v18;
	v25 =	vadd.s32 $0x2000, v18;
	v13 =	vadd.s32 $0x2080, v18;
	[tilespmem:s2+$0x10E00] =	vst v17  }
0x36d: {  	v17 =	vadd.s32 $0x80, v19;
	v26 =	vadd.s32 $0x2000, v19;
	v12 =	vadd.s32 $0x2080, v19;
	v20 =	vld.idx.msk [tilespmem:v20+s22+$0x0], $0xffff  }
0x36e: {  	v9 =	vadd.s32 $0x4000, v18;
	v27 =	vadd.s32 $0x4080, v18;
	v10 =	vadd.s32 $0x4000, v19;
	v28 =	vld.idx.msk [tilespmem:v15+s22+$0x0], $0xffff  }
0x36f: {  	v30 =	vadd.s32 $0x6000, v18;
	v31 =	vadd.s32 $0x4080, v19;
	v29 =	vld.idx.msk [tilespmem:v18+s22+$0x0], $0xffff;
	[tilespmem:s1+$0x10E00] =	vst v21;
	v21 =	vadd.s32 $0x6000, v2  }
0x370: {  	v34 =	vadd.s32 $0x80, v15;
	v32 =	vadd.s32 $0x6080, v18;
	v33 =	vadd.s32 $0x6000, v19;
	v18 =	vld.idx.msk [tilespmem:v19+s22+$0x0], $0xffff;
	[tilespmem:s31+$0x10E00] =	vst v14  }
0x371: {  	s4 =	sadd.s32 $0x200, s4;
	v11 =	vadd.s32 $0x6080, v19;
	[tilespmem:s0+$0x10E00] =	vst v16;
	v14 =	vld.idx.msk [tilespmem:v7+s22+$0x0], $0xffff;
	v7 =	vmov v27  }
0x372: {  	s6 =	sand.u32 $0x7C00, s4;
	v16 =	vld.idx.msk [tilespmem:v8+s22+$0x0], $0xffff;
	v8 =	vmov v31  }
0x373: {  	s7 =	sor.u32 s6, s15;
	s5 =	sor.u32 s6, s16;
	s11 =	sor.u32 s6, s13;
	v19 =	vadd.s32 $0x80, v1;
	v27 =	vld.idx.msk [tilespmem:v22+s22+$0x0], $0xffff;
	[tilespmem:s2+$0x17600] =	vst v20  }
0x374: {  	s28 =	sor.u32 s10, s6;
	[tilespmem:s11+$0x10D00] =	vst v28;
	v20 =	vld.idx.msk [tilespmem:v21+s22+$0x0], $0xffff  }
0x375: {  	[tilespmem:s7+$0x10D00] =	vst v29;
	v21 =	vld.idx.msk [tilespmem:v34+s22+$0x0], $0xffff  }
0x376: {  	v22 =	vld.idx.msk [tilespmem:v24+s22+$0x0], $0xffff;
	[tilespmem:s5+$0x10D00] =	vst v18;
	v18 =	vadd.s32 $0x6080, v2;
	v2 =	vmov v15  }
0x377: {  	[tilespmem:s28+$0x10D00] =	vst v23;
	v15 =	vld.idx.msk [tilespmem:v17+s22+$0x0], $0xffff;
	v17 =	vadd.s32 $0x2000, v2  }
0x378: {  	v19 =	vld.idx.msk [tilespmem:v19+s22+$0x0], $0xffff;
	[tilespmem:s1+$0x17600] =	vst v14  }
0x379: {  	v23 =	vld.idx.msk [tilespmem:v5+s22+$0x0], $0xffff;
	[tilespmem:s31+$0x17600] =	vst v16;
	v5 =	vmov v30  }
0x37a: {  	v16 =	vadd.s32 $0x2000, v1;
	v14 =	vld.idx.msk [tilespmem:v6+s22+$0x0], $0xffff;
	[tilespmem:s2+$0x10E80] =	vst v20;
	v6 =	vmov v33  }
0x37b: {  	[tilespmem:s11+$0x17500] =	vst v21;
	v21 =	vadd.s32 $0x6000, v0;
	v24 =	vld.idx.msk [tilespmem:v18+s22+$0x0], $0xffff  }
0x37c: {  	[tilespmem:s7+$0x17500] =	vst v22;
	v17 =	vld.idx.msk [tilespmem:v17+s22+$0x0], $0xffff  }
.Ltmp8:
0x37d: {  	v18 =	vld.idx.msk [tilespmem:v25+s22+$0x0], $0xffff;
	[tilespmem:s5+$0x17500] =	vst v15;
	(pc) =	sbr.rel @p0 .LBB2_18-.Ltmp8, $4  }
0x37e: {  	v22 =	vadd.s32 $0x2080, v2;
	[tilespmem:s28+$0x17500] =	vst v19;
	v19 =	vld.idx.msk [tilespmem:v26+s22+$0x0], $0xffff  }
0x37f: {  	v20 =	vld.idx.msk [tilespmem:v16+s22+$0x0], $0xffff;
	[tilespmem:s0+$0x17600] =	vst v27  }
0x380: {  	v15 =	vld.idx.msk [tilespmem:v21+s22+$0x0], $0xffff;
	[tilespmem:s1+$0x10E80] =	vst v23  }
0x381: {  	s9 =	sadd.s32 $0x40, s9;
	v21 =	vadd.s32 $0x2080, v1;
	v16 =	vld.idx.msk [tilespmem:v4+s22+$0x0], $0xffff;
	[tilespmem:s2+$0x17680] =	vst v24;
	v4 =	vmov v32;
	s2 =	smov.u32 s11  }
0x382: {  	_ =	sdelay $0x2  }
0x383: {  	[tilespmem:s2+$0x10D80] =	vst v17  }
0x384: {  	[tilespmem:s7+$0x10D80] =	vst v18;
	v17 =	vld.idx.msk [tilespmem:v22+s22+$0x0], $0xffff  }
0x385: {  	v59 =	vadd.s32 $0x4000, v2;
	v13 =	vld.idx.msk [tilespmem:v13+s22+$0x0], $0xffff;
	[tilespmem:s5+$0x10D80] =	vst v19  }
0x386: {  	[tilespmem:s28+$0x10D80] =	vst v20;
	v12 =	vld.idx.msk [tilespmem:v12+s22+$0x0], $0xffff  }
0x387: {  	v60 =	vld.idx.msk [tilespmem:v21+s22+$0x0], $0xffff  }
0x388: {  	v61 =	vadd.s32 $0x4000, v1  }
0x389: {  	[tilespmem:s2+$0x17580] =	vst v17  }
0x38a: {  	[tilespmem:s7+$0x17580] =	vst v13;
	v13 =	vld.idx.msk [tilespmem:v59+s22+$0x0], $0xffff  }
0x38b: {  	[tilespmem:s5+$0x17580] =	vst v12;
	v12 =	vadd.s32 $0x4080, v2;
	v9 =	vld.idx.msk [tilespmem:v9+s22+$0x0], $0xffff  }
0x38c: {  	[tilespmem:s28+$0x17580] =	vst v60;
	v10 =	vld.idx.msk [tilespmem:v10+s22+$0x0], $0xffff  }
0x38d: {  	v17 =	vld.idx.msk [tilespmem:v61+s22+$0x0], $0xffff  }
0x38e: {  	v62 =	vadd.s32 $0x4080, v1  }
0x38f: {  	[tilespmem:s2+$0x10E00] =	vst v13  }
0x390: {  	[tilespmem:s7+$0x10E00] =	vst v9;
	v12 =	vld.idx.msk [tilespmem:v12+s22+$0x0], $0xffff  }
0x391: {  	v9 =	vadd.s32 $0x6000, v2;
	[tilespmem:s5+$0x10E00] =	vst v10;
	v7 =	vld.idx.msk [tilespmem:v7+s22+$0x0], $0xffff  }
0x392: {  	[tilespmem:s28+$0x10E00] =	vst v17;
	v8 =	vld.idx.msk [tilespmem:v8+s22+$0x0], $0xffff  }
0x393: {  	v10 =	vld.idx.msk [tilespmem:v62+s22+$0x0], $0xffff  }
0x394: {  	[tilespmem:s31+$0x10E80] =	vst v14;
	v13 =	vadd.s32 $0x6000, v1  }
0x395: {  	[tilespmem:s2+$0x17600] =	vst v12  }
0x396: {  	v0 =	vadd.s32 $0x6080, v0;
	[tilespmem:s7+$0x17600] =	vst v7;
	v9 =	vld.idx.msk [tilespmem:v9+s22+$0x0], $0xffff  }
0x397: {  	v2 =	vadd.s32 $0x6080, v2;
	v5 =	vld.idx.msk [tilespmem:v5+s22+$0x0], $0xffff;
	[tilespmem:s5+$0x17600] =	vst v8  }
0x398: {  	v6 =	vld.idx.msk [tilespmem:v6+s22+$0x0], $0xffff;
	[tilespmem:s28+$0x17600] =	vst v10  }
0x399: {  	[tilespmem:s0+$0x10E80] =	vst v15;
	v7 =	vld.idx.msk [tilespmem:v13+s22+$0x0], $0xffff  }
0x39a: {  	v3 =	vld.idx.msk [tilespmem:v3+s22+$0x0], $0xffff;
	[tilespmem:s1+$0x17680] =	vst v16;
	v1 =	vadd.s32 $0x6080, v1  }
0x39b: {  	v0 =	vld.idx.msk [tilespmem:v0+s22+$0x0], $0xffff;
	[tilespmem:s2+$0x10E80] =	vst v9  }
0x39c: {  	[tilespmem:s7+$0x10E80] =	vst v5;
	v2 =	vld.idx.msk [tilespmem:v2+s22+$0x0], $0xffff  }
0x39d: {  	v4 =	vld.idx.msk [tilespmem:v4+s22+$0x0], $0xffff;
	[tilespmem:s5+$0x10E80] =	vst v6  }
0x39e: {  	[tilespmem:s28+$0x10E80] =	vst v7;
	v5 =	vld.idx.msk [tilespmem:v11+s22+$0x0], $0xffff  }
0x39f: {  	[tilespmem:s31+$0x17680] =	vst v3;
	v1 =	vld.idx.msk [tilespmem:v1+s22+$0x0], $0xffff  }
0x3a0: {  	[tilespmem:s0+$0x17680] =	vst v0  }
0x3a1: {  	[tilespmem:s2+$0x17680] =	vst v2  }
0x3a2: {  	[tilespmem:s7+$0x17680] =	vst v4  }
0x3a3: {  	[tilespmem:s5+$0x17680] =	vst v5  }
0x3a4: {  	s24 =	simm.s32 $0x2;
	[tilespmem:s28+$0x17680] =	vst v1  }
0x3a5: {  	_ =	swait.ge [sflag:s24], $0x4000  }
0x3a6: {  	s17 =	simm.s32 $0x0;
	[sflag:s24] =	ssyncset.done $0x0  }
0x3a7: {  	s18 =	sand.u32 $0xFC0, s17;
	[sflag:s24] =	ssyncadd.s32 $0xFFFFC000  }
0x3a8: {  	v2 =	vld [tilespmem:s18+$0x30]  }
0x3a9: {  	v3 =	vld [tilespmem:s18+$0x10]  }
0x3aa: {  	v4 =	vld [tilespmem:s18+$0x20];
	_ =	sdelay $0x1  }
0x3ab: {  	v6 =	vld [tilespmem:s17+$0x0];
	_ =	sdelay $0x1  }
0x3ac: {  	p0 =	por $0x0, $0x0;
	s0 =	simm.s32 $0x1  }
0x3ad: {  	s0 =	simm.s32 @!p0 $0x0  }
0x3ae: {  	s0 =	sshll.u32 s0, $0x6;
	v0 =	vld.idx.msk [tilespmem:v2+s23+$0x0], $0xffff  }
0x3af: {  	s20 =	sadd.s32 $0x0, s0;
	s0 =	simm.s32 $0x40;
	v1 =	vadd.s32 $0x80, v2;
	v5 =	vld.idx.msk [tilespmem:v3+s23+$0x0], $0xffff  }
0x3b0: {  	s10 =	sand.u32 $0xFC0, s0;
	v7 =	vadd.s32 $0x80, v3;
	v8 =	vld.idx.msk [tilespmem:v4+s23+$0x0], $0xffff  }
0x3b1: {  	s26 =	sadd.s32 $0x30, s20;
	v14 =	vld [tilespmem:s10+$0x10];
	v10 =	vadd.s32 $0x80, v4  }
0x3b2: {  	s4 =	sor.u32 $0x200, s26;
	s28 =	sadd.s32 $0x10, s20;
	v9 =	vld.idx.msk [tilespmem:v6+s23+$0x0], $0xffff  }
0x3b3: {  	s6 =	sadd.s32 $0x20, s20;
	s29 =	sor.u32 $0x200, s28;
	v15 =	vld [tilespmem:s10+$0x20];
	v11 =	vadd.s32 $0x80, v6;
	[tilespmem:s4+$0x10D00] =	vst v0  }
0x3b4: {  	s8 =	sor.u32 $0x200, s6;
	[tilespmem:s29+$0x10D00] =	vst v5;
	v12 =	vld.idx.msk [tilespmem:v1+s23+$0x0], $0xffff  }
0x3b5: {  	[tilespmem:s8+$0x10D00] =	vst v8;
	v5 =	vld.idx.msk [tilespmem:v7+s23+$0x0], $0xffff;
	v7 =	vadd.s32 $0x2000, v2  }
0x3b6: {  	s9 =	sor.u32 $0x200, s20;
	v8 =	vld.idx.msk [tilespmem:v10+s23+$0x0], $0xffff  }
0x3b7: {  	[tilespmem:s9+$0x10D00] =	vst v9;
	v9 =	vadd.s32 $0x2000, v3;
	v1 =	vld [tilespmem:s10+$0x30]  }
0x3b8: {  	v10 =	vld.idx.msk [tilespmem:v11+s23+$0x0], $0xffff;
	v11 =	vadd.s32 $0x2000, v4  }
0x3b9: {  	v13 =	vadd.s32 $0x2000, v6;
	v0 =	vld [tilespmem:s0+$0x0];
	[tilespmem:s4+$0x17500] =	vst v12  }
0x3ba: {  	v7 =	vld.idx.msk [tilespmem:v7+s23+$0x0], $0xffff  }
0x3bb: {  	v2 =	vadd.s32 $0x2080, v2;
	[tilespmem:s29+$0x17500] =	vst v5;
	v12 =	vld.idx.msk [tilespmem:v14+s23+$0x0], $0xffff  }
0x3bc: {  	[tilespmem:s8+$0x17500] =	vst v8;
	v9 =	vld.idx.msk [tilespmem:v9+s23+$0x0], $0xffff  }
0x3bd: {  	[tilespmem:s9+$0x17500] =	vst v10;
	v8 =	vld.idx.msk [tilespmem:v11+s23+$0x0], $0xffff  }
0x3be: {  	p0 =	por !p0, !p0;
	s11 =	sor.u32 $0x280, s26;
	s7 =	simm.s32 $0x1;
	v3 =	vadd.s32 $0x2080, v3;
	v11 =	vld.idx.msk [tilespmem:v13+s23+$0x0], $0xffff  }
0x3bf: {  	s7 =	simm.s32 @!p0 $0x0;
	v4 =	vadd.s32 $0x2080, v4;
	v16 =	vld.idx.msk [tilespmem:v1+s23+$0x0], $0xffff;
	[tilespmem:s11+$0x10D00] =	vst v7  }
0x3c0: {  	s30 =	sshll.u32 s7, $0x6;
	v6 =	vadd.s32 $0x2080, v6;
	s4 =	sor.u32 $0x280, s28;
	v17 =	vld.idx.msk [tilespmem:v2+s23+$0x0], $0xffff  }
0x3c1: {  	s1 =	sor.u32 $0x280, s6;
	s6 =	sadd.s32 $0x200, s30;
	v63 =	vadd.s32 $0x80, v1;
	v13 =	vld.idx.msk [tilespmem:v15+s23+$0x0], $0xffff;
	[tilespmem:s4+$0x10D00] =	vst v9  }
0x3c2: {  	s2 =	sor.u32 $0x280, s20;
	s5 =	simm.s32 $0x4;
	s8 =	sadd.s32 $0x30, s6;
	v5 =	vld.idx.msk [tilespmem:v0+s23+$0x0], $0xffff;
	[tilespmem:s1+$0x10D00] =	vst v8  }
0x3c3: {  	s7 =	simm.s32 $0x200;
	s31 =	sadd.s32 $0x10, s6;
	s26 =	sor.u32 $0x200, s8;
	v7 =	vadd.s32 $0x80, v14;
	[tilespmem:s2+$0x10D00] =	vst v11;
	v10 =	vld.idx.msk [tilespmem:v3+s23+$0x0], $0xffff  }
0x3c4: {  	s12 =	sadd.s32 $0x20, s6;
	s15 =	sor.u32 $0x200, s6;
	s16 =	sor.u32 $0x280, s6;
	v9 =	vadd.s32 $0x80, v15;
	v8 =	vld.idx.msk [tilespmem:v4+s23+$0x0], $0xffff;
	[tilespmem:s26+$0x10D00] =	vst v16  }
0x3c5: {  	s13 =	sor.u32 $0x200, s12;
	s20 =	sor.u32 $0x280, s12;
	s17 =	sor.u32 $0x280, s31;
	v11 =	vld.idx.msk [tilespmem:v6+s23+$0x0], $0xffff;
	v6 =	vadd.s32 $0x2000, v15;
	v3 =	vadd.s32 $0x2080, v15;
	v15 =	vadd.s32 $0x80, v0;
	[tilespmem:s11+$0x17500] =	vst v17  }
0x3c6: {  	s10 =	sor.u32 $0x200, s31;
	s9 =	simm.s32 $0x80;
	v4 =	vadd.s32 $0x2000, v14;
	v2 =	vadd.s32 $0x2080, v14;
	v14 =	vld.idx.msk [tilespmem:v63+s23+$0x0], $0xffff;
	s18 =	rddreg [dreg:$0xb]  }
.LBB2_20:
0x3c7: {  	v16 =	vld [tilespmem:s9+$0x0];
	[tilespmem:s10+$0x10D00] =	vst v12  }
0x3c8: {  	v12 =	vadd.s32 $0x2000, v1;
	v7 =	vld.idx.msk [tilespmem:v7+s23+$0x0], $0xffff;
	[tilespmem:s13+$0x10D00] =	vst v13  }
0x3c9: {  	s0 =	sadd.s32 $0x40, s0;
	[tilespmem:s15+$0x10D00] =	vst v5;
	v5 =	vld.idx.msk [tilespmem:v9+s23+$0x0], $0xffff  }
0x3ca: {  	s5 =	sadd.s32 $0x4, s5;
	s6 =	sand.u32 $0xFC0, s0;
	v9 =	vld.idx.msk [tilespmem:v15+s23+$0x0], $0xffff;
	[tilespmem:s4+$0x17500] =	vst v10;
	s4 =	smov.u32 s17  }
0x3cb: {  	p1 =	slt.u32 s5, $0xCC;
	v10 =	vld [tilespmem:s6+$0x30];
	[tilespmem:s1+$0x17500] =	vst v8;
	s1 =	smov.u32 s20  }
0x3cc: {  	v13 =	vadd.s32 $0x2000, v0;
	v8 =	vld [tilespmem:s6+$0x10];
	[tilespmem:s26+$0x17500] =	vst v14  }
0x3cd: {  	v12 =	vld.idx.msk [tilespmem:v12+s23+$0x0], $0xffff;
	[tilespmem:s2+$0x17500] =	vst v11;
	s2 =	smov.u32 s16  }
0x3ce: {  	v11 =	vld [tilespmem:s6+$0x20];
	[tilespmem:s10+$0x17500] =	vst v7  }
0x3cf: {  	v15 =	vadd.s32 $0x2080, v1;
	v14 =	vld.idx.msk [tilespmem:v4+s23+$0x0], $0xffff;
	[tilespmem:s13+$0x17500] =	vst v5  }
0x3d0: {  	[tilespmem:s15+$0x17500] =	vst v9;
	v17 =	vld.idx.msk [tilespmem:v6+s23+$0x0], $0xffff;
	v1 =	vmov v10  }
0x3d1: {  	v7 =	vadd.s32 $0x80, v8;
	v4 =	vadd.s32 $0x2000, v8;
	v18 =	vadd.s32 $0x2080, v8;
	v19 =	vld.idx.msk [tilespmem:v13+s23+$0x0], $0xffff  }
0x3d2: {  	s6 =	sor.u32 $0x280, s8;
	v5 =	vld.idx.msk [tilespmem:v16+s23+$0x0], $0xffff  }
0x3d3: {  	p0 =	por !p0, !p0;
	s8 =	simm.s32 $0x1;
	v9 =	vadd.s32 $0x80, v11;
	v6 =	vadd.s32 $0x2000, v11;
	v20 =	vadd.s32 $0x2080, v11;
	v21 =	vld.idx.msk [tilespmem:v10+s23+$0x0], $0xffff;
	[tilespmem:s6+$0x10D00] =	vst v12  }
0x3d4: {  	v22 =	vadd.s32 $0x2080, v0;
	v0 =	vmov v16;
	s8 =	simm.s32 @!p0 $0x0;
	v23 =	vld.idx.msk [tilespmem:v15+s23+$0x0], $0xffff  }
0x3d5: {  	s7 =	sadd.s32 $0x200, s7;
	s8 =	sshll.u32 s8, $0x6;
	v16 =	vadd.s32 $0x80, v1;
	v12 =	vld.idx.msk [tilespmem:v8+s23+$0x0], $0xffff;
	[tilespmem:s4+$0x10D00] =	vst v14  }
.Ltmp9:
0x3d6: {  	s11 =	sadd.s32 s8, s7;
	v13 =	vld.idx.msk [tilespmem:v11+s23+$0x0], $0xffff;
	[tilespmem:s1+$0x10D00] =	vst v17;
	(pc) =	sbr.rel @p1 .LBB2_20-.Ltmp9, $4  }
0x3d7: {  	s12 =	sadd.s32 $0x10, s11;
	s14 =	sadd.s32 $0x20, s11;
	s8 =	sadd.s32 $0x30, s11;
	[tilespmem:s2+$0x10D00] =	vst v19;
	v10 =	vld.idx.msk [tilespmem:v2+s23+$0x0], $0xffff;
	v2 =	vmov v18  }
0x3d8: {  	s10 =	sor.u32 $0x200, s12;
	s13 =	sor.u32 $0x200, s14;
	s26 =	sor.u32 $0x200, s8;
	v8 =	vld.idx.msk [tilespmem:v3+s23+$0x0], $0xffff;
	v3 =	vmov v20  }
0x3d9: {  	s15 =	sor.u32 $0x200, s11;
	s17 =	sor.u32 $0x280, s12;
	s20 =	sor.u32 $0x280, s14;
	v15 =	vadd.s32 $0x80, v0;
	[tilespmem:s26+$0x10D00] =	vst v21;
	v11 =	vld.idx.msk [tilespmem:v22+s23+$0x0], $0xffff  }
0x3da: {  	s9 =	sadd.s32 $0x40, s9;
	s16 =	sor.u32 $0x280, s11;
	v14 =	vld.idx.msk [tilespmem:v16+s23+$0x0], $0xffff;
	[tilespmem:s6+$0x17500] =	vst v23  }
0x3db: {  	_ =	sdelay $0x2  }
0x3dc: {  	[tilespmem:s10+$0x10D00] =	vst v12  }
0x3dd: {  	[tilespmem:s13+$0x10D00] =	vst v13;
	v57 =	vadd.s32 $0x2000, v1;
	v7 =	vld.idx.msk [tilespmem:v7+s23+$0x0], $0xffff  }
0x3de: {  	[tilespmem:s15+$0x10D00] =	vst v5;
	v58 =	vld.idx.msk [tilespmem:v9+s23+$0x0], $0xffff  }
0x3df: {  	v59 =	vld.idx.msk [tilespmem:v15+s23+$0x0], $0xffff  }
0x3e0: {  	v60 =	vadd.s32 $0x2000, v0  }
0x3e1: {  	[tilespmem:s26+$0x17500] =	vst v14  }
0x3e2: {  	v12 =	vld.idx.msk [tilespmem:v57+s23+$0x0], $0xffff;
	[tilespmem:s10+$0x17500] =	vst v7  }
0x3e3: {  	v61 =	vadd.s32 $0x2080, v1;
	[tilespmem:s13+$0x17500] =	vst v58;
	v4 =	vld.idx.msk [tilespmem:v4+s23+$0x0], $0xffff  }
0x3e4: {  	[tilespmem:s15+$0x17500] =	vst v59;
	v5 =	vld.idx.msk [tilespmem:v6+s23+$0x0], $0xffff  }
0x3e5: {  	v62 =	vld.idx.msk [tilespmem:v60+s23+$0x0], $0xffff  }
0x3e6: {  	s0 =	sor.u32 $0x280, s8;
	v63 =	vadd.s32 $0x2080, v0;
	[tilespmem:s4+$0x17500] =	vst v10  }
0x3e7: {  	[tilespmem:s0+$0x10D00] =	vst v12  }
0x3e8: {  	v1 =	vld.idx.msk [tilespmem:v61+s23+$0x0], $0xffff;
	[tilespmem:s17+$0x10D00] =	vst v4  }
0x3e9: {  	[tilespmem:s20+$0x10D00] =	vst v5;
	v2 =	vld.idx.msk [tilespmem:v2+s23+$0x0], $0xffff  }
0x3ea: {  	[tilespmem:s16+$0x10D00] =	vst v62;
	v3 =	vld.idx.msk [tilespmem:v3+s23+$0x0], $0xffff  }
0x3eb: {  	[tilespmem:s1+$0x17500] =	vst v8;
	v0 =	vld.idx.msk [tilespmem:v63+s23+$0x0], $0xffff  }
0x3ec: {  	[tilespmem:s2+$0x17500] =	vst v11  }
0x3ed: {  	[tilespmem:s0+$0x17500] =	vst v1  }
0x3ee: {  	[tilespmem:s17+$0x17500] =	vst v2  }
0x3ef: {  	[tilespmem:s20+$0x17500] =	vst v3  }
0x3f0: {  	[tilespmem:s16+$0x17500] =	vst v0  }
0x3f1: {  	s1 =	simm.s32 $0x80;
	s6 =	rddreg [dreg:$0x12]  }
0x3f2: {  	s2 =	simm.s32 $0x11100;
	s0 =	simm.s32 $0x10D00;
	s4 =	sadd.s32 $0x0, s6  }
.LBB2_22:
0x3f3: {  	[hbm4b:s4+s3] =	stream.linear.scatter [tilespmem:s0], [sflag:$0x3], $0x300, $0x38;
	[tilespmem:$0x1DD00] =	vst v63  }
0x3f4: {  	s4 =	smov.u32 s1;
	s0 =	smov.u32 s2;
	p0 =	sne.s32 s1, $0xC80  }
.Ltmp10:
0x3f5: {  	s1 =	sadd.s32 $0x80, s1;
	(pc) =	sbr.rel @p0 .LBB2_22-.Ltmp10, $2  }
0x3f6: {  	_ =	sdelay $0x2  }
0x3f7: {  	s2 =	sadd.s32 $0x400, s2;
	s4 =	sadd.s32 s4, s6  }
0x3f8: {  	[hbm4b:s4+s3] =	stream.linear.scatter [tilespmem:s0], [sflag:$0x3], $0x300, $0x38;
	[tilespmem:$0x1DD00] =	vst v63  }
0x3f9: {  	s0 =	simm.s32 $0x17500  }
0x3fa: {  	s1 =	simm.s32 $0x80;
	s4 =	sadd.s32 $0x0, s19;
	s2 =	simm.s32 $0x17900  }
.LBB2_24:
0x3fb: {  	[hbm4b:s4+s3] =	stream.linear.scatter [tilespmem:s0], [sflag:$0x3], $0x300, $0x38;
	[tilespmem:$0x1DD00] =	vst v63  }
0x3fc: {  	s4 =	smov.u32 s1;
	s0 =	smov.u32 s2;
	p0 =	sne.s32 s1, $0xC80  }
.Ltmp11:
0x3fd: {  	s1 =	sadd.s32 $0x80, s1;
	(pc) =	sbr.rel @p0 .LBB2_24-.Ltmp11, $2  }
0x3fe: {  	_ =	sdelay $0x2  }
0x3ff: {  	s2 =	sadd.s32 $0x400, s2;
	s4 =	sadd.s32 s4, s19  }
0x400: {  	[hbm4b:s4+s3] =	stream.linear.scatter [tilespmem:s0], [sflag:$0x3], $0x300, $0x38;
	[tilespmem:$0x1DD00] =	vst v63  }
0x401: {  	_ =	swait.ge [sflag:s25], $0x4E00  }
0x402: {  	[sflag:s25] =	ssyncset.done $0x0  }
0x403: {  	[sflag:s25] =	ssyncadd.s32 $0xFFFFB200  }
0x404: {  	_ =	swait.ge [sflag:s25], $0x4E00  }
0x405: {  	s1 =	rddreg [dreg:$0x14]  }
0x406: {  	s31 =	rddreg [dreg:$0x13];
	s1 =	sadd.s32 $0x1, s1  }
0x407: {  	p0 =	sne.s32 s1, s31  }
.Ltmp12:
0x408: {  	_ = 	snop;
	(pc) =	sbr.rel @p0 .LBB2_1-.Ltmp12, $3  }
0x409: {  	_ =	sdelay $0x1  }
0x40a: {  	[sflag:s25] =	ssyncset.done $0x0  }
0x40b: {  	[sflag:s25] =	ssyncadd.s32 $0xFFFFB200  }
0x40c: {  	_ =	sfence.sel $0x180000  }
0x40d: {  	[bflag:$0x0] =	sbarrier.arrive $0xFFFF  }
0x40e: {  	_ =	strace $0x90000047  }
0x40f: {  	s0 =	stileid.u32;
	[bflag:$0x2] =	sbarrier.arrive $0xFFFF  }
0x410: {  	p0 =	sne.s32 s0, $0x0;
	s0 =	rddreg [dreg:$0x3]  }
0x411: {  	s0 =	sadd.s32 @!p0 $0x100000, s0  }
0x412: {  	[sflag:s0] =	ssyncadd.tile.s32 @!p0 $0x1;
	_ =	shalt  }
.Lfunc_end2:
_tile_overlayer_lowered:
.L_overlay_start_2:
0x413: {  	(tag) =	ssettag $0x2  }
0x414: {  	s0 =	rddreg [dreg:$0x0];
	s2 =	stileid.u32  }
0x415: {  	s1 =	rddreg [dreg:$0x1];
	p0 =	sne.s32 s2, $0x0  }
0x416: {  	s3 =	rddreg [dreg:$0x2];
	[bflag:$0x3] =	sbarrier.arrive $0xFFFF;
	s2 =	simm.s32 @!p0 $0x1C04  }
0x417: {  	[timem:s3], [sflag:s2] =	dma.local @!p0 [hbm:s0], s1  }
0x418: {  	s0 =	simm.s32 @!p0 $0x4  }
0x419: {  	_ =	swait.ge @!p0 [sflag:s0], s1  }
0x41a: {  	s1 =	ssub.s32 @!p0 $0x0, s1;
	[sflag:s0] =	ssyncset.done @!p0 $0x0  }
0x41b: {  	[sflag:s0] =	ssyncadd.s32 @!p0 s1  }
0x41c: {  	[bflag:$0x3] =	sbarrier.arrive $0xFFFF  }
0x41d: {  	_ =	shalt  }

</sc_bundles>
